<compile_context>
chip_gen: v7x
topology: tpu7x:2x2x1
jax: 0.10.2.dev20260603
libtpu: 0.0.44.dev20260713+nightly
codegen_flags: <defaults>
</compile_context>

<pallas_src>
import functools
import math

import jax
import jax.numpy as jnp
from jax import lax
from jax.experimental import pallas as pl
from jax.experimental.pallas import tpu as pltpu
from jax.experimental.pallas import tpu_sc as plsc

_R = 128
_K = 2
_CHUNK = _R * _K
_NBUF = 5
_P = 4


@functools.cache
def _make_gather(n_rows: int, d: int):
    info = plsc.get_sparse_core_info()
    nc, ns, nl = info.num_cores, info.num_subcores, info.num_lanes
    nw = nc * ns
    assert d % nl == 0
    per_w = n_rows // nw
    assert per_w * nw == n_rows
    groups = per_w // _CHUNK
    per_w_ir = per_w // _R
    assert groups * _CHUNK == per_w
    assert groups % _NBUF == 0 and groups >= 2 * _NBUF
    mesh = plsc.VectorSubcoreMesh(core_axis_name="c", subcore_axis_name="s")

    @functools.partial(
        pl.kernel,
        mesh=mesh,
        out_type=jax.ShapeDtypeStruct((n_rows, d), jnp.float32),
        scratch_types=[
            pltpu.VMEM((_NBUF, _K, _R), jnp.int32),
            pltpu.VMEM((_NBUF, _CHUNK, d), jnp.float32),
        ]
        + [pltpu.SemaphoreType.DMA] * (3 * _NBUF),
        compiler_params=pltpu.CompilerParams(use_tc_tiling_on_sc=False),
    )
    def gather_kernel(table_hbm, idx_hbm, out_hbm, idx_v, rows_v, *sems):
        gsem = sems[:_NBUF]
        osem = sems[_NBUF : 2 * _NBUF]
        isem = sems[2 * _NBUF :]
        wid = lax.axis_index("s") * nc + lax.axis_index("c")
        w_ir = wid * per_w_ir
        w_row = wid * per_w

        def fire_idx(c, s):
            pltpu.async_copy(
                idx_hbm.at[pl.ds(w_ir + c * _K, _K)], idx_v.at[s], isem[s])

        def wait_idx(s):
            pltpu.make_async_copy(
                idx_hbm.at[pl.ds(0, _K)], idx_v.at[s], isem[s]).wait()

        def fire_gather(c, s):
            for j in range(_K):
                pltpu.async_copy(
                    table_hbm.at[idx_v.at[s, j]],
                    rows_v.at[s, pl.ds(j * _R, _R)],
                    gsem[s])

        def wait_gather(s):
            pltpu.make_async_copy(
                table_hbm.at[pl.ds(0, _CHUNK)], rows_v.at[s], gsem[s]).wait()

        def fire_out(c, s):
            pltpu.async_copy(
                rows_v.at[s], out_hbm.at[pl.ds(w_row + c * _CHUNK, _CHUNK)],
                osem[s])

        def wait_out(s):
            pltpu.make_async_copy(
                out_hbm.at[pl.ds(0, _CHUNK)], rows_v.at[s], osem[s]).wait()

        def step(t, s, do_outwait, do_prefetch, do_idxfire):
            wait_gather(s)
            fire_out(t, s)
            if do_prefetch:
                ps = (s + _P) % _NBUF
                wait_idx(ps)
                if do_outwait:
                    wait_out(ps)
                fire_gather(t + _P, ps)
                if do_idxfire:
                    fire_idx(t + _P + 1, (s + _P + 1) % _NBUF)

        for c in range(_P):
            pltpu.sync_copy(idx_hbm.at[pl.ds(w_ir + c * _K, _K)], idx_v.at[c])
            fire_gather(c, c)
        fire_idx(_P, _P)

        for s in range(_NBUF):
            step(s, s, s >= _NBUF - _P, s + _P < groups, s + _P + 1 < groups)

        def block(b, carry):
            for s in range(_NBUF):
                step(b * _NBUF + s, s, True, True, True)
            return carry

        lax.fori_loop(1, groups // _NBUF - 1, block, 0)

        for s in range(_NBUF):
            t = groups - _NBUF + s
            step(t, s, True, t + _P < groups, t + _P + 1 < groups)

        for s in range(_NBUF):
            wait_out(s)

    return gather_kernel


def kernel(tokens, table):
    b, h = tokens.shape
    vocab, d = table.shape
    n_rows = b * h
    padded = jnp.pad(table * math.sqrt(d), ((0, 0), (0, d)))
    src = padded.reshape(2 * vocab, d)
    idx2d = (tokens * 2).reshape(n_rows // _R, _R)
    out = _make_gather(n_rows, d)(src, idx2d)
    return out.reshape(b, h, d)

# --- scband reference (transcript-rebuilt; emitter-appended) ---
"""Pipeline reference for scband-token-embedding-19533511262536 (READ-ONLY COPY).

The authoritative reference and input builder live on the scoring server;
editing this copy changes nothing except your own understanding.
"""

import jax, jax.numpy as jnp
import numpy as np
import math

VOCAB = 1000000
EMBED_DIM = 64
BATCH = 16384
HIST = 200

def setup_inputs(seed: int = 0) -> dict:
    key = jax.random.key(seed)
    k1, k2 = jax.random.split(key)
    tokens = jax.random.randint(k1, (BATCH, HIST), 0, VOCAB, dtype=jnp.int64 if jax.config.jax_enable_x64 else jnp.int32).astype(jnp.int32)
    table = jax.random.normal(k2, (VOCAB, EMBED_DIM), dtype=jnp.float32)
    return {"tokens": tokens, "table": table}

def reference(tokens, table):
    # Faithful translation of TokenEmbedding.forward:
    #   math.sqrt(embed_dim) * embedding(tokens)
    embed_dim = table.shape[1]
    emb = jnp.take(table, tokens, axis=0)
    return math.sqrt(embed_dim) * emb

if __name__ == "__main__":
    import jax
    _d = setup_inputs()
    print(jax.jit(kernel)(*tuple(_d.values())))

</pallas_src>

<mosaic_0001>
#map = affine_map<(d0, d1) -> (0, 0)>
module attributes {stable_mosaic.version = 14 : i64} {
  func.func @gather_kernel(%arg0: i32, %arg1: i32, %arg2: memref<2000000x64xf32, #tpu.memory_space<hbm>>, %arg3: memref<25600x128xi32, #tpu.memory_space<hbm>>, %arg4: memref<3276800x64xf32, #tpu.memory_space<hbm>>, %arg5: memref<5x2x128xi32, #tpu.memory_space<vmem>>, %arg6: memref<5x256x64xf32, #tpu.memory_space<vmem>>, %arg7: memref<!tpu.dma_semaphore, #tpu.memory_space<semaphore_mem>>, %arg8: memref<!tpu.dma_semaphore, #tpu.memory_space<semaphore_mem>>, %arg9: memref<!tpu.dma_semaphore, #tpu.memory_space<semaphore_mem>>, %arg10: memref<!tpu.dma_semaphore, #tpu.memory_space<semaphore_mem>>, %arg11: memref<!tpu.dma_semaphore, #tpu.memory_space<semaphore_mem>>, %arg12: memref<!tpu.dma_semaphore, #tpu.memory_space<semaphore_mem>>, %arg13: memref<!tpu.dma_semaphore, #tpu.memory_space<semaphore_mem>>, %arg14: memref<!tpu.dma_semaphore, #tpu.memory_space<semaphore_mem>>, %arg15: memref<!tpu.dma_semaphore, #tpu.memory_space<semaphore_mem>>, %arg16: memref<!tpu.dma_semaphore, #tpu.memory_space<semaphore_mem>>, %arg17: memref<!tpu.dma_semaphore, #tpu.memory_space<semaphore_mem>>, %arg18: memref<!tpu.dma_semaphore, #tpu.memory_space<semaphore_mem>>, %arg19: memref<!tpu.dma_semaphore, #tpu.memory_space<semaphore_mem>>, %arg20: memref<!tpu.dma_semaphore, #tpu.memory_space<semaphore_mem>>, %arg21: memref<!tpu.dma_semaphore, #tpu.memory_space<semaphore_mem>>) attributes {dimension_semantics = [#tpu.dimension_semantics<core_parallel>, #tpu.dimension_semantics<subcore_parallel>], iteration_bounds = array<i64: 2, 16>, scalar_prefetch = 0 : i64, scratch_operands = 17 : i64, tpu.core_type = #tpu.core_type<sc_vector_subcore>, window_params = [{transform_indices = #map}, {transform_indices = #map}, {transform_indices = #map}]} {
    %mul3A = arith.constant 2 : i32
    %mul3A_0 = arith.muli %arg1, %mul3A : i32
    %add3A = arith.addi %mul3A_0, %arg0 : i32
    %mul3A_1 = arith.constant 800 : i32
    %mul3A_2 = arith.muli %add3A, %mul3A_1 : i32
    %mul3A_3 = arith.constant 102400 : i32
    %mul3A_4 = arith.muli %add3A, %mul3A_3 : i32
    %add3A_5 = arith.constant 0 : i32
    %add3A_6 = arith.addi %mul3A_2, %add3A_5 : i32
    %run_scoped3A = arith.constant 0 : i32
    "tpu.region"() ({
      %run_scoped3A_909 = tpu.sem_alloc : memref<!tpu.dma_semaphore, #tpu.memory_space<semaphore_mem>>
      %dma_start3A_910 = arith.constant 0 : i32
      %dma_start3A_911 = arith.constant 0 : i32
      %dma_start3A_912 = tpu.memref_slice %arg5[%run_scoped3A, %dma_start3A_910, %dma_start3A_911] : memref<5x2x128xi32, #tpu.memory_space<vmem>> -> memref<1x2x128xi32, #tpu.memory_space<vmem>>
      %dma_start3A_913 = tpu.memref_squeeze %dma_start3A_912 : memref<1x2x128xi32, #tpu.memory_space<vmem>> -> memref<2x128xi32, #tpu.memory_space<vmem>>
      %dma_start3A_914 = arith.constant 0 : i32
      %dma_start3A_915 = tpu.memref_slice %arg3[%add3A_6, %dma_start3A_914] : memref<25600x128xi32, #tpu.memory_space<hbm>> -> memref<2x128xi32, #tpu.memory_space<hbm>>
      %dma_start3A_916 = arith.constant 0 : i32
      %dma_start3A_917 = arith.constant 0 : i32
      %dma_start3A_918 = tpu.memref_slice %arg5[%run_scoped3A, %dma_start3A_916, %dma_start3A_917] : memref<5x2x128xi32, #tpu.memory_space<vmem>> -> memref<1x2x128xi32, #tpu.memory_space<vmem>>
      %dma_start3A_919 = tpu.memref_squeeze %dma_start3A_918 : memref<1x2x128xi32, #tpu.memory_space<vmem>> -> memref<2x128xi32, #tpu.memory_space<vmem>>
      %dma_start3A_920 = arith.constant 0 : i32
      %dma_start3A_921 = tpu.memref_slice %arg3[%add3A_6, %dma_start3A_920] : memref<25600x128xi32, #tpu.memory_space<hbm>> -> memref<2x128xi32, #tpu.memory_space<hbm>>
      tpu.enqueue_dma source(%dma_start3A_921 : memref<2x128xi32, #tpu.memory_space<hbm>>) target(%dma_start3A_919 : memref<2x128xi32, #tpu.memory_space<vmem>>) target_semaphore(%run_scoped3A_909 : memref<!tpu.dma_semaphore, #tpu.memory_space<semaphore_mem>>)
      %dma_wait3A_922 = arith.constant 0 : i32
      %dma_wait3A_923 = arith.constant 0 : i32
      %dma_wait3A_924 = tpu.memref_slice %arg5[%run_scoped3A, %dma_wait3A_922, %dma_wait3A_923] : memref<5x2x128xi32, #tpu.memory_space<vmem>> -> memref<1x2x128xi32, #tpu.memory_space<vmem>>
      %dma_wait3A_925 = tpu.memref_squeeze %dma_wait3A_924 : memref<1x2x128xi32, #tpu.memory_space<vmem>> -> memref<2x128xi32, #tpu.memory_space<vmem>>
      %dma_wait3A_926 = arith.constant 0 : i32
      %dma_wait3A_927 = tpu.memref_slice %arg3[%add3A_6, %dma_wait3A_926] : memref<25600x128xi32, #tpu.memory_space<hbm>> -> memref<2x128xi32, #tpu.memory_space<hbm>>
      %dma_wait3A_928 = arith.constant 0 : i32
      %dma_wait3A_929 = arith.constant 0 : i32
      %dma_wait3A_930 = tpu.memref_slice %arg5[%run_scoped3A, %dma_wait3A_928, %dma_wait3A_929] : memref<5x2x128xi32, #tpu.memory_space<vmem>> -> memref<1x2x128xi32, #tpu.memory_space<vmem>>
      %dma_wait3A_931 = tpu.memref_squeeze %dma_wait3A_930 : memref<1x2x128xi32, #tpu.memory_space<vmem>> -> memref<2x128xi32, #tpu.memory_space<vmem>>
      %dma_wait3A_932 = arith.constant 0 : i32
      %dma_wait3A_933 = tpu.memref_slice %arg3[%add3A_6, %dma_wait3A_932] : memref<25600x128xi32, #tpu.memory_space<hbm>> -> memref<2x128xi32, #tpu.memory_space<hbm>>
      tpu.wait_dma2 semaphore(%run_scoped3A_909 : memref<!tpu.dma_semaphore, #tpu.memory_space<semaphore_mem>>) src(%dma_wait3A_933 : memref<2x128xi32, #tpu.memory_space<hbm>>) dst(%dma_wait3A_931 : memref<2x128xi32, #tpu.memory_space<vmem>>)
      tpu.yield
    }) : () -> ()
    %dma_start3A = arith.constant 0 : i32
    %dma_start3A_7 = arith.constant 0 : i32
    %dma_start3A_8 = arith.constant 0 : i32
    %dma_start3A_9 = arith.constant 0 : i32
    %dma_start3A_10 = arith.constant 0 : i32
    %dma_start3A_11 = tpu.memref_slice %arg6[%dma_start3A_8, %dma_start3A_9, %dma_start3A_10] : memref<5x256x64xf32, #tpu.memory_space<vmem>> -> memref<1x128x64xf32, #tpu.memory_space<vmem>>
    %dma_start3A_12 = tpu.memref_squeeze %dma_start3A_11 : memref<1x128x64xf32, #tpu.memory_space<vmem>> -> memref<128x64xf32, #tpu.memory_space<vmem>>
    %dma_start3A_13 = arith.constant 0 : i32
    %dma_start3A_14 = tpu.memref_slice %arg5[%dma_start3A, %dma_start3A_7, %dma_start3A_13] : memref<5x2x128xi32, #tpu.memory_space<vmem>> -> memref<1x1x128xi32, #tpu.memory_space<vmem>>
    %dma_start3A_15 = tpu.memref_squeeze %dma_start3A_14 : memref<1x1x128xi32, #tpu.memory_space<vmem>> -> memref<128xi32, #tpu.memory_space<vmem>>
    %dma_start3A_16 = arith.constant 0 : i32
    %dma_start3A_17 = arith.constant 0 : i32
    %dma_start3A_18 = tpu.memref_slice %arg2[%dma_start3A_16, %dma_start3A_17] : memref<2000000x64xf32, #tpu.memory_space<hbm>> -> memref<2000000x64xf32, #tpu.memory_space<hbm>>
    tpu.enqueue_indirect_dma source(%dma_start3A_18 : memref<2000000x64xf32, #tpu.memory_space<hbm>>) target(%dma_start3A_12 : memref<128x64xf32, #tpu.memory_space<vmem>>) offsets(%dma_start3A_15 : memref<128xi32, #tpu.memory_space<vmem>>) semaphore(%arg7 : memref<!tpu.dma_semaphore, #tpu.memory_space<semaphore_mem>>)
    %dma_start3A_19 = arith.constant 0 : i32
    %dma_start3A_20 = arith.constant 1 : i32
    %dma_start3A_21 = arith.constant 0 : i32
    %dma_start3A_22 = arith.constant 128 : i32
    %dma_start3A_23 = arith.constant 0 : i32
    %dma_start3A_24 = tpu.memref_slice %arg6[%dma_start3A_21, %dma_start3A_22, %dma_start3A_23] : memref<5x256x64xf32, #tpu.memory_space<vmem>> -> memref<1x128x64xf32, #tpu.memory_space<vmem>>
    %dma_start3A_25 = tpu.memref_squeeze %dma_start3A_24 : memref<1x128x64xf32, #tpu.memory_space<vmem>> -> memref<128x64xf32, #tpu.memory_space<vmem>>
    %dma_start3A_26 = arith.constant 0 : i32
    %dma_start3A_27 = tpu.memref_slice %arg5[%dma_start3A_19, %dma_start3A_20, %dma_start3A_26] : memref<5x2x128xi32, #tpu.memory_space<vmem>> -> memref<1x1x128xi32, #tpu.memory_space<vmem>>
    %dma_start3A_28 = tpu.memref_squeeze %dma_start3A_27 : memref<1x1x128xi32, #tpu.memory_space<vmem>> -> memref<128xi32, #tpu.memory_space<vmem>>
    %dma_start3A_29 = arith.constant 0 : i32
    %dma_start3A_30 = arith.constant 0 : i32
    %dma_start3A_31 = tpu.memref_slice %arg2[%dma_start3A_29, %dma_start3A_30] : memref<2000000x64xf32, #tpu.memory_space<hbm>> -> memref<2000000x64xf32, #tpu.memory_space<hbm>>
    tpu.enqueue_indirect_dma source(%dma_start3A_31 : memref<2000000x64xf32, #tpu.memory_space<hbm>>) target(%dma_start3A_25 : memref<128x64xf32, #tpu.memory_space<vmem>>) offsets(%dma_start3A_28 : memref<128xi32, #tpu.memory_space<vmem>>) semaphore(%arg7 : memref<!tpu.dma_semaphore, #tpu.memory_space<semaphore_mem>>)
    %add3A_32 = arith.constant 2 : i32
    %add3A_33 = arith.addi %mul3A_2, %add3A_32 : i32
    %run_scoped3A_34 = arith.constant 1 : i32
    "tpu.region"() ({
      %run_scoped3A_909 = tpu.sem_alloc : memref<!tpu.dma_semaphore, #tpu.memory_space<semaphore_mem>>
      %dma_start3A_910 = arith.constant 0 : i32
      %dma_start3A_911 = arith.constant 0 : i32
      %dma_start3A_912 = tpu.memref_slice %arg5[%run_scoped3A_34, %dma_start3A_910, %dma_start3A_911] : memref<5x2x128xi32, #tpu.memory_space<vmem>> -> memref<1x2x128xi32, #tpu.memory_space<vmem>>
      %dma_start3A_913 = tpu.memref_squeeze %dma_start3A_912 : memref<1x2x128xi32, #tpu.memory_space<vmem>> -> memref<2x128xi32, #tpu.memory_space<vmem>>
      %dma_start3A_914 = arith.constant 0 : i32
      %dma_start3A_915 = tpu.memref_slice %arg3[%add3A_33, %dma_start3A_914] : memref<25600x128xi32, #tpu.memory_space<hbm>> -> memref<2x128xi32, #tpu.memory_space<hbm>>
      %dma_start3A_916 = arith.constant 0 : i32
      %dma_start3A_917 = arith.constant 0 : i32
      %dma_start3A_918 = tpu.memref_slice %arg5[%run_scoped3A_34, %dma_start3A_916, %dma_start3A_917] : memref<5x2x128xi32, #tpu.memory_space<vmem>> -> memref<1x2x128xi32, #tpu.memory_space<vmem>>
      %dma_start3A_919 = tpu.memref_squeeze %dma_start3A_918 : memref<1x2x128xi32, #tpu.memory_space<vmem>> -> memref<2x128xi32, #tpu.memory_space<vmem>>
      %dma_start3A_920 = arith.constant 0 : i32
      %dma_start3A_921 = tpu.memref_slice %arg3[%add3A_33, %dma_start3A_920] : memref<25600x128xi32, #tpu.memory_space<hbm>> -> memref<2x128xi32, #tpu.memory_space<hbm>>
      tpu.enqueue_dma source(%dma_start3A_921 : memref<2x128xi32, #tpu.memory_space<hbm>>) target(%dma_start3A_919 : memref<2x128xi32, #tpu.memory_space<vmem>>) target_semaphore(%run_scoped3A_909 : memref<!tpu.dma_semaphore, #tpu.memory_space<semaphore_mem>>)
      %dma_wait3A_922 = arith.constant 0 : i32
      %dma_wait3A_923 = arith.constant 0 : i32
      %dma_wait3A_924 = tpu.memref_slice %arg5[%run_scoped3A_34, %dma_wait3A_922, %dma_wait3A_923] : memref<5x2x128xi32, #tpu.memory_space<vmem>> -> memref<1x2x128xi32, #tpu.memory_space<vmem>>
      %dma_wait3A_925 = tpu.memref_squeeze %dma_wait3A_924 : memref<1x2x128xi32, #tpu.memory_space<vmem>> -> memref<2x128xi32, #tpu.memory_space<vmem>>
      %dma_wait3A_926 = arith.constant 0 : i32
      %dma_wait3A_927 = tpu.memref_slice %arg3[%add3A_33, %dma_wait3A_926] : memref<25600x128xi32, #tpu.memory_space<hbm>> -> memref<2x128xi32, #tpu.memory_space<hbm>>
      %dma_wait3A_928 = arith.constant 0 : i32
      %dma_wait3A_929 = arith.constant 0 : i32
      %dma_wait3A_930 = tpu.memref_slice %arg5[%run_scoped3A_34, %dma_wait3A_928, %dma_wait3A_929] : memref<5x2x128xi32, #tpu.memory_space<vmem>> -> memref<1x2x128xi32, #tpu.memory_space<vmem>>
      %dma_wait3A_931 = tpu.memref_squeeze %dma_wait3A_930 : memref<1x2x128xi32, #tpu.memory_space<vmem>> -> memref<2x128xi32, #tpu.memory_space<vmem>>
      %dma_wait3A_932 = arith.constant 0 : i32
      %dma_wait3A_933 = tpu.memref_slice %arg3[%add3A_33, %dma_wait3A_932] : memref<25600x128xi32, #tpu.memory_space<hbm>> -> memref<2x128xi32, #tpu.memory_space<hbm>>
      tpu.wait_dma2 semaphore(%run_scoped3A_909 : memref<!tpu.dma_semaphore, #tpu.memory_space<semaphore_mem>>) src(%dma_wait3A_933 : memref<2x128xi32, #tpu.memory_space<hbm>>) dst(%dma_wait3A_931 : memref<2x128xi32, #tpu.memory_space<vmem>>)
      tpu.yield
    }) : () -> ()
    %dma_start3A_35 = arith.constant 1 : i32
    %dma_start3A_36 = arith.constant 0 : i32
    %dma_start3A_37 = arith.constant 1 : i32
    %dma_start3A_38 = arith.constant 0 : i32
    %dma_start3A_39 = arith.constant 0 : i32
    %dma_start3A_40 = tpu.memref_slice %arg6[%dma_start3A_37, %dma_start3A_38, %dma_start3A_39] : memref<5x256x64xf32, #tpu.memory_space<vmem>> -> memref<1x128x64xf32, #tpu.memory_space<vmem>>
    %dma_start3A_41 = tpu.memref_squeeze %dma_start3A_40 : memref<1x128x64xf32, #tpu.memory_space<vmem>> -> memref<128x64xf32, #tpu.memory_space<vmem>>
    %dma_start3A_42 = arith.constant 0 : i32
    %dma_start3A_43 = tpu.memref_slice %arg5[%dma_start3A_35, %dma_start3A_36, %dma_start3A_42] : memref<5x2x128xi32, #tpu.memory_space<vmem>> -> memref<1x1x128xi32, #tpu.memory_space<vmem>>
    %dma_start3A_44 = tpu.memref_squeeze %dma_start3A_43 : memref<1x1x128xi32, #tpu.memory_space<vmem>> -> memref<128xi32, #tpu.memory_space<vmem>>
    %dma_start3A_45 = arith.constant 0 : i32
    %dma_start3A_46 = arith.constant 0 : i32
    %dma_start3A_47 = tpu.memref_slice %arg2[%dma_start3A_45, %dma_start3A_46] : memref<2000000x64xf32, #tpu.memory_space<hbm>> -> memref<2000000x64xf32, #tpu.memory_space<hbm>>
    tpu.enqueue_indirect_dma source(%dma_start3A_47 : memref<2000000x64xf32, #tpu.memory_space<hbm>>) target(%dma_start3A_41 : memref<128x64xf32, #tpu.memory_space<vmem>>) offsets(%dma_start3A_44 : memref<128xi32, #tpu.memory_space<vmem>>) semaphore(%arg8 : memref<!tpu.dma_semaphore, #tpu.memory_space<semaphore_mem>>)
    %dma_start3A_48 = arith.constant 1 : i32
    %dma_start3A_49 = arith.constant 1 : i32
    %dma_start3A_50 = arith.constant 1 : i32
    %dma_start3A_51 = arith.constant 128 : i32
    %dma_start3A_52 = arith.constant 0 : i32
    %dma_start3A_53 = tpu.memref_slice %arg6[%dma_start3A_50, %dma_start3A_51, %dma_start3A_52] : memref<5x256x64xf32, #tpu.memory_space<vmem>> -> memref<1x128x64xf32, #tpu.memory_space<vmem>>
    %dma_start3A_54 = tpu.memref_squeeze %dma_start3A_53 : memref<1x128x64xf32, #tpu.memory_space<vmem>> -> memref<128x64xf32, #tpu.memory_space<vmem>>
    %dma_start3A_55 = arith.constant 0 : i32
    %dma_start3A_56 = tpu.memref_slice %arg5[%dma_start3A_48, %dma_start3A_49, %dma_start3A_55] : memref<5x2x128xi32, #tpu.memory_space<vmem>> -> memref<1x1x128xi32, #tpu.memory_space<vmem>>
    %dma_start3A_57 = tpu.memref_squeeze %dma_start3A_56 : memref<1x1x128xi32, #tpu.memory_space<vmem>> -> memref<128xi32, #tpu.memory_space<vmem>>
    %dma_start3A_58 = arith.constant 0 : i32
    %dma_start3A_59 = arith.constant 0 : i32
    %dma_start3A_60 = tpu.memref_slice %arg2[%dma_start3A_58, %dma_start3A_59] : memref<2000000x64xf32, #tpu.memory_space<hbm>> -> memref<2000000x64xf32, #tpu.memory_space<hbm>>
    tpu.enqueue_indirect_dma source(%dma_start3A_60 : memref<2000000x64xf32, #tpu.memory_space<hbm>>) target(%dma_start3A_54 : memref<128x64xf32, #tpu.memory_space<vmem>>) offsets(%dma_start3A_57 : memref<128xi32, #tpu.memory_space<vmem>>) semaphore(%arg8 : memref<!tpu.dma_semaphore, #tpu.memory_space<semaphore_mem>>)
    %add3A_61 = arith.constant 4 : i32
    %add3A_62 = arith.addi %mul3A_2, %add3A_61 : i32
    %run_scoped3A_63 = arith.constant 2 : i32
    "tpu.region"() ({
      %run_scoped3A_909 = tpu.sem_alloc : memref<!tpu.dma_semaphore, #tpu.memory_space<semaphore_mem>>
      %dma_start3A_910 = arith.constant 0 : i32
      %dma_start3A_911 = arith.constant 0 : i32
      %dma_start3A_912 = tpu.memref_slice %arg5[%run_scoped3A_63, %dma_start3A_910, %dma_start3A_911] : memref<5x2x128xi32, #tpu.memory_space<vmem>> -> memref<1x2x128xi32, #tpu.memory_space<vmem>>
      %dma_start3A_913 = tpu.memref_squeeze %dma_start3A_912 : memref<1x2x128xi32, #tpu.memory_space<vmem>> -> memref<2x128xi32, #tpu.memory_space<vmem>>
      %dma_start3A_914 = arith.constant 0 : i32
      %dma_start3A_915 = tpu.memref_slice %arg3[%add3A_62, %dma_start3A_914] : memref<25600x128xi32, #tpu.memory_space<hbm>> -> memref<2x128xi32, #tpu.memory_space<hbm>>
      %dma_start3A_916 = arith.constant 0 : i32
      %dma_start3A_917 = arith.constant 0 : i32
      %dma_start3A_918 = tpu.memref_slice %arg5[%run_scoped3A_63, %dma_start3A_916, %dma_start3A_917] : memref<5x2x128xi32, #tpu.memory_space<vmem>> -> memref<1x2x128xi32, #tpu.memory_space<vmem>>
      %dma_start3A_919 = tpu.memref_squeeze %dma_start3A_918 : memref<1x2x128xi32, #tpu.memory_space<vmem>> -> memref<2x128xi32, #tpu.memory_space<vmem>>
      %dma_start3A_920 = arith.constant 0 : i32
      %dma_start3A_921 = tpu.memref_slice %arg3[%add3A_62, %dma_start3A_920] : memref<25600x128xi32, #tpu.memory_space<hbm>> -> memref<2x128xi32, #tpu.memory_space<hbm>>
      tpu.enqueue_dma source(%dma_start3A_921 : memref<2x128xi32, #tpu.memory_space<hbm>>) target(%dma_start3A_919 : memref<2x128xi32, #tpu.memory_space<vmem>>) target_semaphore(%run_scoped3A_909 : memref<!tpu.dma_semaphore, #tpu.memory_space<semaphore_mem>>)
      %dma_wait3A_922 = arith.constant 0 : i32
      %dma_wait3A_923 = arith.constant 0 : i32
      %dma_wait3A_924 = tpu.memref_slice %arg5[%run_scoped3A_63, %dma_wait3A_922, %dma_wait3A_923] : memref<5x2x128xi32, #tpu.memory_space<vmem>> -> memref<1x2x128xi32, #tpu.memory_space<vmem>>
      %dma_wait3A_925 = tpu.memref_squeeze %dma_wait3A_924 : memref<1x2x128xi32, #tpu.memory_space<vmem>> -> memref<2x128xi32, #tpu.memory_space<vmem>>
      %dma_wait3A_926 = arith.constant 0 : i32
      %dma_wait3A_927 = tpu.memref_slice %arg3[%add3A_62, %dma_wait3A_926] : memref<25600x128xi32, #tpu.memory_space<hbm>> -> memref<2x128xi32, #tpu.memory_space<hbm>>
      %dma_wait3A_928 = arith.constant 0 : i32
      %dma_wait3A_929 = arith.constant 0 : i32
      %dma_wait3A_930 = tpu.memref_slice %arg5[%run_scoped3A_63, %dma_wait3A_928, %dma_wait3A_929] : memref<5x2x128xi32, #tpu.memory_space<vmem>> -> memref<1x2x128xi32, #tpu.memory_space<vmem>>
      %dma_wait3A_931 = tpu.memref_squeeze %dma_wait3A_930 : memref<1x2x128xi32, #tpu.memory_space<vmem>> -> memref<2x128xi32, #tpu.memory_space<vmem>>
      %dma_wait3A_932 = arith.constant 0 : i32
      %dma_wait3A_933 = tpu.memref_slice %arg3[%add3A_62, %dma_wait3A_932] : memref<25600x128xi32, #tpu.memory_space<hbm>> -> memref<2x128xi32, #tpu.memory_space<hbm>>
      tpu.wait_dma2 semaphore(%run_scoped3A_909 : memref<!tpu.dma_semaphore, #tpu.memory_space<semaphore_mem>>) src(%dma_wait3A_933 : memref<2x128xi32, #tpu.memory_space<hbm>>) dst(%dma_wait3A_931 : memref<2x128xi32, #tpu.memory_space<vmem>>)
      tpu.yield
    }) : () -> ()
    %dma_start3A_64 = arith.constant 2 : i32
    %dma_start3A_65 = arith.constant 0 : i32
    %dma_start3A_66 = arith.constant 2 : i32
    %dma_start3A_67 = arith.constant 0 : i32
    %dma_start3A_68 = arith.constant 0 : i32
    %dma_start3A_69 = tpu.memref_slice %arg6[%dma_start3A_66, %dma_start3A_67, %dma_start3A_68] : memref<5x256x64xf32, #tpu.memory_space<vmem>> -> memref<1x128x64xf32, #tpu.memory_space<vmem>>
    %dma_start3A_70 = tpu.memref_squeeze %dma_start3A_69 : memref<1x128x64xf32, #tpu.memory_space<vmem>> -> memref<128x64xf32, #tpu.memory_space<vmem>>
    %dma_start3A_71 = arith.constant 0 : i32
    %dma_start3A_72 = tpu.memref_slice %arg5[%dma_start3A_64, %dma_start3A_65, %dma_start3A_71] : memref<5x2x128xi32, #tpu.memory_space<vmem>> -> memref<1x1x128xi32, #tpu.memory_space<vmem>>
    %dma_start3A_73 = tpu.memref_squeeze %dma_start3A_72 : memref<1x1x128xi32, #tpu.memory_space<vmem>> -> memref<128xi32, #tpu.memory_space<vmem>>
    %dma_start3A_74 = arith.constant 0 : i32
    %dma_start3A_75 = arith.constant 0 : i32
    %dma_start3A_76 = tpu.memref_slice %arg2[%dma_start3A_74, %dma_start3A_75] : memref<2000000x64xf32, #tpu.memory_space<hbm>> -> memref<2000000x64xf32, #tpu.memory_space<hbm>>
    tpu.enqueue_indirect_dma source(%dma_start3A_76 : memref<2000000x64xf32, #tpu.memory_space<hbm>>) target(%dma_start3A_70 : memref<128x64xf32, #tpu.memory_space<vmem>>) offsets(%dma_start3A_73 : memref<128xi32, #tpu.memory_space<vmem>>) semaphore(%arg9 : memref<!tpu.dma_semaphore, #tpu.memory_space<semaphore_mem>>)
    %dma_start3A_77 = arith.constant 2 : i32
    %dma_start3A_78 = arith.constant 1 : i32
    %dma_start3A_79 = arith.constant 2 : i32
    %dma_start3A_80 = arith.constant 128 : i32
    %dma_start3A_81 = arith.constant 0 : i32
    %dma_start3A_82 = tpu.memref_slice %arg6[%dma_start3A_79, %dma_start3A_80, %dma_start3A_81] : memref<5x256x64xf32, #tpu.memory_space<vmem>> -> memref<1x128x64xf32, #tpu.memory_space<vmem>>
    %dma_start3A_83 = tpu.memref_squeeze %dma_start3A_82 : memref<1x128x64xf32, #tpu.memory_space<vmem>> -> memref<128x64xf32, #tpu.memory_space<vmem>>
    %dma_start3A_84 = arith.constant 0 : i32
    %dma_start3A_85 = tpu.memref_slice %arg5[%dma_start3A_77, %dma_start3A_78, %dma_start3A_84] : memref<5x2x128xi32, #tpu.memory_space<vmem>> -> memref<1x1x128xi32, #tpu.memory_space<vmem>>
    %dma_start3A_86 = tpu.memref_squeeze %dma_start3A_85 : memref<1x1x128xi32, #tpu.memory_space<vmem>> -> memref<128xi32, #tpu.memory_space<vmem>>
    %dma_start3A_87 = arith.constant 0 : i32
    %dma_start3A_88 = arith.constant 0 : i32
    %dma_start3A_89 = tpu.memref_slice %arg2[%dma_start3A_87, %dma_start3A_88] : memref<2000000x64xf32, #tpu.memory_space<hbm>> -> memref<2000000x64xf32, #tpu.memory_space<hbm>>
    tpu.enqueue_indirect_dma source(%dma_start3A_89 : memref<2000000x64xf32, #tpu.memory_space<hbm>>) target(%dma_start3A_83 : memref<128x64xf32, #tpu.memory_space<vmem>>) offsets(%dma_start3A_86 : memref<128xi32, #tpu.memory_space<vmem>>) semaphore(%arg9 : memref<!tpu.dma_semaphore, #tpu.memory_space<semaphore_mem>>)
    %add3A_90 = arith.constant 6 : i32
    %add3A_91 = arith.addi %mul3A_2, %add3A_90 : i32
    %run_scoped3A_92 = arith.constant 3 : i32
    "tpu.region"() ({
      %run_scoped3A_909 = tpu.sem_alloc : memref<!tpu.dma_semaphore, #tpu.memory_space<semaphore_mem>>
      %dma_start3A_910 = arith.constant 0 : i32
      %dma_start3A_911 = arith.constant 0 : i32
      %dma_start3A_912 = tpu.memref_slice %arg5[%run_scoped3A_92, %dma_start3A_910, %dma_start3A_911] : memref<5x2x128xi32, #tpu.memory_space<vmem>> -> memref<1x2x128xi32, #tpu.memory_space<vmem>>
      %dma_start3A_913 = tpu.memref_squeeze %dma_start3A_912 : memref<1x2x128xi32, #tpu.memory_space<vmem>> -> memref<2x128xi32, #tpu.memory_space<vmem>>
      %dma_start3A_914 = arith.constant 0 : i32
      %dma_start3A_915 = tpu.memref_slice %arg3[%add3A_91, %dma_start3A_914] : memref<25600x128xi32, #tpu.memory_space<hbm>> -> memref<2x128xi32, #tpu.memory_space<hbm>>
      %dma_start3A_916 = arith.constant 0 : i32
      %dma_start3A_917 = arith.constant 0 : i32
      %dma_start3A_918 = tpu.memref_slice %arg5[%run_scoped3A_92, %dma_start3A_916, %dma_start3A_917] : memref<5x2x128xi32, #tpu.memory_space<vmem>> -> memref<1x2x128xi32, #tpu.memory_space<vmem>>
      %dma_start3A_919 = tpu.memref_squeeze %dma_start3A_918 : memref<1x2x128xi32, #tpu.memory_space<vmem>> -> memref<2x128xi32, #tpu.memory_space<vmem>>
      %dma_start3A_920 = arith.constant 0 : i32
      %dma_start3A_921 = tpu.memref_slice %arg3[%add3A_91, %dma_start3A_920] : memref<25600x128xi32, #tpu.memory_space<hbm>> -> memref<2x128xi32, #tpu.memory_space<hbm>>
      tpu.enqueue_dma source(%dma_start3A_921 : memref<2x128xi32, #tpu.memory_space<hbm>>) target(%dma_start3A_919 : memref<2x128xi32, #tpu.memory_space<vmem>>) target_semaphore(%run_scoped3A_909 : memref<!tpu.dma_semaphore, #tpu.memory_space<semaphore_mem>>)
      %dma_wait3A_922 = arith.constant 0 : i32
      %dma_wait3A_923 = arith.constant 0 : i32
      %dma_wait3A_924 = tpu.memref_slice %arg5[%run_scoped3A_92, %dma_wait3A_922, %dma_wait3A_923] : memref<5x2x128xi32, #tpu.memory_space<vmem>> -> memref<1x2x128xi32, #tpu.memory_space<vmem>>
      %dma_wait3A_925 = tpu.memref_squeeze %dma_wait3A_924 : memref<1x2x128xi32, #tpu.memory_space<vmem>> -> memref<2x128xi32, #tpu.memory_space<vmem>>
      %dma_wait3A_926 = arith.constant 0 : i32
      %dma_wait3A_927 = tpu.memref_slice %arg3[%add3A_91, %dma_wait3A_926] : memref<25600x128xi32, #tpu.memory_space<hbm>> -> memref<2x128xi32, #tpu.memory_space<hbm>>
      %dma_wait3A_928 = arith.constant 0 : i32
      %dma_wait3A_929 = arith.constant 0 : i32
      %dma_wait3A_930 = tpu.memref_slice %arg5[%run_scoped3A_92, %dma_wait3A_928, %dma_wait3A_929] : memref<5x2x128xi32, #tpu.memory_space<vmem>> -> memref<1x2x128xi32, #tpu.memory_space<vmem>>
      %dma_wait3A_931 = tpu.memref_squeeze %dma_wait3A_930 : memref<1x2x128xi32, #tpu.memory_space<vmem>> -> memref<2x128xi32, #tpu.memory_space<vmem>>
      %dma_wait3A_932 = arith.constant 0 : i32
      %dma_wait3A_933 = tpu.memref_slice %arg3[%add3A_91, %dma_wait3A_932] : memref<25600x128xi32, #tpu.memory_space<hbm>> -> memref<2x128xi32, #tpu.memory_space<hbm>>
      tpu.wait_dma2 semaphore(%run_scoped3A_909 : memref<!tpu.dma_semaphore, #tpu.memory_space<semaphore_mem>>) src(%dma_wait3A_933 : memref<2x128xi32, #tpu.memory_space<hbm>>) dst(%dma_wait3A_931 : memref<2x128xi32, #tpu.memory_space<vmem>>)
      tpu.yield
    }) : () -> ()
    %dma_start3A_93 = arith.constant 3 : i32
    %dma_start3A_94 = arith.constant 0 : i32
    %dma_start3A_95 = arith.constant 3 : i32
    %dma_start3A_96 = arith.constant 0 : i32
    %dma_start3A_97 = arith.constant 0 : i32
    %dma_start3A_98 = tpu.memref_slice %arg6[%dma_start3A_95, %dma_start3A_96, %dma_start3A_97] : memref<5x256x64xf32, #tpu.memory_space<vmem>> -> memref<1x128x64xf32, #tpu.memory_space<vmem>>
    %dma_start3A_99 = tpu.memref_squeeze %dma_start3A_98 : memref<1x128x64xf32, #tpu.memory_space<vmem>> -> memref<128x64xf32, #tpu.memory_space<vmem>>
    %dma_start3A_100 = arith.constant 0 : i32
    %dma_start3A_101 = tpu.memref_slice %arg5[%dma_start3A_93, %dma_start3A_94, %dma_start3A_100] : memref<5x2x128xi32, #tpu.memory_space<vmem>> -> memref<1x1x128xi32, #tpu.memory_space<vmem>>
    %dma_start3A_102 = tpu.memref_squeeze %dma_start3A_101 : memref<1x1x128xi32, #tpu.memory_space<vmem>> -> memref<128xi32, #tpu.memory_space<vmem>>
    %dma_start3A_103 = arith.constant 0 : i32
    %dma_start3A_104 = arith.constant 0 : i32
    %dma_start3A_105 = tpu.memref_slice %arg2[%dma_start3A_103, %dma_start3A_104] : memref<2000000x64xf32, #tpu.memory_space<hbm>> -> memref<2000000x64xf32, #tpu.memory_space<hbm>>
    tpu.enqueue_indirect_dma source(%dma_start3A_105 : memref<2000000x64xf32, #tpu.memory_space<hbm>>) target(%dma_start3A_99 : memref<128x64xf32, #tpu.memory_space<vmem>>) offsets(%dma_start3A_102 : memref<128xi32, #tpu.memory_space<vmem>>) semaphore(%arg10 : memref<!tpu.dma_semaphore, #tpu.memory_space<semaphore_mem>>)
    %dma_start3A_106 = arith.constant 3 : i32
    %dma_start3A_107 = arith.constant 1 : i32
    %dma_start3A_108 = arith.constant 3 : i32
    %dma_start3A_109 = arith.constant 128 : i32
    %dma_start3A_110 = arith.constant 0 : i32
    %dma_start3A_111 = tpu.memref_slice %arg6[%dma_start3A_108, %dma_start3A_109, %dma_start3A_110] : memref<5x256x64xf32, #tpu.memory_space<vmem>> -> memref<1x128x64xf32, #tpu.memory_space<vmem>>
    %dma_start3A_112 = tpu.memref_squeeze %dma_start3A_111 : memref<1x128x64xf32, #tpu.memory_space<vmem>> -> memref<128x64xf32, #tpu.memory_space<vmem>>
    %dma_start3A_113 = arith.constant 0 : i32
    %dma_start3A_114 = tpu.memref_slice %arg5[%dma_start3A_106, %dma_start3A_107, %dma_start3A_113] : memref<5x2x128xi32, #tpu.memory_space<vmem>> -> memref<1x1x128xi32, #tpu.memory_space<vmem>>
    %dma_start3A_115 = tpu.memref_squeeze %dma_start3A_114 : memref<1x1x128xi32, #tpu.memory_space<vmem>> -> memref<128xi32, #tpu.memory_space<vmem>>
    %dma_start3A_116 = arith.constant 0 : i32
    %dma_start3A_117 = arith.constant 0 : i32
    %dma_start3A_118 = tpu.memref_slice %arg2[%dma_start3A_116, %dma_start3A_117] : memref<2000000x64xf32, #tpu.memory_space<hbm>> -> memref<2000000x64xf32, #tpu.memory_space<hbm>>
    tpu.enqueue_indirect_dma source(%dma_start3A_118 : memref<2000000x64xf32, #tpu.memory_space<hbm>>) target(%dma_start3A_112 : memref<128x64xf32, #tpu.memory_space<vmem>>) offsets(%dma_start3A_115 : memref<128xi32, #tpu.memory_space<vmem>>) semaphore(%arg10 : memref<!tpu.dma_semaphore, #tpu.memory_space<semaphore_mem>>)
    %add3A_119 = arith.constant 8 : i32
    %add3A_120 = arith.addi %mul3A_2, %add3A_119 : i32
    %dma_start3A_121 = arith.constant 4 : i32
    %dma_start3A_122 = arith.constant 0 : i32
    %dma_start3A_123 = arith.constant 0 : i32
    %dma_start3A_124 = tpu.memref_slice %arg5[%dma_start3A_121, %dma_start3A_122, %dma_start3A_123] : memref<5x2x128xi32, #tpu.memory_space<vmem>> -> memref<1x2x128xi32, #tpu.memory_space<vmem>>
    %dma_start3A_125 = tpu.memref_squeeze %dma_start3A_124 : memref<1x2x128xi32, #tpu.memory_space<vmem>> -> memref<2x128xi32, #tpu.memory_space<vmem>>
    %dma_start3A_126 = arith.constant 0 : i32
    %dma_start3A_127 = tpu.memref_slice %arg3[%add3A_120, %dma_start3A_126] : memref<25600x128xi32, #tpu.memory_space<hbm>> -> memref<2x128xi32, #tpu.memory_space<hbm>>
    %dma_start3A_128 = arith.constant 0 : i32
    %dma_start3A_129 = arith.constant 0 : i32
    %dma_start3A_130 = tpu.memref_slice %arg5[%dma_start3A_121, %dma_start3A_128, %dma_start3A_129] : memref<5x2x128xi32, #tpu.memory_space<vmem>> -> memref<1x2x128xi32, #tpu.memory_space<vmem>>
    %dma_start3A_131 = tpu.memref_squeeze %dma_start3A_130 : memref<1x2x128xi32, #tpu.memory_space<vmem>> -> memref<2x128xi32, #tpu.memory_space<vmem>>
    %dma_start3A_132 = arith.constant 0 : i32
    %dma_start3A_133 = tpu.memref_slice %arg3[%add3A_120, %dma_start3A_132] : memref<25600x128xi32, #tpu.memory_space<hbm>> -> memref<2x128xi32, #tpu.memory_space<hbm>>
    tpu.enqueue_dma source(%dma_start3A_133 : memref<2x128xi32, #tpu.memory_space<hbm>>) target(%dma_start3A_131 : memref<2x128xi32, #tpu.memory_space<vmem>>) target_semaphore(%arg21 : memref<!tpu.dma_semaphore, #tpu.memory_space<semaphore_mem>>)
    %dma_wait3A = arith.constant 0 : i32
    %dma_wait3A_134 = arith.constant 0 : i32
    %dma_wait3A_135 = arith.constant 0 : i32
    %dma_wait3A_136 = tpu.memref_slice %arg6[%dma_wait3A, %dma_wait3A_134, %dma_wait3A_135] : memref<5x256x64xf32, #tpu.memory_space<vmem>> -> memref<1x256x64xf32, #tpu.memory_space<vmem>>
    %dma_wait3A_137 = tpu.memref_squeeze %dma_wait3A_136 : memref<1x256x64xf32, #tpu.memory_space<vmem>> -> memref<256x64xf32, #tpu.memory_space<vmem>>
    %dma_wait3A_138 = arith.constant 0 : i32
    %dma_wait3A_139 = arith.constant 0 : i32
    %dma_wait3A_140 = tpu.memref_slice %arg2[%dma_wait3A_138, %dma_wait3A_139] : memref<2000000x64xf32, #tpu.memory_space<hbm>> -> memref<256x64xf32, #tpu.memory_space<hbm>>
    %dma_wait3A_141 = arith.constant 0 : i32
    %dma_wait3A_142 = arith.constant 0 : i32
    %dma_wait3A_143 = tpu.memref_slice %arg6[%dma_wait3A, %dma_wait3A_141, %dma_wait3A_142] : memref<5x256x64xf32, #tpu.memory_space<vmem>> -> memref<1x256x64xf32, #tpu.memory_space<vmem>>
    %dma_wait3A_144 = tpu.memref_squeeze %dma_wait3A_143 : memref<1x256x64xf32, #tpu.memory_space<vmem>> -> memref<256x64xf32, #tpu.memory_space<vmem>>
    %dma_wait3A_145 = arith.constant 0 : i32
    %dma_wait3A_146 = arith.constant 0 : i32
    %dma_wait3A_147 = tpu.memref_slice %arg2[%dma_wait3A_145, %dma_wait3A_146] : memref<2000000x64xf32, #tpu.memory_space<hbm>> -> memref<256x64xf32, #tpu.memory_space<hbm>>
    tpu.wait_dma2 semaphore(%arg7 : memref<!tpu.dma_semaphore, #tpu.memory_space<semaphore_mem>>) src(%dma_wait3A_147 : memref<256x64xf32, #tpu.memory_space<hbm>>) dst(%dma_wait3A_144 : memref<256x64xf32, #tpu.memory_space<vmem>>)
    %add3A_148 = arith.constant 0 : i32
    %add3A_149 = arith.addi %mul3A_4, %add3A_148 : i32
    %dma_start3A_150 = arith.constant 0 : i32
    %dma_start3A_151 = arith.constant 0 : i32
    %dma_start3A_152 = arith.constant 0 : i32
    %dma_start3A_153 = tpu.memref_slice %arg6[%dma_start3A_150, %dma_start3A_151, %dma_start3A_152] : memref<5x256x64xf32, #tpu.memory_space<vmem>> -> memref<1x256x64xf32, #tpu.memory_space<vmem>>
    %dma_start3A_154 = tpu.memref_squeeze %dma_start3A_153 : memref<1x256x64xf32, #tpu.memory_space<vmem>> -> memref<256x64xf32, #tpu.memory_space<vmem>>
    %dma_start3A_155 = arith.constant 0 : i32
    %dma_start3A_156 = tpu.memref_slice %arg4[%add3A_149, %dma_start3A_155] : memref<3276800x64xf32, #tpu.memory_space<hbm>> -> memref<256x64xf32, #tpu.memory_space<hbm>>
    %dma_start3A_157 = arith.constant 0 : i32
    %dma_start3A_158 = tpu.memref_slice %arg4[%add3A_149, %dma_start3A_157] : memref<3276800x64xf32, #tpu.memory_space<hbm>> -> memref<256x64xf32, #tpu.memory_space<hbm>>
    %dma_start3A_159 = arith.constant 0 : i32
    %dma_start3A_160 = arith.constant 0 : i32
    %dma_start3A_161 = tpu.memref_slice %arg6[%dma_start3A_150, %dma_start3A_159, %dma_start3A_160] : memref<5x256x64xf32, #tpu.memory_space<vmem>> -> memref<1x256x64xf32, #tpu.memory_space<vmem>>
    %dma_start3A_162 = tpu.memref_squeeze %dma_start3A_161 : memref<1x256x64xf32, #tpu.memory_space<vmem>> -> memref<256x64xf32, #tpu.memory_space<vmem>>
    tpu.enqueue_dma source(%dma_start3A_162 : memref<256x64xf32, #tpu.memory_space<vmem>>) target(%dma_start3A_158 : memref<256x64xf32, #tpu.memory_space<hbm>>) target_semaphore(%arg12 : memref<!tpu.dma_semaphore, #tpu.memory_space<semaphore_mem>>)
    %dma_wait3A_163 = arith.constant 4 : i32
    %dma_wait3A_164 = arith.constant 0 : i32
    %dma_wait3A_165 = arith.constant 0 : i32
    %dma_wait3A_166 = tpu.memref_slice %arg5[%dma_wait3A_163, %dma_wait3A_164, %dma_wait3A_165] : memref<5x2x128xi32, #tpu.memory_space<vmem>> -> memref<1x2x128xi32, #tpu.memory_space<vmem>>
    %dma_wait3A_167 = tpu.memref_squeeze %dma_wait3A_166 : memref<1x2x128xi32, #tpu.memory_space<vmem>> -> memref<2x128xi32, #tpu.memory_space<vmem>>
    %dma_wait3A_168 = arith.constant 0 : i32
    %dma_wait3A_169 = arith.constant 0 : i32
    %dma_wait3A_170 = tpu.memref_slice %arg3[%dma_wait3A_168, %dma_wait3A_169] : memref<25600x128xi32, #tpu.memory_space<hbm>> -> memref<2x128xi32, #tpu.memory_space<hbm>>
    %dma_wait3A_171 = arith.constant 0 : i32
    %dma_wait3A_172 = arith.constant 0 : i32
    %dma_wait3A_173 = tpu.memref_slice %arg5[%dma_wait3A_163, %dma_wait3A_171, %dma_wait3A_172] : memref<5x2x128xi32, #tpu.memory_space<vmem>> -> memref<1x2x128xi32, #tpu.memory_space<vmem>>
    %dma_wait3A_174 = tpu.memref_squeeze %dma_wait3A_173 : memref<1x2x128xi32, #tpu.memory_space<vmem>> -> memref<2x128xi32, #tpu.memory_space<vmem>>
    %dma_wait3A_175 = arith.constant 0 : i32
    %dma_wait3A_176 = arith.constant 0 : i32
    %dma_wait3A_177 = tpu.memref_slice %arg3[%dma_wait3A_175, %dma_wait3A_176] : memref<25600x128xi32, #tpu.memory_space<hbm>> -> memref<2x128xi32, #tpu.memory_space<hbm>>
    tpu.wait_dma2 semaphore(%arg21 : memref<!tpu.dma_semaphore, #tpu.memory_space<semaphore_mem>>) src(%dma_wait3A_177 : memref<2x128xi32, #tpu.memory_space<hbm>>) dst(%dma_wait3A_174 : memref<2x128xi32, #tpu.memory_space<vmem>>)
    %dma_start3A_178 = arith.constant 4 : i32
    %dma_start3A_179 = arith.constant 0 : i32
    %dma_start3A_180 = arith.constant 4 : i32
    %dma_start3A_181 = arith.constant 0 : i32
    %dma_start3A_182 = arith.constant 0 : i32
    %dma_start3A_183 = tpu.memref_slice %arg6[%dma_start3A_180, %dma_start3A_181, %dma_start3A_182] : memref<5x256x64xf32, #tpu.memory_space<vmem>> -> memref<1x128x64xf32, #tpu.memory_space<vmem>>
    %dma_start3A_184 = tpu.memref_squeeze %dma_start3A_183 : memref<1x128x64xf32, #tpu.memory_space<vmem>> -> memref<128x64xf32, #tpu.memory_space<vmem>>
    %dma_start3A_185 = arith.constant 0 : i32
    %dma_start3A_186 = tpu.memref_slice %arg5[%dma_start3A_178, %dma_start3A_179, %dma_start3A_185] : memref<5x2x128xi32, #tpu.memory_space<vmem>> -> memref<1x1x128xi32, #tpu.memory_space<vmem>>
    %dma_start3A_187 = tpu.memref_squeeze %dma_start3A_186 : memref<1x1x128xi32, #tpu.memory_space<vmem>> -> memref<128xi32, #tpu.memory_space<vmem>>
    %dma_start3A_188 = arith.constant 0 : i32
    %dma_start3A_189 = arith.constant 0 : i32
    %dma_start3A_190 = tpu.memref_slice %arg2[%dma_start3A_188, %dma_start3A_189] : memref<2000000x64xf32, #tpu.memory_space<hbm>> -> memref<2000000x64xf32, #tpu.memory_space<hbm>>
    tpu.enqueue_indirect_dma source(%dma_start3A_190 : memref<2000000x64xf32, #tpu.memory_space<hbm>>) target(%dma_start3A_184 : memref<128x64xf32, #tpu.memory_space<vmem>>) offsets(%dma_start3A_187 : memref<128xi32, #tpu.memory_space<vmem>>) semaphore(%arg11 : memref<!tpu.dma_semaphore, #tpu.memory_space<semaphore_mem>>)
    %dma_start3A_191 = arith.constant 4 : i32
    %dma_start3A_192 = arith.constant 1 : i32
    %dma_start3A_193 = arith.constant 4 : i32
    %dma_start3A_194 = arith.constant 128 : i32
    %dma_start3A_195 = arith.constant 0 : i32
    %dma_start3A_196 = tpu.memref_slice %arg6[%dma_start3A_193, %dma_start3A_194, %dma_start3A_195] : memref<5x256x64xf32, #tpu.memory_space<vmem>> -> memref<1x128x64xf32, #tpu.memory_space<vmem>>
    %dma_start3A_197 = tpu.memref_squeeze %dma_start3A_196 : memref<1x128x64xf32, #tpu.memory_space<vmem>> -> memref<128x64xf32, #tpu.memory_space<vmem>>
    %dma_start3A_198 = arith.constant 0 : i32
    %dma_start3A_199 = tpu.memref_slice %arg5[%dma_start3A_191, %dma_start3A_192, %dma_start3A_198] : memref<5x2x128xi32, #tpu.memory_space<vmem>> -> memref<1x1x128xi32, #tpu.memory_space<vmem>>
    %dma_start3A_200 = tpu.memref_squeeze %dma_start3A_199 : memref<1x1x128xi32, #tpu.memory_space<vmem>> -> memref<128xi32, #tpu.memory_space<vmem>>
    %dma_start3A_201 = arith.constant 0 : i32
    %dma_start3A_202 = arith.constant 0 : i32
    %dma_start3A_203 = tpu.memref_slice %arg2[%dma_start3A_201, %dma_start3A_202] : memref<2000000x64xf32, #tpu.memory_space<hbm>> -> memref<2000000x64xf32, #tpu.memory_space<hbm>>
    tpu.enqueue_indirect_dma source(%dma_start3A_203 : memref<2000000x64xf32, #tpu.memory_space<hbm>>) target(%dma_start3A_197 : memref<128x64xf32, #tpu.memory_space<vmem>>) offsets(%dma_start3A_200 : memref<128xi32, #tpu.memory_space<vmem>>) semaphore(%arg11 : memref<!tpu.dma_semaphore, #tpu.memory_space<semaphore_mem>>)
    %add3A_204 = arith.constant 10 : i32
    %add3A_205 = arith.addi %mul3A_2, %add3A_204 : i32
    %dma_start3A_206 = arith.constant 0 : i32
    %dma_start3A_207 = arith.constant 0 : i32
    %dma_start3A_208 = arith.constant 0 : i32
    %dma_start3A_209 = tpu.memref_slice %arg5[%dma_start3A_206, %dma_start3A_207, %dma_start3A_208] : memref<5x2x128xi32, #tpu.memory_space<vmem>> -> memref<1x2x128xi32, #tpu.memory_space<vmem>>
    %dma_start3A_210 = tpu.memref_squeeze %dma_start3A_209 : memref<1x2x128xi32, #tpu.memory_space<vmem>> -> memref<2x128xi32, #tpu.memory_space<vmem>>
    %dma_start3A_211 = arith.constant 0 : i32
    %dma_start3A_212 = tpu.memref_slice %arg3[%add3A_205, %dma_start3A_211] : memref<25600x128xi32, #tpu.memory_space<hbm>> -> memref<2x128xi32, #tpu.memory_space<hbm>>
    %dma_start3A_213 = arith.constant 0 : i32
    %dma_start3A_214 = arith.constant 0 : i32
    %dma_start3A_215 = tpu.memref_slice %arg5[%dma_start3A_206, %dma_start3A_213, %dma_start3A_214] : memref<5x2x128xi32, #tpu.memory_space<vmem>> -> memref<1x2x128xi32, #tpu.memory_space<vmem>>
    %dma_start3A_216 = tpu.memref_squeeze %dma_start3A_215 : memref<1x2x128xi32, #tpu.memory_space<vmem>> -> memref<2x128xi32, #tpu.memory_space<vmem>>
    %dma_start3A_217 = arith.constant 0 : i32
    %dma_start3A_218 = tpu.memref_slice %arg3[%add3A_205, %dma_start3A_217] : memref<25600x128xi32, #tpu.memory_space<hbm>> -> memref<2x128xi32, #tpu.memory_space<hbm>>
    tpu.enqueue_dma source(%dma_start3A_218 : memref<2x128xi32, #tpu.memory_space<hbm>>) target(%dma_start3A_216 : memref<2x128xi32, #tpu.memory_space<vmem>>) target_semaphore(%arg17 : memref<!tpu.dma_semaphore, #tpu.memory_space<semaphore_mem>>)
    %dma_wait3A_219 = arith.constant 1 : i32
    %dma_wait3A_220 = arith.constant 0 : i32
    %dma_wait3A_221 = arith.constant 0 : i32
    %dma_wait3A_222 = tpu.memref_slice %arg6[%dma_wait3A_219, %dma_wait3A_220, %dma_wait3A_221] : memref<5x256x64xf32, #tpu.memory_space<vmem>> -> memref<1x256x64xf32, #tpu.memory_space<vmem>>
    %dma_wait3A_223 = tpu.memref_squeeze %dma_wait3A_222 : memref<1x256x64xf32, #tpu.memory_space<vmem>> -> memref<256x64xf32, #tpu.memory_space<vmem>>
    %dma_wait3A_224 = arith.constant 0 : i32
    %dma_wait3A_225 = arith.constant 0 : i32
    %dma_wait3A_226 = tpu.memref_slice %arg2[%dma_wait3A_224, %dma_wait3A_225] : memref<2000000x64xf32, #tpu.memory_space<hbm>> -> memref<256x64xf32, #tpu.memory_space<hbm>>
    %dma_wait3A_227 = arith.constant 0 : i32
    %dma_wait3A_228 = arith.constant 0 : i32
    %dma_wait3A_229 = tpu.memref_slice %arg6[%dma_wait3A_219, %dma_wait3A_227, %dma_wait3A_228] : memref<5x256x64xf32, #tpu.memory_space<vmem>> -> memref<1x256x64xf32, #tpu.memory_space<vmem>>
    %dma_wait3A_230 = tpu.memref_squeeze %dma_wait3A_229 : memref<1x256x64xf32, #tpu.memory_space<vmem>> -> memref<256x64xf32, #tpu.memory_space<vmem>>
    %dma_wait3A_231 = arith.constant 0 : i32
    %dma_wait3A_232 = arith.constant 0 : i32
    %dma_wait3A_233 = tpu.memref_slice %arg2[%dma_wait3A_231, %dma_wait3A_232] : memref<2000000x64xf32, #tpu.memory_space<hbm>> -> memref<256x64xf32, #tpu.memory_space<hbm>>
    tpu.wait_dma2 semaphore(%arg8 : memref<!tpu.dma_semaphore, #tpu.memory_space<semaphore_mem>>) src(%dma_wait3A_233 : memref<256x64xf32, #tpu.memory_space<hbm>>) dst(%dma_wait3A_230 : memref<256x64xf32, #tpu.memory_space<vmem>>)
    %add3A_234 = arith.constant 256 : i32
    %add3A_235 = arith.addi %mul3A_4, %add3A_234 : i32
    %dma_start3A_236 = arith.constant 1 : i32
    %dma_start3A_237 = arith.constant 0 : i32
    %dma_start3A_238 = arith.constant 0 : i32
    %dma_start3A_239 = tpu.memref_slice %arg6[%dma_start3A_236, %dma_start3A_237, %dma_start3A_238] : memref<5x256x64xf32, #tpu.memory_space<vmem>> -> memref<1x256x64xf32, #tpu.memory_space<vmem>>
    %dma_start3A_240 = tpu.memref_squeeze %dma_start3A_239 : memref<1x256x64xf32, #tpu.memory_space<vmem>> -> memref<256x64xf32, #tpu.memory_space<vmem>>
    %dma_start3A_241 = arith.constant 0 : i32
    %dma_start3A_242 = tpu.memref_slice %arg4[%add3A_235, %dma_start3A_241] : memref<3276800x64xf32, #tpu.memory_space<hbm>> -> memref<256x64xf32, #tpu.memory_space<hbm>>
    %dma_start3A_243 = arith.constant 0 : i32
    %dma_start3A_244 = tpu.memref_slice %arg4[%add3A_235, %dma_start3A_243] : memref<3276800x64xf32, #tpu.memory_space<hbm>> -> memref<256x64xf32, #tpu.memory_space<hbm>>
    %dma_start3A_245 = arith.constant 0 : i32
    %dma_start3A_246 = arith.constant 0 : i32
    %dma_start3A_247 = tpu.memref_slice %arg6[%dma_start3A_236, %dma_start3A_245, %dma_start3A_246] : memref<5x256x64xf32, #tpu.memory_space<vmem>> -> memref<1x256x64xf32, #tpu.memory_space<vmem>>
    %dma_start3A_248 = tpu.memref_squeeze %dma_start3A_247 : memref<1x256x64xf32, #tpu.memory_space<vmem>> -> memref<256x64xf32, #tpu.memory_space<vmem>>
    tpu.enqueue_dma source(%dma_start3A_248 : memref<256x64xf32, #tpu.memory_space<vmem>>) target(%dma_start3A_244 : memref<256x64xf32, #tpu.memory_space<hbm>>) target_semaphore(%arg13 : memref<!tpu.dma_semaphore, #tpu.memory_space<semaphore_mem>>)
    %dma_wait3A_249 = arith.constant 0 : i32
    %dma_wait3A_250 = arith.constant 0 : i32
    %dma_wait3A_251 = arith.constant 0 : i32
    %dma_wait3A_252 = tpu.memref_slice %arg5[%dma_wait3A_249, %dma_wait3A_250, %dma_wait3A_251] : memref<5x2x128xi32, #tpu.memory_space<vmem>> -> memref<1x2x128xi32, #tpu.memory_space<vmem>>
    %dma_wait3A_253 = tpu.memref_squeeze %dma_wait3A_252 : memref<1x2x128xi32, #tpu.memory_space<vmem>> -> memref<2x128xi32, #tpu.memory_space<vmem>>
    %dma_wait3A_254 = arith.constant 0 : i32
    %dma_wait3A_255 = arith.constant 0 : i32
    %dma_wait3A_256 = tpu.memref_slice %arg3[%dma_wait3A_254, %dma_wait3A_255] : memref<25600x128xi32, #tpu.memory_space<hbm>> -> memref<2x128xi32, #tpu.memory_space<hbm>>
    %dma_wait3A_257 = arith.constant 0 : i32
    %dma_wait3A_258 = arith.constant 0 : i32
    %dma_wait3A_259 = tpu.memref_slice %arg5[%dma_wait3A_249, %dma_wait3A_257, %dma_wait3A_258] : memref<5x2x128xi32, #tpu.memory_space<vmem>> -> memref<1x2x128xi32, #tpu.memory_space<vmem>>
    %dma_wait3A_260 = tpu.memref_squeeze %dma_wait3A_259 : memref<1x2x128xi32, #tpu.memory_space<vmem>> -> memref<2x128xi32, #tpu.memory_space<vmem>>
    %dma_wait3A_261 = arith.constant 0 : i32
    %dma_wait3A_262 = arith.constant 0 : i32
    %dma_wait3A_263 = tpu.memref_slice %arg3[%dma_wait3A_261, %dma_wait3A_262] : memref<25600x128xi32, #tpu.memory_space<hbm>> -> memref<2x128xi32, #tpu.memory_space<hbm>>
    tpu.wait_dma2 semaphore(%arg17 : memref<!tpu.dma_semaphore, #tpu.memory_space<semaphore_mem>>) src(%dma_wait3A_263 : memref<2x128xi32, #tpu.memory_space<hbm>>) dst(%dma_wait3A_260 : memref<2x128xi32, #tpu.memory_space<vmem>>)
    %dma_wait3A_264 = arith.constant 0 : i32
    %dma_wait3A_265 = arith.constant 0 : i32
    %dma_wait3A_266 = arith.constant 0 : i32
    %dma_wait3A_267 = tpu.memref_slice %arg6[%dma_wait3A_264, %dma_wait3A_265, %dma_wait3A_266] : memref<5x256x64xf32, #tpu.memory_space<vmem>> -> memref<1x256x64xf32, #tpu.memory_space<vmem>>
    %dma_wait3A_268 = tpu.memref_squeeze %dma_wait3A_267 : memref<1x256x64xf32, #tpu.memory_space<vmem>> -> memref<256x64xf32, #tpu.memory_space<vmem>>
    %dma_wait3A_269 = arith.constant 0 : i32
    %dma_wait3A_270 = arith.constant 0 : i32
    %dma_wait3A_271 = tpu.memref_slice %arg4[%dma_wait3A_269, %dma_wait3A_270] : memref<3276800x64xf32, #tpu.memory_space<hbm>> -> memref<256x64xf32, #tpu.memory_space<hbm>>
    %dma_wait3A_272 = arith.constant 0 : i32
    %dma_wait3A_273 = arith.constant 0 : i32
    %dma_wait3A_274 = tpu.memref_slice %arg6[%dma_wait3A_264, %dma_wait3A_272, %dma_wait3A_273] : memref<5x256x64xf32, #tpu.memory_space<vmem>> -> memref<1x256x64xf32, #tpu.memory_space<vmem>>
    %dma_wait3A_275 = tpu.memref_squeeze %dma_wait3A_274 : memref<1x256x64xf32, #tpu.memory_space<vmem>> -> memref<256x64xf32, #tpu.memory_space<vmem>>
    %dma_wait3A_276 = arith.constant 0 : i32
    %dma_wait3A_277 = arith.constant 0 : i32
    %dma_wait3A_278 = tpu.memref_slice %arg4[%dma_wait3A_276, %dma_wait3A_277] : memref<3276800x64xf32, #tpu.memory_space<hbm>> -> memref<256x64xf32, #tpu.memory_space<hbm>>
    tpu.wait_dma2 semaphore(%arg12 : memref<!tpu.dma_semaphore, #tpu.memory_space<semaphore_mem>>) src(%dma_wait3A_278 : memref<256x64xf32, #tpu.memory_space<hbm>>) dst(%dma_wait3A_275 : memref<256x64xf32, #tpu.memory_space<vmem>>)
    %dma_start3A_279 = arith.constant 0 : i32
    %dma_start3A_280 = arith.constant 0 : i32
    %dma_start3A_281 = arith.constant 0 : i32
    %dma_start3A_282 = arith.constant 0 : i32
    %dma_start3A_283 = arith.constant 0 : i32
    %dma_start3A_284 = tpu.memref_slice %arg6[%dma_start3A_281, %dma_start3A_282, %dma_start3A_283] : memref<5x256x64xf32, #tpu.memory_space<vmem>> -> memref<1x128x64xf32, #tpu.memory_space<vmem>>
    %dma_start3A_285 = tpu.memref_squeeze %dma_start3A_284 : memref<1x128x64xf32, #tpu.memory_space<vmem>> -> memref<128x64xf32, #tpu.memory_space<vmem>>
    %dma_start3A_286 = arith.constant 0 : i32
    %dma_start3A_287 = tpu.memref_slice %arg5[%dma_start3A_279, %dma_start3A_280, %dma_start3A_286] : memref<5x2x128xi32, #tpu.memory_space<vmem>> -> memref<1x1x128xi32, #tpu.memory_space<vmem>>
    %dma_start3A_288 = tpu.memref_squeeze %dma_start3A_287 : memref<1x1x128xi32, #tpu.memory_space<vmem>> -> memref<128xi32, #tpu.memory_space<vmem>>
    %dma_start3A_289 = arith.constant 0 : i32
    %dma_start3A_290 = arith.constant 0 : i32
    %dma_start3A_291 = tpu.memref_slice %arg2[%dma_start3A_289, %dma_start3A_290] : memref<2000000x64xf32, #tpu.memory_space<hbm>> -> memref<2000000x64xf32, #tpu.memory_space<hbm>>
    tpu.enqueue_indirect_dma source(%dma_start3A_291 : memref<2000000x64xf32, #tpu.memory_space<hbm>>) target(%dma_start3A_285 : memref<128x64xf32, #tpu.memory_space<vmem>>) offsets(%dma_start3A_288 : memref<128xi32, #tpu.memory_space<vmem>>) semaphore(%arg7 : memref<!tpu.dma_semaphore, #tpu.memory_space<semaphore_mem>>)
    %dma_start3A_292 = arith.constant 0 : i32
    %dma_start3A_293 = arith.constant 1 : i32
    %dma_start3A_294 = arith.constant 0 : i32
    %dma_start3A_295 = arith.constant 128 : i32
    %dma_start3A_296 = arith.constant 0 : i32
    %dma_start3A_297 = tpu.memref_slice %arg6[%dma_start3A_294, %dma_start3A_295, %dma_start3A_296] : memref<5x256x64xf32, #tpu.memory_space<vmem>> -> memref<1x128x64xf32, #tpu.memory_space<vmem>>
    %dma_start3A_298 = tpu.memref_squeeze %dma_start3A_297 : memref<1x128x64xf32, #tpu.memory_space<vmem>> -> memref<128x64xf32, #tpu.memory_space<vmem>>
    %dma_start3A_299 = arith.constant 0 : i32
    %dma_start3A_300 = tpu.memref_slice %arg5[%dma_start3A_292, %dma_start3A_293, %dma_start3A_299] : memref<5x2x128xi32, #tpu.memory_space<vmem>> -> memref<1x1x128xi32, #tpu.memory_space<vmem>>
    %dma_start3A_301 = tpu.memref_squeeze %dma_start3A_300 : memref<1x1x128xi32, #tpu.memory_space<vmem>> -> memref<128xi32, #tpu.memory_space<vmem>>
    %dma_start3A_302 = arith.constant 0 : i32
    %dma_start3A_303 = arith.constant 0 : i32
    %dma_start3A_304 = tpu.memref_slice %arg2[%dma_start3A_302, %dma_start3A_303] : memref<2000000x64xf32, #tpu.memory_space<hbm>> -> memref<2000000x64xf32, #tpu.memory_space<hbm>>
    tpu.enqueue_indirect_dma source(%dma_start3A_304 : memref<2000000x64xf32, #tpu.memory_space<hbm>>) target(%dma_start3A_298 : memref<128x64xf32, #tpu.memory_space<vmem>>) offsets(%dma_start3A_301 : memref<128xi32, #tpu.memory_space<vmem>>) semaphore(%arg7 : memref<!tpu.dma_semaphore, #tpu.memory_space<semaphore_mem>>)
    %add3A_305 = arith.constant 12 : i32
    %add3A_306 = arith.addi %mul3A_2, %add3A_305 : i32
    %dma_start3A_307 = arith.constant 1 : i32
    %dma_start3A_308 = arith.constant 0 : i32
    %dma_start3A_309 = arith.constant 0 : i32
    %dma_start3A_310 = tpu.memref_slice %arg5[%dma_start3A_307, %dma_start3A_308, %dma_start3A_309] : memref<5x2x128xi32, #tpu.memory_space<vmem>> -> memref<1x2x128xi32, #tpu.memory_space<vmem>>
    %dma_start3A_311 = tpu.memref_squeeze %dma_start3A_310 : memref<1x2x128xi32, #tpu.memory_space<vmem>> -> memref<2x128xi32, #tpu.memory_space<vmem>>
    %dma_start3A_312 = arith.constant 0 : i32
    %dma_start3A_313 = tpu.memref_slice %arg3[%add3A_306, %dma_start3A_312] : memref<25600x128xi32, #tpu.memory_space<hbm>> -> memref<2x128xi32, #tpu.memory_space<hbm>>
    %dma_start3A_314 = arith.constant 0 : i32
    %dma_start3A_315 = arith.constant 0 : i32
    %dma_start3A_316 = tpu.memref_slice %arg5[%dma_start3A_307, %dma_start3A_314, %dma_start3A_315] : memref<5x2x128xi32, #tpu.memory_space<vmem>> -> memref<1x2x128xi32, #tpu.memory_space<vmem>>
    %dma_start3A_317 = tpu.memref_squeeze %dma_start3A_316 : memref<1x2x128xi32, #tpu.memory_space<vmem>> -> memref<2x128xi32, #tpu.memory_space<vmem>>
    %dma_start3A_318 = arith.constant 0 : i32
    %dma_start3A_319 = tpu.memref_slice %arg3[%add3A_306, %dma_start3A_318] : memref<25600x128xi32, #tpu.memory_space<hbm>> -> memref<2x128xi32, #tpu.memory_space<hbm>>
    tpu.enqueue_dma source(%dma_start3A_319 : memref<2x128xi32, #tpu.memory_space<hbm>>) target(%dma_start3A_317 : memref<2x128xi32, #tpu.memory_space<vmem>>) target_semaphore(%arg18 : memref<!tpu.dma_semaphore, #tpu.memory_space<semaphore_mem>>)
    %dma_wait3A_320 = arith.constant 2 : i32
    %dma_wait3A_321 = arith.constant 0 : i32
    %dma_wait3A_322 = arith.constant 0 : i32
    %dma_wait3A_323 = tpu.memref_slice %arg6[%dma_wait3A_320, %dma_wait3A_321, %dma_wait3A_322] : memref<5x256x64xf32, #tpu.memory_space<vmem>> -> memref<1x256x64xf32, #tpu.memory_space<vmem>>
    %dma_wait3A_324 = tpu.memref_squeeze %dma_wait3A_323 : memref<1x256x64xf32, #tpu.memory_space<vmem>> -> memref<256x64xf32, #tpu.memory_space<vmem>>
    %dma_wait3A_325 = arith.constant 0 : i32
    %dma_wait3A_326 = arith.constant 0 : i32
    %dma_wait3A_327 = tpu.memref_slice %arg2[%dma_wait3A_325, %dma_wait3A_326] : memref<2000000x64xf32, #tpu.memory_space<hbm>> -> memref<256x64xf32, #tpu.memory_space<hbm>>
    %dma_wait3A_328 = arith.constant 0 : i32
    %dma_wait3A_329 = arith.constant 0 : i32
    %dma_wait3A_330 = tpu.memref_slice %arg6[%dma_wait3A_320, %dma_wait3A_328, %dma_wait3A_329] : memref<5x256x64xf32, #tpu.memory_space<vmem>> -> memref<1x256x64xf32, #tpu.memory_space<vmem>>
    %dma_wait3A_331 = tpu.memref_squeeze %dma_wait3A_330 : memref<1x256x64xf32, #tpu.memory_space<vmem>> -> memref<256x64xf32, #tpu.memory_space<vmem>>
    %dma_wait3A_332 = arith.constant 0 : i32
    %dma_wait3A_333 = arith.constant 0 : i32
    %dma_wait3A_334 = tpu.memref_slice %arg2[%dma_wait3A_332, %dma_wait3A_333] : memref<2000000x64xf32, #tpu.memory_space<hbm>> -> memref<256x64xf32, #tpu.memory_space<hbm>>
    tpu.wait_dma2 semaphore(%arg9 : memref<!tpu.dma_semaphore, #tpu.memory_space<semaphore_mem>>) src(%dma_wait3A_334 : memref<256x64xf32, #tpu.memory_space<hbm>>) dst(%dma_wait3A_331 : memref<256x64xf32, #tpu.memory_space<vmem>>)
    %add3A_335 = arith.constant 512 : i32
    %add3A_336 = arith.addi %mul3A_4, %add3A_335 : i32
    %dma_start3A_337 = arith.constant 2 : i32
    %dma_start3A_338 = arith.constant 0 : i32
    %dma_start3A_339 = arith.constant 0 : i32
    %dma_start3A_340 = tpu.memref_slice %arg6[%dma_start3A_337, %dma_start3A_338, %dma_start3A_339] : memref<5x256x64xf32, #tpu.memory_space<vmem>> -> memref<1x256x64xf32, #tpu.memory_space<vmem>>
    %dma_start3A_341 = tpu.memref_squeeze %dma_start3A_340 : memref<1x256x64xf32, #tpu.memory_space<vmem>> -> memref<256x64xf32, #tpu.memory_space<vmem>>
    %dma_start3A_342 = arith.constant 0 : i32
    %dma_start3A_343 = tpu.memref_slice %arg4[%add3A_336, %dma_start3A_342] : memref<3276800x64xf32, #tpu.memory_space<hbm>> -> memref<256x64xf32, #tpu.memory_space<hbm>>
    %dma_start3A_344 = arith.constant 0 : i32
    %dma_start3A_345 = tpu.memref_slice %arg4[%add3A_336, %dma_start3A_344] : memref<3276800x64xf32, #tpu.memory_space<hbm>> -> memref<256x64xf32, #tpu.memory_space<hbm>>
    %dma_start3A_346 = arith.constant 0 : i32
    %dma_start3A_347 = arith.constant 0 : i32
    %dma_start3A_348 = tpu.memref_slice %arg6[%dma_start3A_337, %dma_start3A_346, %dma_start3A_347] : memref<5x256x64xf32, #tpu.memory_space<vmem>> -> memref<1x256x64xf32, #tpu.memory_space<vmem>>
    %dma_start3A_349 = tpu.memref_squeeze %dma_start3A_348 : memref<1x256x64xf32, #tpu.memory_space<vmem>> -> memref<256x64xf32, #tpu.memory_space<vmem>>
    tpu.enqueue_dma source(%dma_start3A_349 : memref<256x64xf32, #tpu.memory_space<vmem>>) target(%dma_start3A_345 : memref<256x64xf32, #tpu.memory_space<hbm>>) target_semaphore(%arg14 : memref<!tpu.dma_semaphore, #tpu.memory_space<semaphore_mem>>)
    %dma_wait3A_350 = arith.constant 1 : i32
    %dma_wait3A_351 = arith.constant 0 : i32
    %dma_wait3A_352 = arith.constant 0 : i32
    %dma_wait3A_353 = tpu.memref_slice %arg5[%dma_wait3A_350, %dma_wait3A_351, %dma_wait3A_352] : memref<5x2x128xi32, #tpu.memory_space<vmem>> -> memref<1x2x128xi32, #tpu.memory_space<vmem>>
    %dma_wait3A_354 = tpu.memref_squeeze %dma_wait3A_353 : memref<1x2x128xi32, #tpu.memory_space<vmem>> -> memref<2x128xi32, #tpu.memory_space<vmem>>
    %dma_wait3A_355 = arith.constant 0 : i32
    %dma_wait3A_356 = arith.constant 0 : i32
    %dma_wait3A_357 = tpu.memref_slice %arg3[%dma_wait3A_355, %dma_wait3A_356] : memref<25600x128xi32, #tpu.memory_space<hbm>> -> memref<2x128xi32, #tpu.memory_space<hbm>>
    %dma_wait3A_358 = arith.constant 0 : i32
    %dma_wait3A_359 = arith.constant 0 : i32
    %dma_wait3A_360 = tpu.memref_slice %arg5[%dma_wait3A_350, %dma_wait3A_358, %dma_wait3A_359] : memref<5x2x128xi32, #tpu.memory_space<vmem>> -> memref<1x2x128xi32, #tpu.memory_space<vmem>>
    %dma_wait3A_361 = tpu.memref_squeeze %dma_wait3A_360 : memref<1x2x128xi32, #tpu.memory_space<vmem>> -> memref<2x128xi32, #tpu.memory_space<vmem>>
    %dma_wait3A_362 = arith.constant 0 : i32
    %dma_wait3A_363 = arith.constant 0 : i32
    %dma_wait3A_364 = tpu.memref_slice %arg3[%dma_wait3A_362, %dma_wait3A_363] : memref<25600x128xi32, #tpu.memory_space<hbm>> -> memref<2x128xi32, #tpu.memory_space<hbm>>
    tpu.wait_dma2 semaphore(%arg18 : memref<!tpu.dma_semaphore, #tpu.memory_space<semaphore_mem>>) src(%dma_wait3A_364 : memref<2x128xi32, #tpu.memory_space<hbm>>) dst(%dma_wait3A_361 : memref<2x128xi32, #tpu.memory_space<vmem>>)
    %dma_wait3A_365 = arith.constant 1 : i32
    %dma_wait3A_366 = arith.constant 0 : i32
    %dma_wait3A_367 = arith.constant 0 : i32
    %dma_wait3A_368 = tpu.memref_slice %arg6[%dma_wait3A_365, %dma_wait3A_366, %dma_wait3A_367] : memref<5x256x64xf32, #tpu.memory_space<vmem>> -> memref<1x256x64xf32, #tpu.memory_space<vmem>>
    %dma_wait3A_369 = tpu.memref_squeeze %dma_wait3A_368 : memref<1x256x64xf32, #tpu.memory_space<vmem>> -> memref<256x64xf32, #tpu.memory_space<vmem>>
    %dma_wait3A_370 = arith.constant 0 : i32
    %dma_wait3A_371 = arith.constant 0 : i32
    %dma_wait3A_372 = tpu.memref_slice %arg4[%dma_wait3A_370, %dma_wait3A_371] : memref<3276800x64xf32, #tpu.memory_space<hbm>> -> memref<256x64xf32, #tpu.memory_space<hbm>>
    %dma_wait3A_373 = arith.constant 0 : i32
    %dma_wait3A_374 = arith.constant 0 : i32
    %dma_wait3A_375 = tpu.memref_slice %arg6[%dma_wait3A_365, %dma_wait3A_373, %dma_wait3A_374] : memref<5x256x64xf32, #tpu.memory_space<vmem>> -> memref<1x256x64xf32, #tpu.memory_space<vmem>>
    %dma_wait3A_376 = tpu.memref_squeeze %dma_wait3A_375 : memref<1x256x64xf32, #tpu.memory_space<vmem>> -> memref<256x64xf32, #tpu.memory_space<vmem>>
    %dma_wait3A_377 = arith.constant 0 : i32
    %dma_wait3A_378 = arith.constant 0 : i32
    %dma_wait3A_379 = tpu.memref_slice %arg4[%dma_wait3A_377, %dma_wait3A_378] : memref<3276800x64xf32, #tpu.memory_space<hbm>> -> memref<256x64xf32, #tpu.memory_space<hbm>>
    tpu.wait_dma2 semaphore(%arg13 : memref<!tpu.dma_semaphore, #tpu.memory_space<semaphore_mem>>) src(%dma_wait3A_379 : memref<256x64xf32, #tpu.memory_space<hbm>>) dst(%dma_wait3A_376 : memref<256x64xf32, #tpu.memory_space<vmem>>)
    %dma_start3A_380 = arith.constant 1 : i32
    %dma_start3A_381 = arith.constant 0 : i32
    %dma_start3A_382 = arith.constant 1 : i32
    %dma_start3A_383 = arith.constant 0 : i32
    %dma_start3A_384 = arith.constant 0 : i32
    %dma_start3A_385 = tpu.memref_slice %arg6[%dma_start3A_382, %dma_start3A_383, %dma_start3A_384] : memref<5x256x64xf32, #tpu.memory_space<vmem>> -> memref<1x128x64xf32, #tpu.memory_space<vmem>>
    %dma_start3A_386 = tpu.memref_squeeze %dma_start3A_385 : memref<1x128x64xf32, #tpu.memory_space<vmem>> -> memref<128x64xf32, #tpu.memory_space<vmem>>
    %dma_start3A_387 = arith.constant 0 : i32
    %dma_start3A_388 = tpu.memref_slice %arg5[%dma_start3A_380, %dma_start3A_381, %dma_start3A_387] : memref<5x2x128xi32, #tpu.memory_space<vmem>> -> memref<1x1x128xi32, #tpu.memory_space<vmem>>
    %dma_start3A_389 = tpu.memref_squeeze %dma_start3A_388 : memref<1x1x128xi32, #tpu.memory_space<vmem>> -> memref<128xi32, #tpu.memory_space<vmem>>
    %dma_start3A_390 = arith.constant 0 : i32
    %dma_start3A_391 = arith.constant 0 : i32
    %dma_start3A_392 = tpu.memref_slice %arg2[%dma_start3A_390, %dma_start3A_391] : memref<2000000x64xf32, #tpu.memory_space<hbm>> -> memref<2000000x64xf32, #tpu.memory_space<hbm>>
    tpu.enqueue_indirect_dma source(%dma_start3A_392 : memref<2000000x64xf32, #tpu.memory_space<hbm>>) target(%dma_start3A_386 : memref<128x64xf32, #tpu.memory_space<vmem>>) offsets(%dma_start3A_389 : memref<128xi32, #tpu.memory_space<vmem>>) semaphore(%arg8 : memref<!tpu.dma_semaphore, #tpu.memory_space<semaphore_mem>>)
    %dma_start3A_393 = arith.constant 1 : i32
    %dma_start3A_394 = arith.constant 1 : i32
    %dma_start3A_395 = arith.constant 1 : i32
    %dma_start3A_396 = arith.constant 128 : i32
    %dma_start3A_397 = arith.constant 0 : i32
    %dma_start3A_398 = tpu.memref_slice %arg6[%dma_start3A_395, %dma_start3A_396, %dma_start3A_397] : memref<5x256x64xf32, #tpu.memory_space<vmem>> -> memref<1x128x64xf32, #tpu.memory_space<vmem>>
    %dma_start3A_399 = tpu.memref_squeeze %dma_start3A_398 : memref<1x128x64xf32, #tpu.memory_space<vmem>> -> memref<128x64xf32, #tpu.memory_space<vmem>>
    %dma_start3A_400 = arith.constant 0 : i32
    %dma_start3A_401 = tpu.memref_slice %arg5[%dma_start3A_393, %dma_start3A_394, %dma_start3A_400] : memref<5x2x128xi32, #tpu.memory_space<vmem>> -> memref<1x1x128xi32, #tpu.memory_space<vmem>>
    %dma_start3A_402 = tpu.memref_squeeze %dma_start3A_401 : memref<1x1x128xi32, #tpu.memory_space<vmem>> -> memref<128xi32, #tpu.memory_space<vmem>>
    %dma_start3A_403 = arith.constant 0 : i32
    %dma_start3A_404 = arith.constant 0 : i32
    %dma_start3A_405 = tpu.memref_slice %arg2[%dma_start3A_403, %dma_start3A_404] : memref<2000000x64xf32, #tpu.memory_space<hbm>> -> memref<2000000x64xf32, #tpu.memory_space<hbm>>
    tpu.enqueue_indirect_dma source(%dma_start3A_405 : memref<2000000x64xf32, #tpu.memory_space<hbm>>) target(%dma_start3A_399 : memref<128x64xf32, #tpu.memory_space<vmem>>) offsets(%dma_start3A_402 : memref<128xi32, #tpu.memory_space<vmem>>) semaphore(%arg8 : memref<!tpu.dma_semaphore, #tpu.memory_space<semaphore_mem>>)
    %add3A_406 = arith.constant 14 : i32
    %add3A_407 = arith.addi %mul3A_2, %add3A_406 : i32
    %dma_start3A_408 = arith.constant 2 : i32
    %dma_start3A_409 = arith.constant 0 : i32
    %dma_start3A_410 = arith.constant 0 : i32
    %dma_start3A_411 = tpu.memref_slice %arg5[%dma_start3A_408, %dma_start3A_409, %dma_start3A_410] : memref<5x2x128xi32, #tpu.memory_space<vmem>> -> memref<1x2x128xi32, #tpu.memory_space<vmem>>
    %dma_start3A_412 = tpu.memref_squeeze %dma_start3A_411 : memref<1x2x128xi32, #tpu.memory_space<vmem>> -> memref<2x128xi32, #tpu.memory_space<vmem>>
    %dma_start3A_413 = arith.constant 0 : i32
    %dma_start3A_414 = tpu.memref_slice %arg3[%add3A_407, %dma_start3A_413] : memref<25600x128xi32, #tpu.memory_space<hbm>> -> memref<2x128xi32, #tpu.memory_space<hbm>>
    %dma_start3A_415 = arith.constant 0 : i32
    %dma_start3A_416 = arith.constant 0 : i32
    %dma_start3A_417 = tpu.memref_slice %arg5[%dma_start3A_408, %dma_start3A_415, %dma_start3A_416] : memref<5x2x128xi32, #tpu.memory_space<vmem>> -> memref<1x2x128xi32, #tpu.memory_space<vmem>>
    %dma_start3A_418 = tpu.memref_squeeze %dma_start3A_417 : memref<1x2x128xi32, #tpu.memory_space<vmem>> -> memref<2x128xi32, #tpu.memory_space<vmem>>
    %dma_start3A_419 = arith.constant 0 : i32
    %dma_start3A_420 = tpu.memref_slice %arg3[%add3A_407, %dma_start3A_419] : memref<25600x128xi32, #tpu.memory_space<hbm>> -> memref<2x128xi32, #tpu.memory_space<hbm>>
    tpu.enqueue_dma source(%dma_start3A_420 : memref<2x128xi32, #tpu.memory_space<hbm>>) target(%dma_start3A_418 : memref<2x128xi32, #tpu.memory_space<vmem>>) target_semaphore(%arg19 : memref<!tpu.dma_semaphore, #tpu.memory_space<semaphore_mem>>)
    %dma_wait3A_421 = arith.constant 3 : i32
    %dma_wait3A_422 = arith.constant 0 : i32
    %dma_wait3A_423 = arith.constant 0 : i32
    %dma_wait3A_424 = tpu.memref_slice %arg6[%dma_wait3A_421, %dma_wait3A_422, %dma_wait3A_423] : memref<5x256x64xf32, #tpu.memory_space<vmem>> -> memref<1x256x64xf32, #tpu.memory_space<vmem>>
    %dma_wait3A_425 = tpu.memref_squeeze %dma_wait3A_424 : memref<1x256x64xf32, #tpu.memory_space<vmem>> -> memref<256x64xf32, #tpu.memory_space<vmem>>
    %dma_wait3A_426 = arith.constant 0 : i32
    %dma_wait3A_427 = arith.constant 0 : i32
    %dma_wait3A_428 = tpu.memref_slice %arg2[%dma_wait3A_426, %dma_wait3A_427] : memref<2000000x64xf32, #tpu.memory_space<hbm>> -> memref<256x64xf32, #tpu.memory_space<hbm>>
    %dma_wait3A_429 = arith.constant 0 : i32
    %dma_wait3A_430 = arith.constant 0 : i32
    %dma_wait3A_431 = tpu.memref_slice %arg6[%dma_wait3A_421, %dma_wait3A_429, %dma_wait3A_430] : memref<5x256x64xf32, #tpu.memory_space<vmem>> -> memref<1x256x64xf32, #tpu.memory_space<vmem>>
    %dma_wait3A_432 = tpu.memref_squeeze %dma_wait3A_431 : memref<1x256x64xf32, #tpu.memory_space<vmem>> -> memref<256x64xf32, #tpu.memory_space<vmem>>
    %dma_wait3A_433 = arith.constant 0 : i32
    %dma_wait3A_434 = arith.constant 0 : i32
    %dma_wait3A_435 = tpu.memref_slice %arg2[%dma_wait3A_433, %dma_wait3A_434] : memref<2000000x64xf32, #tpu.memory_space<hbm>> -> memref<256x64xf32, #tpu.memory_space<hbm>>
    tpu.wait_dma2 semaphore(%arg10 : memref<!tpu.dma_semaphore, #tpu.memory_space<semaphore_mem>>) src(%dma_wait3A_435 : memref<256x64xf32, #tpu.memory_space<hbm>>) dst(%dma_wait3A_432 : memref<256x64xf32, #tpu.memory_space<vmem>>)
    %add3A_436 = arith.constant 768 : i32
    %add3A_437 = arith.addi %mul3A_4, %add3A_436 : i32
    %dma_start3A_438 = arith.constant 3 : i32
    %dma_start3A_439 = arith.constant 0 : i32
    %dma_start3A_440 = arith.constant 0 : i32
    %dma_start3A_441 = tpu.memref_slice %arg6[%dma_start3A_438, %dma_start3A_439, %dma_start3A_440] : memref<5x256x64xf32, #tpu.memory_space<vmem>> -> memref<1x256x64xf32, #tpu.memory_space<vmem>>
    %dma_start3A_442 = tpu.memref_squeeze %dma_start3A_441 : memref<1x256x64xf32, #tpu.memory_space<vmem>> -> memref<256x64xf32, #tpu.memory_space<vmem>>
    %dma_start3A_443 = arith.constant 0 : i32
    %dma_start3A_444 = tpu.memref_slice %arg4[%add3A_437, %dma_start3A_443] : memref<3276800x64xf32, #tpu.memory_space<hbm>> -> memref<256x64xf32, #tpu.memory_space<hbm>>
    %dma_start3A_445 = arith.constant 0 : i32
    %dma_start3A_446 = tpu.memref_slice %arg4[%add3A_437, %dma_start3A_445] : memref<3276800x64xf32, #tpu.memory_space<hbm>> -> memref<256x64xf32, #tpu.memory_space<hbm>>
    %dma_start3A_447 = arith.constant 0 : i32
    %dma_start3A_448 = arith.constant 0 : i32
    %dma_start3A_449 = tpu.memref_slice %arg6[%dma_start3A_438, %dma_start3A_447, %dma_start3A_448] : memref<5x256x64xf32, #tpu.memory_space<vmem>> -> memref<1x256x64xf32, #tpu.memory_space<vmem>>
    %dma_start3A_450 = tpu.memref_squeeze %dma_start3A_449 : memref<1x256x64xf32, #tpu.memory_space<vmem>> -> memref<256x64xf32, #tpu.memory_space<vmem>>
    tpu.enqueue_dma source(%dma_start3A_450 : memref<256x64xf32, #tpu.memory_space<vmem>>) target(%dma_start3A_446 : memref<256x64xf32, #tpu.memory_space<hbm>>) target_semaphore(%arg15 : memref<!tpu.dma_semaphore, #tpu.memory_space<semaphore_mem>>)
    %dma_wait3A_451 = arith.constant 2 : i32
    %dma_wait3A_452 = arith.constant 0 : i32
    %dma_wait3A_453 = arith.constant 0 : i32
    %dma_wait3A_454 = tpu.memref_slice %arg5[%dma_wait3A_451, %dma_wait3A_452, %dma_wait3A_453] : memref<5x2x128xi32, #tpu.memory_space<vmem>> -> memref<1x2x128xi32, #tpu.memory_space<vmem>>
    %dma_wait3A_455 = tpu.memref_squeeze %dma_wait3A_454 : memref<1x2x128xi32, #tpu.memory_space<vmem>> -> memref<2x128xi32, #tpu.memory_space<vmem>>
    %dma_wait3A_456 = arith.constant 0 : i32
    %dma_wait3A_457 = arith.constant 0 : i32
    %dma_wait3A_458 = tpu.memref_slice %arg3[%dma_wait3A_456, %dma_wait3A_457] : memref<25600x128xi32, #tpu.memory_space<hbm>> -> memref<2x128xi32, #tpu.memory_space<hbm>>
    %dma_wait3A_459 = arith.constant 0 : i32
    %dma_wait3A_460 = arith.constant 0 : i32
    %dma_wait3A_461 = tpu.memref_slice %arg5[%dma_wait3A_451, %dma_wait3A_459, %dma_wait3A_460] : memref<5x2x128xi32, #tpu.memory_space<vmem>> -> memref<1x2x128xi32, #tpu.memory_space<vmem>>
    %dma_wait3A_462 = tpu.memref_squeeze %dma_wait3A_461 : memref<1x2x128xi32, #tpu.memory_space<vmem>> -> memref<2x128xi32, #tpu.memory_space<vmem>>
    %dma_wait3A_463 = arith.constant 0 : i32
    %dma_wait3A_464 = arith.constant 0 : i32
    %dma_wait3A_465 = tpu.memref_slice %arg3[%dma_wait3A_463, %dma_wait3A_464] : memref<25600x128xi32, #tpu.memory_space<hbm>> -> memref<2x128xi32, #tpu.memory_space<hbm>>
    tpu.wait_dma2 semaphore(%arg19 : memref<!tpu.dma_semaphore, #tpu.memory_space<semaphore_mem>>) src(%dma_wait3A_465 : memref<2x128xi32, #tpu.memory_space<hbm>>) dst(%dma_wait3A_462 : memref<2x128xi32, #tpu.memory_space<vmem>>)
    %dma_wait3A_466 = arith.constant 2 : i32
    %dma_wait3A_467 = arith.constant 0 : i32
    %dma_wait3A_468 = arith.constant 0 : i32
    %dma_wait3A_469 = tpu.memref_slice %arg6[%dma_wait3A_466, %dma_wait3A_467, %dma_wait3A_468] : memref<5x256x64xf32, #tpu.memory_space<vmem>> -> memref<1x256x64xf32, #tpu.memory_space<vmem>>
    %dma_wait3A_470 = tpu.memref_squeeze %dma_wait3A_469 : memref<1x256x64xf32, #tpu.memory_space<vmem>> -> memref<256x64xf32, #tpu.memory_space<vmem>>
    %dma_wait3A_471 = arith.constant 0 : i32
    %dma_wait3A_472 = arith.constant 0 : i32
    %dma_wait3A_473 = tpu.memref_slice %arg4[%dma_wait3A_471, %dma_wait3A_472] : memref<3276800x64xf32, #tpu.memory_space<hbm>> -> memref<256x64xf32, #tpu.memory_space<hbm>>
    %dma_wait3A_474 = arith.constant 0 : i32
    %dma_wait3A_475 = arith.constant 0 : i32
    %dma_wait3A_476 = tpu.memref_slice %arg6[%dma_wait3A_466, %dma_wait3A_474, %dma_wait3A_475] : memref<5x256x64xf32, #tpu.memory_space<vmem>> -> memref<1x256x64xf32, #tpu.memory_space<vmem>>
    %dma_wait3A_477 = tpu.memref_squeeze %dma_wait3A_476 : memref<1x256x64xf32, #tpu.memory_space<vmem>> -> memref<256x64xf32, #tpu.memory_space<vmem>>
    %dma_wait3A_478 = arith.constant 0 : i32
    %dma_wait3A_479 = arith.constant 0 : i32
    %dma_wait3A_480 = tpu.memref_slice %arg4[%dma_wait3A_478, %dma_wait3A_479] : memref<3276800x64xf32, #tpu.memory_space<hbm>> -> memref<256x64xf32, #tpu.memory_space<hbm>>
    tpu.wait_dma2 semaphore(%arg14 : memref<!tpu.dma_semaphore, #tpu.memory_space<semaphore_mem>>) src(%dma_wait3A_480 : memref<256x64xf32, #tpu.memory_space<hbm>>) dst(%dma_wait3A_477 : memref<256x64xf32, #tpu.memory_space<vmem>>)
    %dma_start3A_481 = arith.constant 2 : i32
    %dma_start3A_482 = arith.constant 0 : i32
    %dma_start3A_483 = arith.constant 2 : i32
    %dma_start3A_484 = arith.constant 0 : i32
    %dma_start3A_485 = arith.constant 0 : i32
    %dma_start3A_486 = tpu.memref_slice %arg6[%dma_start3A_483, %dma_start3A_484, %dma_start3A_485] : memref<5x256x64xf32, #tpu.memory_space<vmem>> -> memref<1x128x64xf32, #tpu.memory_space<vmem>>
    %dma_start3A_487 = tpu.memref_squeeze %dma_start3A_486 : memref<1x128x64xf32, #tpu.memory_space<vmem>> -> memref<128x64xf32, #tpu.memory_space<vmem>>
    %dma_start3A_488 = arith.constant 0 : i32
    %dma_start3A_489 = tpu.memref_slice %arg5[%dma_start3A_481, %dma_start3A_482, %dma_start3A_488] : memref<5x2x128xi32, #tpu.memory_space<vmem>> -> memref<1x1x128xi32, #tpu.memory_space<vmem>>
    %dma_start3A_490 = tpu.memref_squeeze %dma_start3A_489 : memref<1x1x128xi32, #tpu.memory_space<vmem>> -> memref<128xi32, #tpu.memory_space<vmem>>
    %dma_start3A_491 = arith.constant 0 : i32
    %dma_start3A_492 = arith.constant 0 : i32
    %dma_start3A_493 = tpu.memref_slice %arg2[%dma_start3A_491, %dma_start3A_492] : memref<2000000x64xf32, #tpu.memory_space<hbm>> -> memref<2000000x64xf32, #tpu.memory_space<hbm>>
    tpu.enqueue_indirect_dma source(%dma_start3A_493 : memref<2000000x64xf32, #tpu.memory_space<hbm>>) target(%dma_start3A_487 : memref<128x64xf32, #tpu.memory_space<vmem>>) offsets(%dma_start3A_490 : memref<128xi32, #tpu.memory_space<vmem>>) semaphore(%arg9 : memref<!tpu.dma_semaphore, #tpu.memory_space<semaphore_mem>>)
    %dma_start3A_494 = arith.constant 2 : i32
    %dma_start3A_495 = arith.constant 1 : i32
    %dma_start3A_496 = arith.constant 2 : i32
    %dma_start3A_497 = arith.constant 128 : i32
    %dma_start3A_498 = arith.constant 0 : i32
    %dma_start3A_499 = tpu.memref_slice %arg6[%dma_start3A_496, %dma_start3A_497, %dma_start3A_498] : memref<5x256x64xf32, #tpu.memory_space<vmem>> -> memref<1x128x64xf32, #tpu.memory_space<vmem>>
    %dma_start3A_500 = tpu.memref_squeeze %dma_start3A_499 : memref<1x128x64xf32, #tpu.memory_space<vmem>> -> memref<128x64xf32, #tpu.memory_space<vmem>>
    %dma_start3A_501 = arith.constant 0 : i32
    %dma_start3A_502 = tpu.memref_slice %arg5[%dma_start3A_494, %dma_start3A_495, %dma_start3A_501] : memref<5x2x128xi32, #tpu.memory_space<vmem>> -> memref<1x1x128xi32, #tpu.memory_space<vmem>>
    %dma_start3A_503 = tpu.memref_squeeze %dma_start3A_502 : memref<1x1x128xi32, #tpu.memory_space<vmem>> -> memref<128xi32, #tpu.memory_space<vmem>>
    %dma_start3A_504 = arith.constant 0 : i32
    %dma_start3A_505 = arith.constant 0 : i32
    %dma_start3A_506 = tpu.memref_slice %arg2[%dma_start3A_504, %dma_start3A_505] : memref<2000000x64xf32, #tpu.memory_space<hbm>> -> memref<2000000x64xf32, #tpu.memory_space<hbm>>
    tpu.enqueue_indirect_dma source(%dma_start3A_506 : memref<2000000x64xf32, #tpu.memory_space<hbm>>) target(%dma_start3A_500 : memref<128x64xf32, #tpu.memory_space<vmem>>) offsets(%dma_start3A_503 : memref<128xi32, #tpu.memory_space<vmem>>) semaphore(%arg9 : memref<!tpu.dma_semaphore, #tpu.memory_space<semaphore_mem>>)
    %add3A_507 = arith.constant 16 : i32
    %add3A_508 = arith.addi %mul3A_2, %add3A_507 : i32
    %dma_start3A_509 = arith.constant 3 : i32
    %dma_start3A_510 = arith.constant 0 : i32
    %dma_start3A_511 = arith.constant 0 : i32
    %dma_start3A_512 = tpu.memref_slice %arg5[%dma_start3A_509, %dma_start3A_510, %dma_start3A_511] : memref<5x2x128xi32, #tpu.memory_space<vmem>> -> memref<1x2x128xi32, #tpu.memory_space<vmem>>
    %dma_start3A_513 = tpu.memref_squeeze %dma_start3A_512 : memref<1x2x128xi32, #tpu.memory_space<vmem>> -> memref<2x128xi32, #tpu.memory_space<vmem>>
    %dma_start3A_514 = arith.constant 0 : i32
    %dma_start3A_515 = tpu.memref_slice %arg3[%add3A_508, %dma_start3A_514] : memref<25600x128xi32, #tpu.memory_space<hbm>> -> memref<2x128xi32, #tpu.memory_space<hbm>>
    %dma_start3A_516 = arith.constant 0 : i32
    %dma_start3A_517 = arith.constant 0 : i32
    %dma_start3A_518 = tpu.memref_slice %arg5[%dma_start3A_509, %dma_start3A_516, %dma_start3A_517] : memref<5x2x128xi32, #tpu.memory_space<vmem>> -> memref<1x2x128xi32, #tpu.memory_space<vmem>>
    %dma_start3A_519 = tpu.memref_squeeze %dma_start3A_518 : memref<1x2x128xi32, #tpu.memory_space<vmem>> -> memref<2x128xi32, #tpu.memory_space<vmem>>
    %dma_start3A_520 = arith.constant 0 : i32
    %dma_start3A_521 = tpu.memref_slice %arg3[%add3A_508, %dma_start3A_520] : memref<25600x128xi32, #tpu.memory_space<hbm>> -> memref<2x128xi32, #tpu.memory_space<hbm>>
    tpu.enqueue_dma source(%dma_start3A_521 : memref<2x128xi32, #tpu.memory_space<hbm>>) target(%dma_start3A_519 : memref<2x128xi32, #tpu.memory_space<vmem>>) target_semaphore(%arg20 : memref<!tpu.dma_semaphore, #tpu.memory_space<semaphore_mem>>)
    %dma_wait3A_522 = arith.constant 4 : i32
    %dma_wait3A_523 = arith.constant 0 : i32
    %dma_wait3A_524 = arith.constant 0 : i32
    %dma_wait3A_525 = tpu.memref_slice %arg6[%dma_wait3A_522, %dma_wait3A_523, %dma_wait3A_524] : memref<5x256x64xf32, #tpu.memory_space<vmem>> -> memref<1x256x64xf32, #tpu.memory_space<vmem>>
    %dma_wait3A_526 = tpu.memref_squeeze %dma_wait3A_525 : memref<1x256x64xf32, #tpu.memory_space<vmem>> -> memref<256x64xf32, #tpu.memory_space<vmem>>
    %dma_wait3A_527 = arith.constant 0 : i32
    %dma_wait3A_528 = arith.constant 0 : i32
    %dma_wait3A_529 = tpu.memref_slice %arg2[%dma_wait3A_527, %dma_wait3A_528] : memref<2000000x64xf32, #tpu.memory_space<hbm>> -> memref<256x64xf32, #tpu.memory_space<hbm>>
    %dma_wait3A_530 = arith.constant 0 : i32
    %dma_wait3A_531 = arith.constant 0 : i32
    %dma_wait3A_532 = tpu.memref_slice %arg6[%dma_wait3A_522, %dma_wait3A_530, %dma_wait3A_531] : memref<5x256x64xf32, #tpu.memory_space<vmem>> -> memref<1x256x64xf32, #tpu.memory_space<vmem>>
    %dma_wait3A_533 = tpu.memref_squeeze %dma_wait3A_532 : memref<1x256x64xf32, #tpu.memory_space<vmem>> -> memref<256x64xf32, #tpu.memory_space<vmem>>
    %dma_wait3A_534 = arith.constant 0 : i32
    %dma_wait3A_535 = arith.constant 0 : i32
    %dma_wait3A_536 = tpu.memref_slice %arg2[%dma_wait3A_534, %dma_wait3A_535] : memref<2000000x64xf32, #tpu.memory_space<hbm>> -> memref<256x64xf32, #tpu.memory_space<hbm>>
    tpu.wait_dma2 semaphore(%arg11 : memref<!tpu.dma_semaphore, #tpu.memory_space<semaphore_mem>>) src(%dma_wait3A_536 : memref<256x64xf32, #tpu.memory_space<hbm>>) dst(%dma_wait3A_533 : memref<256x64xf32, #tpu.memory_space<vmem>>)
    %add3A_537 = arith.constant 1024 : i32
    %add3A_538 = arith.addi %mul3A_4, %add3A_537 : i32
    %dma_start3A_539 = arith.constant 4 : i32
    %dma_start3A_540 = arith.constant 0 : i32
    %dma_start3A_541 = arith.constant 0 : i32
    %dma_start3A_542 = tpu.memref_slice %arg6[%dma_start3A_539, %dma_start3A_540, %dma_start3A_541] : memref<5x256x64xf32, #tpu.memory_space<vmem>> -> memref<1x256x64xf32, #tpu.memory_space<vmem>>
    %dma_start3A_543 = tpu.memref_squeeze %dma_start3A_542 : memref<1x256x64xf32, #tpu.memory_space<vmem>> -> memref<256x64xf32, #tpu.memory_space<vmem>>
    %dma_start3A_544 = arith.constant 0 : i32
    %dma_start3A_545 = tpu.memref_slice %arg4[%add3A_538, %dma_start3A_544] : memref<3276800x64xf32, #tpu.memory_space<hbm>> -> memref<256x64xf32, #tpu.memory_space<hbm>>
    %dma_start3A_546 = arith.constant 0 : i32
    %dma_start3A_547 = tpu.memref_slice %arg4[%add3A_538, %dma_start3A_546] : memref<3276800x64xf32, #tpu.memory_space<hbm>> -> memref<256x64xf32, #tpu.memory_space<hbm>>
    %dma_start3A_548 = arith.constant 0 : i32
    %dma_start3A_549 = arith.constant 0 : i32
    %dma_start3A_550 = tpu.memref_slice %arg6[%dma_start3A_539, %dma_start3A_548, %dma_start3A_549] : memref<5x256x64xf32, #tpu.memory_space<vmem>> -> memref<1x256x64xf32, #tpu.memory_space<vmem>>
    %dma_start3A_551 = tpu.memref_squeeze %dma_start3A_550 : memref<1x256x64xf32, #tpu.memory_space<vmem>> -> memref<256x64xf32, #tpu.memory_space<vmem>>
    tpu.enqueue_dma source(%dma_start3A_551 : memref<256x64xf32, #tpu.memory_space<vmem>>) target(%dma_start3A_547 : memref<256x64xf32, #tpu.memory_space<hbm>>) target_semaphore(%arg16 : memref<!tpu.dma_semaphore, #tpu.memory_space<semaphore_mem>>)
    %dma_wait3A_552 = arith.constant 3 : i32
    %dma_wait3A_553 = arith.constant 0 : i32
    %dma_wait3A_554 = arith.constant 0 : i32
    %dma_wait3A_555 = tpu.memref_slice %arg5[%dma_wait3A_552, %dma_wait3A_553, %dma_wait3A_554] : memref<5x2x128xi32, #tpu.memory_space<vmem>> -> memref<1x2x128xi32, #tpu.memory_space<vmem>>
    %dma_wait3A_556 = tpu.memref_squeeze %dma_wait3A_555 : memref<1x2x128xi32, #tpu.memory_space<vmem>> -> memref<2x128xi32, #tpu.memory_space<vmem>>
    %dma_wait3A_557 = arith.constant 0 : i32
    %dma_wait3A_558 = arith.constant 0 : i32
    %dma_wait3A_559 = tpu.memref_slice %arg3[%dma_wait3A_557, %dma_wait3A_558] : memref<25600x128xi32, #tpu.memory_space<hbm>> -> memref<2x128xi32, #tpu.memory_space<hbm>>
    %dma_wait3A_560 = arith.constant 0 : i32
    %dma_wait3A_561 = arith.constant 0 : i32
    %dma_wait3A_562 = tpu.memref_slice %arg5[%dma_wait3A_552, %dma_wait3A_560, %dma_wait3A_561] : memref<5x2x128xi32, #tpu.memory_space<vmem>> -> memref<1x2x128xi32, #tpu.memory_space<vmem>>
    %dma_wait3A_563 = tpu.memref_squeeze %dma_wait3A_562 : memref<1x2x128xi32, #tpu.memory_space<vmem>> -> memref<2x128xi32, #tpu.memory_space<vmem>>
    %dma_wait3A_564 = arith.constant 0 : i32
    %dma_wait3A_565 = arith.constant 0 : i32
    %dma_wait3A_566 = tpu.memref_slice %arg3[%dma_wait3A_564, %dma_wait3A_565] : memref<25600x128xi32, #tpu.memory_space<hbm>> -> memref<2x128xi32, #tpu.memory_space<hbm>>
    tpu.wait_dma2 semaphore(%arg20 : memref<!tpu.dma_semaphore, #tpu.memory_space<semaphore_mem>>) src(%dma_wait3A_566 : memref<2x128xi32, #tpu.memory_space<hbm>>) dst(%dma_wait3A_563 : memref<2x128xi32, #tpu.memory_space<vmem>>)
    %dma_wait3A_567 = arith.constant 3 : i32
    %dma_wait3A_568 = arith.constant 0 : i32
    %dma_wait3A_569 = arith.constant 0 : i32
    %dma_wait3A_570 = tpu.memref_slice %arg6[%dma_wait3A_567, %dma_wait3A_568, %dma_wait3A_569] : memref<5x256x64xf32, #tpu.memory_space<vmem>> -> memref<1x256x64xf32, #tpu.memory_space<vmem>>
    %dma_wait3A_571 = tpu.memref_squeeze %dma_wait3A_570 : memref<1x256x64xf32, #tpu.memory_space<vmem>> -> memref<256x64xf32, #tpu.memory_space<vmem>>
    %dma_wait3A_572 = arith.constant 0 : i32
    %dma_wait3A_573 = arith.constant 0 : i32
    %dma_wait3A_574 = tpu.memref_slice %arg4[%dma_wait3A_572, %dma_wait3A_573] : memref<3276800x64xf32, #tpu.memory_space<hbm>> -> memref<256x64xf32, #tpu.memory_space<hbm>>
    %dma_wait3A_575 = arith.constant 0 : i32
    %dma_wait3A_576 = arith.constant 0 : i32
    %dma_wait3A_577 = tpu.memref_slice %arg6[%dma_wait3A_567, %dma_wait3A_575, %dma_wait3A_576] : memref<5x256x64xf32, #tpu.memory_space<vmem>> -> memref<1x256x64xf32, #tpu.memory_space<vmem>>
    %dma_wait3A_578 = tpu.memref_squeeze %dma_wait3A_577 : memref<1x256x64xf32, #tpu.memory_space<vmem>> -> memref<256x64xf32, #tpu.memory_space<vmem>>
    %dma_wait3A_579 = arith.constant 0 : i32
    %dma_wait3A_580 = arith.constant 0 : i32
    %dma_wait3A_581 = tpu.memref_slice %arg4[%dma_wait3A_579, %dma_wait3A_580] : memref<3276800x64xf32, #tpu.memory_space<hbm>> -> memref<256x64xf32, #tpu.memory_space<hbm>>
    tpu.wait_dma2 semaphore(%arg15 : memref<!tpu.dma_semaphore, #tpu.memory_space<semaphore_mem>>) src(%dma_wait3A_581 : memref<256x64xf32, #tpu.memory_space<hbm>>) dst(%dma_wait3A_578 : memref<256x64xf32, #tpu.memory_space<vmem>>)
    %dma_start3A_582 = arith.constant 3 : i32
    %dma_start3A_583 = arith.constant 0 : i32
    %dma_start3A_584 = arith.constant 3 : i32
    %dma_start3A_585 = arith.constant 0 : i32
    %dma_start3A_586 = arith.constant 0 : i32
    %dma_start3A_587 = tpu.memref_slice %arg6[%dma_start3A_584, %dma_start3A_585, %dma_start3A_586] : memref<5x256x64xf32, #tpu.memory_space<vmem>> -> memref<1x128x64xf32, #tpu.memory_space<vmem>>
    %dma_start3A_588 = tpu.memref_squeeze %dma_start3A_587 : memref<1x128x64xf32, #tpu.memory_space<vmem>> -> memref<128x64xf32, #tpu.memory_space<vmem>>
    %dma_start3A_589 = arith.constant 0 : i32
    %dma_start3A_590 = tpu.memref_slice %arg5[%dma_start3A_582, %dma_start3A_583, %dma_start3A_589] : memref<5x2x128xi32, #tpu.memory_space<vmem>> -> memref<1x1x128xi32, #tpu.memory_space<vmem>>
    %dma_start3A_591 = tpu.memref_squeeze %dma_start3A_590 : memref<1x1x128xi32, #tpu.memory_space<vmem>> -> memref<128xi32, #tpu.memory_space<vmem>>
    %dma_start3A_592 = arith.constant 0 : i32
    %dma_start3A_593 = arith.constant 0 : i32
    %dma_start3A_594 = tpu.memref_slice %arg2[%dma_start3A_592, %dma_start3A_593] : memref<2000000x64xf32, #tpu.memory_space<hbm>> -> memref<2000000x64xf32, #tpu.memory_space<hbm>>
    tpu.enqueue_indirect_dma source(%dma_start3A_594 : memref<2000000x64xf32, #tpu.memory_space<hbm>>) target(%dma_start3A_588 : memref<128x64xf32, #tpu.memory_space<vmem>>) offsets(%dma_start3A_591 : memref<128xi32, #tpu.memory_space<vmem>>) semaphore(%arg10 : memref<!tpu.dma_semaphore, #tpu.memory_space<semaphore_mem>>)
    %dma_start3A_595 = arith.constant 3 : i32
    %dma_start3A_596 = arith.constant 1 : i32
    %dma_start3A_597 = arith.constant 3 : i32
    %dma_start3A_598 = arith.constant 128 : i32
    %dma_start3A_599 = arith.constant 0 : i32
    %dma_start3A_600 = tpu.memref_slice %arg6[%dma_start3A_597, %dma_start3A_598, %dma_start3A_599] : memref<5x256x64xf32, #tpu.memory_space<vmem>> -> memref<1x128x64xf32, #tpu.memory_space<vmem>>
    %dma_start3A_601 = tpu.memref_squeeze %dma_start3A_600 : memref<1x128x64xf32, #tpu.memory_space<vmem>> -> memref<128x64xf32, #tpu.memory_space<vmem>>
    %dma_start3A_602 = arith.constant 0 : i32
    %dma_start3A_603 = tpu.memref_slice %arg5[%dma_start3A_595, %dma_start3A_596, %dma_start3A_602] : memref<5x2x128xi32, #tpu.memory_space<vmem>> -> memref<1x1x128xi32, #tpu.memory_space<vmem>>
    %dma_start3A_604 = tpu.memref_squeeze %dma_start3A_603 : memref<1x1x128xi32, #tpu.memory_space<vmem>> -> memref<128xi32, #tpu.memory_space<vmem>>
    %dma_start3A_605 = arith.constant 0 : i32
    %dma_start3A_606 = arith.constant 0 : i32
    %dma_start3A_607 = tpu.memref_slice %arg2[%dma_start3A_605, %dma_start3A_606] : memref<2000000x64xf32, #tpu.memory_space<hbm>> -> memref<2000000x64xf32, #tpu.memory_space<hbm>>
    tpu.enqueue_indirect_dma source(%dma_start3A_607 : memref<2000000x64xf32, #tpu.memory_space<hbm>>) target(%dma_start3A_601 : memref<128x64xf32, #tpu.memory_space<vmem>>) offsets(%dma_start3A_604 : memref<128xi32, #tpu.memory_space<vmem>>) semaphore(%arg10 : memref<!tpu.dma_semaphore, #tpu.memory_space<semaphore_mem>>)
    %add3A_608 = arith.constant 18 : i32
    %add3A_609 = arith.addi %mul3A_2, %add3A_608 : i32
    %dma_start3A_610 = arith.constant 4 : i32
    %dma_start3A_611 = arith.constant 0 : i32
    %dma_start3A_612 = arith.constant 0 : i32
    %dma_start3A_613 = tpu.memref_slice %arg5[%dma_start3A_610, %dma_start3A_611, %dma_start3A_612] : memref<5x2x128xi32, #tpu.memory_space<vmem>> -> memref<1x2x128xi32, #tpu.memory_space<vmem>>
    %dma_start3A_614 = tpu.memref_squeeze %dma_start3A_613 : memref<1x2x128xi32, #tpu.memory_space<vmem>> -> memref<2x128xi32, #tpu.memory_space<vmem>>
    %dma_start3A_615 = arith.constant 0 : i32
    %dma_start3A_616 = tpu.memref_slice %arg3[%add3A_609, %dma_start3A_615] : memref<25600x128xi32, #tpu.memory_space<hbm>> -> memref<2x128xi32, #tpu.memory_space<hbm>>
    %dma_start3A_617 = arith.constant 0 : i32
    %dma_start3A_618 = arith.constant 0 : i32
    %dma_start3A_619 = tpu.memref_slice %arg5[%dma_start3A_610, %dma_start3A_617, %dma_start3A_618] : memref<5x2x128xi32, #tpu.memory_space<vmem>> -> memref<1x2x128xi32, #tpu.memory_space<vmem>>
    %dma_start3A_620 = tpu.memref_squeeze %dma_start3A_619 : memref<1x2x128xi32, #tpu.memory_space<vmem>> -> memref<2x128xi32, #tpu.memory_space<vmem>>
    %dma_start3A_621 = arith.constant 0 : i32
    %dma_start3A_622 = tpu.memref_slice %arg3[%add3A_609, %dma_start3A_621] : memref<25600x128xi32, #tpu.memory_space<hbm>> -> memref<2x128xi32, #tpu.memory_space<hbm>>
    tpu.enqueue_dma source(%dma_start3A_622 : memref<2x128xi32, #tpu.memory_space<hbm>>) target(%dma_start3A_620 : memref<2x128xi32, #tpu.memory_space<vmem>>) target_semaphore(%arg21 : memref<!tpu.dma_semaphore, #tpu.memory_space<semaphore_mem>>)
    %scan3A = arith.constant 0 : i32
    %scan3A_623 = arith.constant 1 : i32
    %scan3A_624 = arith.constant 78 : i32
    %scan3A_625 = arith.addi %scan3A_623, %scan3A_624 : i32
    %scan3A_626 = arith.constant 1 : i32
    scf.for %scan3A_909 = %scan3A_623 to %scan3A_625 step %scan3A_626  : i32 {
      %mul3A_910 = arith.constant 5 : i32
      %mul3A_911 = arith.muli %scan3A_909, %mul3A_910 : i32
      %add3A_912 = arith.constant 0 : i32
      %add3A_913 = arith.addi %mul3A_911, %add3A_912 : i32
      %dma_wait3A_914 = arith.constant 0 : i32
      %dma_wait3A_915 = arith.constant 0 : i32
      %dma_wait3A_916 = arith.constant 0 : i32
      %dma_wait3A_917 = tpu.memref_slice %arg6[%dma_wait3A_914, %dma_wait3A_915, %dma_wait3A_916] : memref<5x256x64xf32, #tpu.memory_space<vmem>> -> memref<1x256x64xf32, #tpu.memory_space<vmem>>
      %dma_wait3A_918 = tpu.memref_squeeze %dma_wait3A_917 : memref<1x256x64xf32, #tpu.memory_space<vmem>> -> memref<256x64xf32, #tpu.memory_space<vmem>>
      %dma_wait3A_919 = arith.constant 0 : i32
      %dma_wait3A_920 = arith.constant 0 : i32
      %dma_wait3A_921 = tpu.memref_slice %arg2[%dma_wait3A_919, %dma_wait3A_920] : memref<2000000x64xf32, #tpu.memory_space<hbm>> -> memref<256x64xf32, #tpu.memory_space<hbm>>
      %dma_wait3A_922 = arith.constant 0 : i32
      %dma_wait3A_923 = arith.constant 0 : i32
      %dma_wait3A_924 = tpu.memref_slice %arg6[%dma_wait3A_914, %dma_wait3A_922, %dma_wait3A_923] : memref<5x256x64xf32, #tpu.memory_space<vmem>> -> memref<1x256x64xf32, #tpu.memory_space<vmem>>
      %dma_wait3A_925 = tpu.memref_squeeze %dma_wait3A_924 : memref<1x256x64xf32, #tpu.memory_space<vmem>> -> memref<256x64xf32, #tpu.memory_space<vmem>>
      %dma_wait3A_926 = arith.constant 0 : i32
      %dma_wait3A_927 = arith.constant 0 : i32
      %dma_wait3A_928 = tpu.memref_slice %arg2[%dma_wait3A_926, %dma_wait3A_927] : memref<2000000x64xf32, #tpu.memory_space<hbm>> -> memref<256x64xf32, #tpu.memory_space<hbm>>
      tpu.wait_dma2 semaphore(%arg7 : memref<!tpu.dma_semaphore, #tpu.memory_space<semaphore_mem>>) src(%dma_wait3A_928 : memref<256x64xf32, #tpu.memory_space<hbm>>) dst(%dma_wait3A_925 : memref<256x64xf32, #tpu.memory_space<vmem>>)
      %mul3A_929 = arith.constant 256 : i32
      %mul3A_930 = arith.muli %add3A_913, %mul3A_929 : i32
      %add3A_931 = arith.addi %mul3A_4, %mul3A_930 : i32
      %dma_start3A_932 = arith.constant 0 : i32
      %dma_start3A_933 = arith.constant 0 : i32
      %dma_start3A_934 = arith.constant 0 : i32
      %dma_start3A_935 = tpu.memref_slice %arg6[%dma_start3A_932, %dma_start3A_933, %dma_start3A_934] : memref<5x256x64xf32, #tpu.memory_space<vmem>> -> memref<1x256x64xf32, #tpu.memory_space<vmem>>
      %dma_start3A_936 = tpu.memref_squeeze %dma_start3A_935 : memref<1x256x64xf32, #tpu.memory_space<vmem>> -> memref<256x64xf32, #tpu.memory_space<vmem>>
      %dma_start3A_937 = arith.constant 0 : i32
      %dma_start3A_938 = tpu.memref_slice %arg4[%add3A_931, %dma_start3A_937] : memref<3276800x64xf32, #tpu.memory_space<hbm>> -> memref<256x64xf32, #tpu.memory_space<hbm>>
      %dma_start3A_939 = arith.constant 0 : i32
      %dma_start3A_940 = tpu.memref_slice %arg4[%add3A_931, %dma_start3A_939] : memref<3276800x64xf32, #tpu.memory_space<hbm>> -> memref<256x64xf32, #tpu.memory_space<hbm>>
      %dma_start3A_941 = arith.constant 0 : i32
      %dma_start3A_942 = arith.constant 0 : i32
      %dma_start3A_943 = tpu.memref_slice %arg6[%dma_start3A_932, %dma_start3A_941, %dma_start3A_942] : memref<5x256x64xf32, #tpu.memory_space<vmem>> -> memref<1x256x64xf32, #tpu.memory_space<vmem>>
      %dma_start3A_944 = tpu.memref_squeeze %dma_start3A_943 : memref<1x256x64xf32, #tpu.memory_space<vmem>> -> memref<256x64xf32, #tpu.memory_space<vmem>>
      tpu.enqueue_dma source(%dma_start3A_944 : memref<256x64xf32, #tpu.memory_space<vmem>>) target(%dma_start3A_940 : memref<256x64xf32, #tpu.memory_space<hbm>>) target_semaphore(%arg12 : memref<!tpu.dma_semaphore, #tpu.memory_space<semaphore_mem>>)
      %dma_wait3A_945 = arith.constant 4 : i32
      %dma_wait3A_946 = arith.constant 0 : i32
      %dma_wait3A_947 = arith.constant 0 : i32
      %dma_wait3A_948 = tpu.memref_slice %arg5[%dma_wait3A_945, %dma_wait3A_946, %dma_wait3A_947] : memref<5x2x128xi32, #tpu.memory_space<vmem>> -> memref<1x2x128xi32, #tpu.memory_space<vmem>>
      %dma_wait3A_949 = tpu.memref_squeeze %dma_wait3A_948 : memref<1x2x128xi32, #tpu.memory_space<vmem>> -> memref<2x128xi32, #tpu.memory_space<vmem>>
      %dma_wait3A_950 = arith.constant 0 : i32
      %dma_wait3A_951 = arith.constant 0 : i32
      %dma_wait3A_952 = tpu.memref_slice %arg3[%dma_wait3A_950, %dma_wait3A_951] : memref<25600x128xi32, #tpu.memory_space<hbm>> -> memref<2x128xi32, #tpu.memory_space<hbm>>
      %dma_wait3A_953 = arith.constant 0 : i32
      %dma_wait3A_954 = arith.constant 0 : i32
      %dma_wait3A_955 = tpu.memref_slice %arg5[%dma_wait3A_945, %dma_wait3A_953, %dma_wait3A_954] : memref<5x2x128xi32, #tpu.memory_space<vmem>> -> memref<1x2x128xi32, #tpu.memory_space<vmem>>
      %dma_wait3A_956 = tpu.memref_squeeze %dma_wait3A_955 : memref<1x2x128xi32, #tpu.memory_space<vmem>> -> memref<2x128xi32, #tpu.memory_space<vmem>>
      %dma_wait3A_957 = arith.constant 0 : i32
      %dma_wait3A_958 = arith.constant 0 : i32
      %dma_wait3A_959 = tpu.memref_slice %arg3[%dma_wait3A_957, %dma_wait3A_958] : memref<25600x128xi32, #tpu.memory_space<hbm>> -> memref<2x128xi32, #tpu.memory_space<hbm>>
      tpu.wait_dma2 semaphore(%arg21 : memref<!tpu.dma_semaphore, #tpu.memory_space<semaphore_mem>>) src(%dma_wait3A_959 : memref<2x128xi32, #tpu.memory_space<hbm>>) dst(%dma_wait3A_956 : memref<2x128xi32, #tpu.memory_space<vmem>>)
      %dma_wait3A_960 = arith.constant 4 : i32
      %dma_wait3A_961 = arith.constant 0 : i32
      %dma_wait3A_962 = arith.constant 0 : i32
      %dma_wait3A_963 = tpu.memref_slice %arg6[%dma_wait3A_960, %dma_wait3A_961, %dma_wait3A_962] : memref<5x256x64xf32, #tpu.memory_space<vmem>> -> memref<1x256x64xf32, #tpu.memory_space<vmem>>
      %dma_wait3A_964 = tpu.memref_squeeze %dma_wait3A_963 : memref<1x256x64xf32, #tpu.memory_space<vmem>> -> memref<256x64xf32, #tpu.memory_space<vmem>>
      %dma_wait3A_965 = arith.constant 0 : i32
      %dma_wait3A_966 = arith.constant 0 : i32
      %dma_wait3A_967 = tpu.memref_slice %arg4[%dma_wait3A_965, %dma_wait3A_966] : memref<3276800x64xf32, #tpu.memory_space<hbm>> -> memref<256x64xf32, #tpu.memory_space<hbm>>
      %dma_wait3A_968 = arith.constant 0 : i32
      %dma_wait3A_969 = arith.constant 0 : i32
      %dma_wait3A_970 = tpu.memref_slice %arg6[%dma_wait3A_960, %dma_wait3A_968, %dma_wait3A_969] : memref<5x256x64xf32, #tpu.memory_space<vmem>> -> memref<1x256x64xf32, #tpu.memory_space<vmem>>
      %dma_wait3A_971 = tpu.memref_squeeze %dma_wait3A_970 : memref<1x256x64xf32, #tpu.memory_space<vmem>> -> memref<256x64xf32, #tpu.memory_space<vmem>>
      %dma_wait3A_972 = arith.constant 0 : i32
      %dma_wait3A_973 = arith.constant 0 : i32
      %dma_wait3A_974 = tpu.memref_slice %arg4[%dma_wait3A_972, %dma_wait3A_973] : memref<3276800x64xf32, #tpu.memory_space<hbm>> -> memref<256x64xf32, #tpu.memory_space<hbm>>
      tpu.wait_dma2 semaphore(%arg16 : memref<!tpu.dma_semaphore, #tpu.memory_space<semaphore_mem>>) src(%dma_wait3A_974 : memref<256x64xf32, #tpu.memory_space<hbm>>) dst(%dma_wait3A_971 : memref<256x64xf32, #tpu.memory_space<vmem>>)
      %add3A_975 = arith.constant 4 : i32
      %add3A_976 = arith.addi %add3A_913, %add3A_975 : i32
      %dma_start3A_977 = arith.constant 4 : i32
      %dma_start3A_978 = arith.constant 0 : i32
      %dma_start3A_979 = arith.constant 4 : i32
      %dma_start3A_980 = arith.constant 0 : i32
      %dma_start3A_981 = arith.constant 0 : i32
      %dma_start3A_982 = tpu.memref_slice %arg6[%dma_start3A_979, %dma_start3A_980, %dma_start3A_981] : memref<5x256x64xf32, #tpu.memory_space<vmem>> -> memref<1x128x64xf32, #tpu.memory_space<vmem>>
      %dma_start3A_983 = tpu.memref_squeeze %dma_start3A_982 : memref<1x128x64xf32, #tpu.memory_space<vmem>> -> memref<128x64xf32, #tpu.memory_space<vmem>>
      %dma_start3A_984 = arith.constant 0 : i32
      %dma_start3A_985 = tpu.memref_slice %arg5[%dma_start3A_977, %dma_start3A_978, %dma_start3A_984] : memref<5x2x128xi32, #tpu.memory_space<vmem>> -> memref<1x1x128xi32, #tpu.memory_space<vmem>>
      %dma_start3A_986 = tpu.memref_squeeze %dma_start3A_985 : memref<1x1x128xi32, #tpu.memory_space<vmem>> -> memref<128xi32, #tpu.memory_space<vmem>>
      %dma_start3A_987 = arith.constant 0 : i32
      %dma_start3A_988 = arith.constant 0 : i32
      %dma_start3A_989 = tpu.memref_slice %arg2[%dma_start3A_987, %dma_start3A_988] : memref<2000000x64xf32, #tpu.memory_space<hbm>> -> memref<2000000x64xf32, #tpu.memory_space<hbm>>
      tpu.enqueue_indirect_dma source(%dma_start3A_989 : memref<2000000x64xf32, #tpu.memory_space<hbm>>) target(%dma_start3A_983 : memref<128x64xf32, #tpu.memory_space<vmem>>) offsets(%dma_start3A_986 : memref<128xi32, #tpu.memory_space<vmem>>) semaphore(%arg11 : memref<!tpu.dma_semaphore, #tpu.memory_space<semaphore_mem>>)
      %dma_start3A_990 = arith.constant 4 : i32
      %dma_start3A_991 = arith.constant 1 : i32
      %dma_start3A_992 = arith.constant 4 : i32
      %dma_start3A_993 = arith.constant 128 : i32
      %dma_start3A_994 = arith.constant 0 : i32
      %dma_start3A_995 = tpu.memref_slice %arg6[%dma_start3A_992, %dma_start3A_993, %dma_start3A_994] : memref<5x256x64xf32, #tpu.memory_space<vmem>> -> memref<1x128x64xf32, #tpu.memory_space<vmem>>
      %dma_start3A_996 = tpu.memref_squeeze %dma_start3A_995 : memref<1x128x64xf32, #tpu.memory_space<vmem>> -> memref<128x64xf32, #tpu.memory_space<vmem>>
      %dma_start3A_997 = arith.constant 0 : i32
      %dma_start3A_998 = tpu.memref_slice %arg5[%dma_start3A_990, %dma_start3A_991, %dma_start3A_997] : memref<5x2x128xi32, #tpu.memory_space<vmem>> -> memref<1x1x128xi32, #tpu.memory_space<vmem>>
      %dma_start3A_999 = tpu.memref_squeeze %dma_start3A_998 : memref<1x1x128xi32, #tpu.memory_space<vmem>> -> memref<128xi32, #tpu.memory_space<vmem>>
      %dma_start3A_1000 = arith.constant 0 : i32
      %dma_start3A_1001 = arith.constant 0 : i32
      %dma_start3A_1002 = tpu.memref_slice %arg2[%dma_start3A_1000, %dma_start3A_1001] : memref<2000000x64xf32, #tpu.memory_space<hbm>> -> memref<2000000x64xf32, #tpu.memory_space<hbm>>
      tpu.enqueue_indirect_dma source(%dma_start3A_1002 : memref<2000000x64xf32, #tpu.memory_space<hbm>>) target(%dma_start3A_996 : memref<128x64xf32, #tpu.memory_space<vmem>>) offsets(%dma_start3A_999 : memref<128xi32, #tpu.memory_space<vmem>>) semaphore(%arg11 : memref<!tpu.dma_semaphore, #tpu.memory_space<semaphore_mem>>)
      %add3A_1003 = arith.constant 4 : i32
      %add3A_1004 = arith.addi %add3A_913, %add3A_1003 : i32
      %add3A_1005 = arith.constant 1 : i32
      %add3A_1006 = arith.addi %add3A_1004, %add3A_1005 : i32
      %mul3A_1007 = arith.constant 2 : i32
      %mul3A_1008 = arith.muli %add3A_1006, %mul3A_1007 : i32
      %add3A_1009 = arith.addi %mul3A_2, %mul3A_1008 : i32
      %dma_start3A_1010 = arith.constant 0 : i32
      %dma_start3A_1011 = arith.constant 0 : i32
      %dma_start3A_1012 = arith.constant 0 : i32
      %dma_start3A_1013 = tpu.memref_slice %arg5[%dma_start3A_1010, %dma_start3A_1011, %dma_start3A_1012] : memref<5x2x128xi32, #tpu.memory_space<vmem>> -> memref<1x2x128xi32, #tpu.memory_space<vmem>>
      %dma_start3A_1014 = tpu.memref_squeeze %dma_start3A_1013 : memref<1x2x128xi32, #tpu.memory_space<vmem>> -> memref<2x128xi32, #tpu.memory_space<vmem>>
      %dma_start3A_1015 = arith.constant 0 : i32
      %dma_start3A_1016 = tpu.memref_slice %arg3[%add3A_1009, %dma_start3A_1015] : memref<25600x128xi32, #tpu.memory_space<hbm>> -> memref<2x128xi32, #tpu.memory_space<hbm>>
      %dma_start3A_1017 = arith.constant 0 : i32
      %dma_start3A_1018 = arith.constant 0 : i32
      %dma_start3A_1019 = tpu.memref_slice %arg5[%dma_start3A_1010, %dma_start3A_1017, %dma_start3A_1018] : memref<5x2x128xi32, #tpu.memory_space<vmem>> -> memref<1x2x128xi32, #tpu.memory_space<vmem>>
      %dma_start3A_1020 = tpu.memref_squeeze %dma_start3A_1019 : memref<1x2x128xi32, #tpu.memory_space<vmem>> -> memref<2x128xi32, #tpu.memory_space<vmem>>
      %dma_start3A_1021 = arith.constant 0 : i32
      %dma_start3A_1022 = tpu.memref_slice %arg3[%add3A_1009, %dma_start3A_1021] : memref<25600x128xi32, #tpu.memory_space<hbm>> -> memref<2x128xi32, #tpu.memory_space<hbm>>
      tpu.enqueue_dma source(%dma_start3A_1022 : memref<2x128xi32, #tpu.memory_space<hbm>>) target(%dma_start3A_1020 : memref<2x128xi32, #tpu.memory_space<vmem>>) target_semaphore(%arg17 : memref<!tpu.dma_semaphore, #tpu.memory_space<semaphore_mem>>)
      %mul3A_1023 = arith.constant 5 : i32
      %mul3A_1024 = arith.muli %scan3A_909, %mul3A_1023 : i32
      %add3A_1025 = arith.constant 1 : i32
      %add3A_1026 = arith.addi %mul3A_1024, %add3A_1025 : i32
      %dma_wait3A_1027 = arith.constant 1 : i32
      %dma_wait3A_1028 = arith.constant 0 : i32
      %dma_wait3A_1029 = arith.constant 0 : i32
      %dma_wait3A_1030 = tpu.memref_slice %arg6[%dma_wait3A_1027, %dma_wait3A_1028, %dma_wait3A_1029] : memref<5x256x64xf32, #tpu.memory_space<vmem>> -> memref<1x256x64xf32, #tpu.memory_space<vmem>>
      %dma_wait3A_1031 = tpu.memref_squeeze %dma_wait3A_1030 : memref<1x256x64xf32, #tpu.memory_space<vmem>> -> memref<256x64xf32, #tpu.memory_space<vmem>>
      %dma_wait3A_1032 = arith.constant 0 : i32
      %dma_wait3A_1033 = arith.constant 0 : i32
      %dma_wait3A_1034 = tpu.memref_slice %arg2[%dma_wait3A_1032, %dma_wait3A_1033] : memref<2000000x64xf32, #tpu.memory_space<hbm>> -> memref<256x64xf32, #tpu.memory_space<hbm>>
      %dma_wait3A_1035 = arith.constant 0 : i32
      %dma_wait3A_1036 = arith.constant 0 : i32
      %dma_wait3A_1037 = tpu.memref_slice %arg6[%dma_wait3A_1027, %dma_wait3A_1035, %dma_wait3A_1036] : memref<5x256x64xf32, #tpu.memory_space<vmem>> -> memref<1x256x64xf32, #tpu.memory_space<vmem>>
      %dma_wait3A_1038 = tpu.memref_squeeze %dma_wait3A_1037 : memref<1x256x64xf32, #tpu.memory_space<vmem>> -> memref<256x64xf32, #tpu.memory_space<vmem>>
      %dma_wait3A_1039 = arith.constant 0 : i32
      %dma_wait3A_1040 = arith.constant 0 : i32
      %dma_wait3A_1041 = tpu.memref_slice %arg2[%dma_wait3A_1039, %dma_wait3A_1040] : memref<2000000x64xf32, #tpu.memory_space<hbm>> -> memref<256x64xf32, #tpu.memory_space<hbm>>
      tpu.wait_dma2 semaphore(%arg8 : memref<!tpu.dma_semaphore, #tpu.memory_space<semaphore_mem>>) src(%dma_wait3A_1041 : memref<256x64xf32, #tpu.memory_space<hbm>>) dst(%dma_wait3A_1038 : memref<256x64xf32, #tpu.memory_space<vmem>>)
      %mul3A_1042 = arith.constant 256 : i32
      %mul3A_1043 = arith.muli %add3A_1026, %mul3A_1042 : i32
      %add3A_1044 = arith.addi %mul3A_4, %mul3A_1043 : i32
      %dma_start3A_1045 = arith.constant 1 : i32
      %dma_start3A_1046 = arith.constant 0 : i32
      %dma_start3A_1047 = arith.constant 0 : i32
      %dma_start3A_1048 = tpu.memref_slice %arg6[%dma_start3A_1045, %dma_start3A_1046, %dma_start3A_1047] : memref<5x256x64xf32, #tpu.memory_space<vmem>> -> memref<1x256x64xf32, #tpu.memory_space<vmem>>
      %dma_start3A_1049 = tpu.memref_squeeze %dma_start3A_1048 : memref<1x256x64xf32, #tpu.memory_space<vmem>> -> memref<256x64xf32, #tpu.memory_space<vmem>>
      %dma_start3A_1050 = arith.constant 0 : i32
      %dma_start3A_1051 = tpu.memref_slice %arg4[%add3A_1044, %dma_start3A_1050] : memref<3276800x64xf32, #tpu.memory_space<hbm>> -> memref<256x64xf32, #tpu.memory_space<hbm>>
      %dma_start3A_1052 = arith.constant 0 : i32
      %dma_start3A_1053 = tpu.memref_slice %arg4[%add3A_1044, %dma_start3A_1052] : memref<3276800x64xf32, #tpu.memory_space<hbm>> -> memref<256x64xf32, #tpu.memory_space<hbm>>
      %dma_start3A_1054 = arith.constant 0 : i32
      %dma_start3A_1055 = arith.constant 0 : i32
      %dma_start3A_1056 = tpu.memref_slice %arg6[%dma_start3A_1045, %dma_start3A_1054, %dma_start3A_1055] : memref<5x256x64xf32, #tpu.memory_space<vmem>> -> memref<1x256x64xf32, #tpu.memory_space<vmem>>
      %dma_start3A_1057 = tpu.memref_squeeze %dma_start3A_1056 : memref<1x256x64xf32, #tpu.memory_space<vmem>> -> memref<256x64xf32, #tpu.memory_space<vmem>>
      tpu.enqueue_dma source(%dma_start3A_1057 : memref<256x64xf32, #tpu.memory_space<vmem>>) target(%dma_start3A_1053 : memref<256x64xf32, #tpu.memory_space<hbm>>) target_semaphore(%arg13 : memref<!tpu.dma_semaphore, #tpu.memory_space<semaphore_mem>>)
      %dma_wait3A_1058 = arith.constant 0 : i32
      %dma_wait3A_1059 = arith.constant 0 : i32
      %dma_wait3A_1060 = arith.constant 0 : i32
      %dma_wait3A_1061 = tpu.memref_slice %arg5[%dma_wait3A_1058, %dma_wait3A_1059, %dma_wait3A_1060] : memref<5x2x128xi32, #tpu.memory_space<vmem>> -> memref<1x2x128xi32, #tpu.memory_space<vmem>>
      %dma_wait3A_1062 = tpu.memref_squeeze %dma_wait3A_1061 : memref<1x2x128xi32, #tpu.memory_space<vmem>> -> memref<2x128xi32, #tpu.memory_space<vmem>>
      %dma_wait3A_1063 = arith.constant 0 : i32
      %dma_wait3A_1064 = arith.constant 0 : i32
      %dma_wait3A_1065 = tpu.memref_slice %arg3[%dma_wait3A_1063, %dma_wait3A_1064] : memref<25600x128xi32, #tpu.memory_space<hbm>> -> memref<2x128xi32, #tpu.memory_space<hbm>>
      %dma_wait3A_1066 = arith.constant 0 : i32
      %dma_wait3A_1067 = arith.constant 0 : i32
      %dma_wait3A_1068 = tpu.memref_slice %arg5[%dma_wait3A_1058, %dma_wait3A_1066, %dma_wait3A_1067] : memref<5x2x128xi32, #tpu.memory_space<vmem>> -> memref<1x2x128xi32, #tpu.memory_space<vmem>>
      %dma_wait3A_1069 = tpu.memref_squeeze %dma_wait3A_1068 : memref<1x2x128xi32, #tpu.memory_space<vmem>> -> memref<2x128xi32, #tpu.memory_space<vmem>>
      %dma_wait3A_1070 = arith.constant 0 : i32
      %dma_wait3A_1071 = arith.constant 0 : i32
      %dma_wait3A_1072 = tpu.memref_slice %arg3[%dma_wait3A_1070, %dma_wait3A_1071] : memref<25600x128xi32, #tpu.memory_space<hbm>> -> memref<2x128xi32, #tpu.memory_space<hbm>>
      tpu.wait_dma2 semaphore(%arg17 : memref<!tpu.dma_semaphore, #tpu.memory_space<semaphore_mem>>) src(%dma_wait3A_1072 : memref<2x128xi32, #tpu.memory_space<hbm>>) dst(%dma_wait3A_1069 : memref<2x128xi32, #tpu.memory_space<vmem>>)
      %dma_wait3A_1073 = arith.constant 0 : i32
      %dma_wait3A_1074 = arith.constant 0 : i32
      %dma_wait3A_1075 = arith.constant 0 : i32
      %dma_wait3A_1076 = tpu.memref_slice %arg6[%dma_wait3A_1073, %dma_wait3A_1074, %dma_wait3A_1075] : memref<5x256x64xf32, #tpu.memory_space<vmem>> -> memref<1x256x64xf32, #tpu.memory_space<vmem>>
      %dma_wait3A_1077 = tpu.memref_squeeze %dma_wait3A_1076 : memref<1x256x64xf32, #tpu.memory_space<vmem>> -> memref<256x64xf32, #tpu.memory_space<vmem>>
      %dma_wait3A_1078 = arith.constant 0 : i32
      %dma_wait3A_1079 = arith.constant 0 : i32
      %dma_wait3A_1080 = tpu.memref_slice %arg4[%dma_wait3A_1078, %dma_wait3A_1079] : memref<3276800x64xf32, #tpu.memory_space<hbm>> -> memref<256x64xf32, #tpu.memory_space<hbm>>
      %dma_wait3A_1081 = arith.constant 0 : i32
      %dma_wait3A_1082 = arith.constant 0 : i32
      %dma_wait3A_1083 = tpu.memref_slice %arg6[%dma_wait3A_1073, %dma_wait3A_1081, %dma_wait3A_1082] : memref<5x256x64xf32, #tpu.memory_space<vmem>> -> memref<1x256x64xf32, #tpu.memory_space<vmem>>
      %dma_wait3A_1084 = tpu.memref_squeeze %dma_wait3A_1083 : memref<1x256x64xf32, #tpu.memory_space<vmem>> -> memref<256x64xf32, #tpu.memory_space<vmem>>
      %dma_wait3A_1085 = arith.constant 0 : i32
      %dma_wait3A_1086 = arith.constant 0 : i32
      %dma_wait3A_1087 = tpu.memref_slice %arg4[%dma_wait3A_1085, %dma_wait3A_1086] : memref<3276800x64xf32, #tpu.memory_space<hbm>> -> memref<256x64xf32, #tpu.memory_space<hbm>>
      tpu.wait_dma2 semaphore(%arg12 : memref<!tpu.dma_semaphore, #tpu.memory_space<semaphore_mem>>) src(%dma_wait3A_1087 : memref<256x64xf32, #tpu.memory_space<hbm>>) dst(%dma_wait3A_1084 : memref<256x64xf32, #tpu.memory_space<vmem>>)
      %add3A_1088 = arith.constant 4 : i32
      %add3A_1089 = arith.addi %add3A_1026, %add3A_1088 : i32
      %dma_start3A_1090 = arith.constant 0 : i32
      %dma_start3A_1091 = arith.constant 0 : i32
      %dma_start3A_1092 = arith.constant 0 : i32
      %dma_start3A_1093 = arith.constant 0 : i32
      %dma_start3A_1094 = arith.constant 0 : i32
      %dma_start3A_1095 = tpu.memref_slice %arg6[%dma_start3A_1092, %dma_start3A_1093, %dma_start3A_1094] : memref<5x256x64xf32, #tpu.memory_space<vmem>> -> memref<1x128x64xf32, #tpu.memory_space<vmem>>
      %dma_start3A_1096 = tpu.memref_squeeze %dma_start3A_1095 : memref<1x128x64xf32, #tpu.memory_space<vmem>> -> memref<128x64xf32, #tpu.memory_space<vmem>>
      %dma_start3A_1097 = arith.constant 0 : i32
      %dma_start3A_1098 = tpu.memref_slice %arg5[%dma_start3A_1090, %dma_start3A_1091, %dma_start3A_1097] : memref<5x2x128xi32, #tpu.memory_space<vmem>> -> memref<1x1x128xi32, #tpu.memory_space<vmem>>
      %dma_start3A_1099 = tpu.memref_squeeze %dma_start3A_1098 : memref<1x1x128xi32, #tpu.memory_space<vmem>> -> memref<128xi32, #tpu.memory_space<vmem>>
      %dma_start3A_1100 = arith.constant 0 : i32
      %dma_start3A_1101 = arith.constant 0 : i32
      %dma_start3A_1102 = tpu.memref_slice %arg2[%dma_start3A_1100, %dma_start3A_1101] : memref<2000000x64xf32, #tpu.memory_space<hbm>> -> memref<2000000x64xf32, #tpu.memory_space<hbm>>
      tpu.enqueue_indirect_dma source(%dma_start3A_1102 : memref<2000000x64xf32, #tpu.memory_space<hbm>>) target(%dma_start3A_1096 : memref<128x64xf32, #tpu.memory_space<vmem>>) offsets(%dma_start3A_1099 : memref<128xi32, #tpu.memory_space<vmem>>) semaphore(%arg7 : memref<!tpu.dma_semaphore, #tpu.memory_space<semaphore_mem>>)
      %dma_start3A_1103 = arith.constant 0 : i32
      %dma_start3A_1104 = arith.constant 1 : i32
      %dma_start3A_1105 = arith.constant 0 : i32
      %dma_start3A_1106 = arith.constant 128 : i32
      %dma_start3A_1107 = arith.constant 0 : i32
      %dma_start3A_1108 = tpu.memref_slice %arg6[%dma_start3A_1105, %dma_start3A_1106, %dma_start3A_1107] : memref<5x256x64xf32, #tpu.memory_space<vmem>> -> memref<1x128x64xf32, #tpu.memory_space<vmem>>
      %dma_start3A_1109 = tpu.memref_squeeze %dma_start3A_1108 : memref<1x128x64xf32, #tpu.memory_space<vmem>> -> memref<128x64xf32, #tpu.memory_space<vmem>>
      %dma_start3A_1110 = arith.constant 0 : i32
      %dma_start3A_1111 = tpu.memref_slice %arg5[%dma_start3A_1103, %dma_start3A_1104, %dma_start3A_1110] : memref<5x2x128xi32, #tpu.memory_space<vmem>> -> memref<1x1x128xi32, #tpu.memory_space<vmem>>
      %dma_start3A_1112 = tpu.memref_squeeze %dma_start3A_1111 : memref<1x1x128xi32, #tpu.memory_space<vmem>> -> memref<128xi32, #tpu.memory_space<vmem>>
      %dma_start3A_1113 = arith.constant 0 : i32
      %dma_start3A_1114 = arith.constant 0 : i32
      %dma_start3A_1115 = tpu.memref_slice %arg2[%dma_start3A_1113, %dma_start3A_1114] : memref<2000000x64xf32, #tpu.memory_space<hbm>> -> memref<2000000x64xf32, #tpu.memory_space<hbm>>
      tpu.enqueue_indirect_dma source(%dma_start3A_1115 : memref<2000000x64xf32, #tpu.memory_space<hbm>>) target(%dma_start3A_1109 : memref<128x64xf32, #tpu.memory_space<vmem>>) offsets(%dma_start3A_1112 : memref<128xi32, #tpu.memory_space<vmem>>) semaphore(%arg7 : memref<!tpu.dma_semaphore, #tpu.memory_space<semaphore_mem>>)
      %add3A_1116 = arith.constant 4 : i32
      %add3A_1117 = arith.addi %add3A_1026, %add3A_1116 : i32
      %add3A_1118 = arith.constant 1 : i32
      %add3A_1119 = arith.addi %add3A_1117, %add3A_1118 : i32
      %mul3A_1120 = arith.constant 2 : i32
      %mul3A_1121 = arith.muli %add3A_1119, %mul3A_1120 : i32
      %add3A_1122 = arith.addi %mul3A_2, %mul3A_1121 : i32
      %dma_start3A_1123 = arith.constant 1 : i32
      %dma_start3A_1124 = arith.constant 0 : i32
      %dma_start3A_1125 = arith.constant 0 : i32
      %dma_start3A_1126 = tpu.memref_slice %arg5[%dma_start3A_1123, %dma_start3A_1124, %dma_start3A_1125] : memref<5x2x128xi32, #tpu.memory_space<vmem>> -> memref<1x2x128xi32, #tpu.memory_space<vmem>>
      %dma_start3A_1127 = tpu.memref_squeeze %dma_start3A_1126 : memref<1x2x128xi32, #tpu.memory_space<vmem>> -> memref<2x128xi32, #tpu.memory_space<vmem>>
      %dma_start3A_1128 = arith.constant 0 : i32
      %dma_start3A_1129 = tpu.memref_slice %arg3[%add3A_1122, %dma_start3A_1128] : memref<25600x128xi32, #tpu.memory_space<hbm>> -> memref<2x128xi32, #tpu.memory_space<hbm>>
      %dma_start3A_1130 = arith.constant 0 : i32
      %dma_start3A_1131 = arith.constant 0 : i32
      %dma_start3A_1132 = tpu.memref_slice %arg5[%dma_start3A_1123, %dma_start3A_1130, %dma_start3A_1131] : memref<5x2x128xi32, #tpu.memory_space<vmem>> -> memref<1x2x128xi32, #tpu.memory_space<vmem>>
      %dma_start3A_1133 = tpu.memref_squeeze %dma_start3A_1132 : memref<1x2x128xi32, #tpu.memory_space<vmem>> -> memref<2x128xi32, #tpu.memory_space<vmem>>
      %dma_start3A_1134 = arith.constant 0 : i32
      %dma_start3A_1135 = tpu.memref_slice %arg3[%add3A_1122, %dma_start3A_1134] : memref<25600x128xi32, #tpu.memory_space<hbm>> -> memref<2x128xi32, #tpu.memory_space<hbm>>
      tpu.enqueue_dma source(%dma_start3A_1135 : memref<2x128xi32, #tpu.memory_space<hbm>>) target(%dma_start3A_1133 : memref<2x128xi32, #tpu.memory_space<vmem>>) target_semaphore(%arg18 : memref<!tpu.dma_semaphore, #tpu.memory_space<semaphore_mem>>)
      %mul3A_1136 = arith.constant 5 : i32
      %mul3A_1137 = arith.muli %scan3A_909, %mul3A_1136 : i32
      %add3A_1138 = arith.constant 2 : i32
      %add3A_1139 = arith.addi %mul3A_1137, %add3A_1138 : i32
      %dma_wait3A_1140 = arith.constant 2 : i32
      %dma_wait3A_1141 = arith.constant 0 : i32
      %dma_wait3A_1142 = arith.constant 0 : i32
      %dma_wait3A_1143 = tpu.memref_slice %arg6[%dma_wait3A_1140, %dma_wait3A_1141, %dma_wait3A_1142] : memref<5x256x64xf32, #tpu.memory_space<vmem>> -> memref<1x256x64xf32, #tpu.memory_space<vmem>>
      %dma_wait3A_1144 = tpu.memref_squeeze %dma_wait3A_1143 : memref<1x256x64xf32, #tpu.memory_space<vmem>> -> memref<256x64xf32, #tpu.memory_space<vmem>>
      %dma_wait3A_1145 = arith.constant 0 : i32
      %dma_wait3A_1146 = arith.constant 0 : i32
      %dma_wait3A_1147 = tpu.memref_slice %arg2[%dma_wait3A_1145, %dma_wait3A_1146] : memref<2000000x64xf32, #tpu.memory_space<hbm>> -> memref<256x64xf32, #tpu.memory_space<hbm>>
      %dma_wait3A_1148 = arith.constant 0 : i32
      %dma_wait3A_1149 = arith.constant 0 : i32
      %dma_wait3A_1150 = tpu.memref_slice %arg6[%dma_wait3A_1140, %dma_wait3A_1148, %dma_wait3A_1149] : memref<5x256x64xf32, #tpu.memory_space<vmem>> -> memref<1x256x64xf32, #tpu.memory_space<vmem>>
      %dma_wait3A_1151 = tpu.memref_squeeze %dma_wait3A_1150 : memref<1x256x64xf32, #tpu.memory_space<vmem>> -> memref<256x64xf32, #tpu.memory_space<vmem>>
      %dma_wait3A_1152 = arith.constant 0 : i32
      %dma_wait3A_1153 = arith.constant 0 : i32
      %dma_wait3A_1154 = tpu.memref_slice %arg2[%dma_wait3A_1152, %dma_wait3A_1153] : memref<2000000x64xf32, #tpu.memory_space<hbm>> -> memref<256x64xf32, #tpu.memory_space<hbm>>
      tpu.wait_dma2 semaphore(%arg9 : memref<!tpu.dma_semaphore, #tpu.memory_space<semaphore_mem>>) src(%dma_wait3A_1154 : memref<256x64xf32, #tpu.memory_space<hbm>>) dst(%dma_wait3A_1151 : memref<256x64xf32, #tpu.memory_space<vmem>>)
      %mul3A_1155 = arith.constant 256 : i32
      %mul3A_1156 = arith.muli %add3A_1139, %mul3A_1155 : i32
      %add3A_1157 = arith.addi %mul3A_4, %mul3A_1156 : i32
      %dma_start3A_1158 = arith.constant 2 : i32
      %dma_start3A_1159 = arith.constant 0 : i32
      %dma_start3A_1160 = arith.constant 0 : i32
      %dma_start3A_1161 = tpu.memref_slice %arg6[%dma_start3A_1158, %dma_start3A_1159, %dma_start3A_1160] : memref<5x256x64xf32, #tpu.memory_space<vmem>> -> memref<1x256x64xf32, #tpu.memory_space<vmem>>
      %dma_start3A_1162 = tpu.memref_squeeze %dma_start3A_1161 : memref<1x256x64xf32, #tpu.memory_space<vmem>> -> memref<256x64xf32, #tpu.memory_space<vmem>>
      %dma_start3A_1163 = arith.constant 0 : i32
      %dma_start3A_1164 = tpu.memref_slice %arg4[%add3A_1157, %dma_start3A_1163] : memref<3276800x64xf32, #tpu.memory_space<hbm>> -> memref<256x64xf32, #tpu.memory_space<hbm>>
      %dma_start3A_1165 = arith.constant 0 : i32
      %dma_start3A_1166 = tpu.memref_slice %arg4[%add3A_1157, %dma_start3A_1165] : memref<3276800x64xf32, #tpu.memory_space<hbm>> -> memref<256x64xf32, #tpu.memory_space<hbm>>
      %dma_start3A_1167 = arith.constant 0 : i32
      %dma_start3A_1168 = arith.constant 0 : i32
      %dma_start3A_1169 = tpu.memref_slice %arg6[%dma_start3A_1158, %dma_start3A_1167, %dma_start3A_1168] : memref<5x256x64xf32, #tpu.memory_space<vmem>> -> memref<1x256x64xf32, #tpu.memory_space<vmem>>
      %dma_start3A_1170 = tpu.memref_squeeze %dma_start3A_1169 : memref<1x256x64xf32, #tpu.memory_space<vmem>> -> memref<256x64xf32, #tpu.memory_space<vmem>>
      tpu.enqueue_dma source(%dma_start3A_1170 : memref<256x64xf32, #tpu.memory_space<vmem>>) target(%dma_start3A_1166 : memref<256x64xf32, #tpu.memory_space<hbm>>) target_semaphore(%arg14 : memref<!tpu.dma_semaphore, #tpu.memory_space<semaphore_mem>>)
      %dma_wait3A_1171 = arith.constant 1 : i32
      %dma_wait3A_1172 = arith.constant 0 : i32
      %dma_wait3A_1173 = arith.constant 0 : i32
      %dma_wait3A_1174 = tpu.memref_slice %arg5[%dma_wait3A_1171, %dma_wait3A_1172, %dma_wait3A_1173] : memref<5x2x128xi32, #tpu.memory_space<vmem>> -> memref<1x2x128xi32, #tpu.memory_space<vmem>>
      %dma_wait3A_1175 = tpu.memref_squeeze %dma_wait3A_1174 : memref<1x2x128xi32, #tpu.memory_space<vmem>> -> memref<2x128xi32, #tpu.memory_space<vmem>>
      %dma_wait3A_1176 = arith.constant 0 : i32
      %dma_wait3A_1177 = arith.constant 0 : i32
      %dma_wait3A_1178 = tpu.memref_slice %arg3[%dma_wait3A_1176, %dma_wait3A_1177] : memref<25600x128xi32, #tpu.memory_space<hbm>> -> memref<2x128xi32, #tpu.memory_space<hbm>>
      %dma_wait3A_1179 = arith.constant 0 : i32
      %dma_wait3A_1180 = arith.constant 0 : i32
      %dma_wait3A_1181 = tpu.memref_slice %arg5[%dma_wait3A_1171, %dma_wait3A_1179, %dma_wait3A_1180] : memref<5x2x128xi32, #tpu.memory_space<vmem>> -> memref<1x2x128xi32, #tpu.memory_space<vmem>>
      %dma_wait3A_1182 = tpu.memref_squeeze %dma_wait3A_1181 : memref<1x2x128xi32, #tpu.memory_space<vmem>> -> memref<2x128xi32, #tpu.memory_space<vmem>>
      %dma_wait3A_1183 = arith.constant 0 : i32
      %dma_wait3A_1184 = arith.constant 0 : i32
      %dma_wait3A_1185 = tpu.memref_slice %arg3[%dma_wait3A_1183, %dma_wait3A_1184] : memref<25600x128xi32, #tpu.memory_space<hbm>> -> memref<2x128xi32, #tpu.memory_space<hbm>>
      tpu.wait_dma2 semaphore(%arg18 : memref<!tpu.dma_semaphore, #tpu.memory_space<semaphore_mem>>) src(%dma_wait3A_1185 : memref<2x128xi32, #tpu.memory_space<hbm>>) dst(%dma_wait3A_1182 : memref<2x128xi32, #tpu.memory_space<vmem>>)
      %dma_wait3A_1186 = arith.constant 1 : i32
      %dma_wait3A_1187 = arith.constant 0 : i32
      %dma_wait3A_1188 = arith.constant 0 : i32
      %dma_wait3A_1189 = tpu.memref_slice %arg6[%dma_wait3A_1186, %dma_wait3A_1187, %dma_wait3A_1188] : memref<5x256x64xf32, #tpu.memory_space<vmem>> -> memref<1x256x64xf32, #tpu.memory_space<vmem>>
      %dma_wait3A_1190 = tpu.memref_squeeze %dma_wait3A_1189 : memref<1x256x64xf32, #tpu.memory_space<vmem>> -> memref<256x64xf32, #tpu.memory_space<vmem>>
      %dma_wait3A_1191 = arith.constant 0 : i32
      %dma_wait3A_1192 = arith.constant 0 : i32
      %dma_wait3A_1193 = tpu.memref_slice %arg4[%dma_wait3A_1191, %dma_wait3A_1192] : memref<3276800x64xf32, #tpu.memory_space<hbm>> -> memref<256x64xf32, #tpu.memory_space<hbm>>
      %dma_wait3A_1194 = arith.constant 0 : i32
      %dma_wait3A_1195 = arith.constant 0 : i32
      %dma_wait3A_1196 = tpu.memref_slice %arg6[%dma_wait3A_1186, %dma_wait3A_1194, %dma_wait3A_1195] : memref<5x256x64xf32, #tpu.memory_space<vmem>> -> memref<1x256x64xf32, #tpu.memory_space<vmem>>
      %dma_wait3A_1197 = tpu.memref_squeeze %dma_wait3A_1196 : memref<1x256x64xf32, #tpu.memory_space<vmem>> -> memref<256x64xf32, #tpu.memory_space<vmem>>
      %dma_wait3A_1198 = arith.constant 0 : i32
      %dma_wait3A_1199 = arith.constant 0 : i32
      %dma_wait3A_1200 = tpu.memref_slice %arg4[%dma_wait3A_1198, %dma_wait3A_1199] : memref<3276800x64xf32, #tpu.memory_space<hbm>> -> memref<256x64xf32, #tpu.memory_space<hbm>>
      tpu.wait_dma2 semaphore(%arg13 : memref<!tpu.dma_semaphore, #tpu.memory_space<semaphore_mem>>) src(%dma_wait3A_1200 : memref<256x64xf32, #tpu.memory_space<hbm>>) dst(%dma_wait3A_1197 : memref<256x64xf32, #tpu.memory_space<vmem>>)
      %add3A_1201 = arith.constant 4 : i32
      %add3A_1202 = arith.addi %add3A_1139, %add3A_1201 : i32
      %dma_start3A_1203 = arith.constant 1 : i32
      %dma_start3A_1204 = arith.constant 0 : i32
      %dma_start3A_1205 = arith.constant 1 : i32
      %dma_start3A_1206 = arith.constant 0 : i32
      %dma_start3A_1207 = arith.constant 0 : i32
      %dma_start3A_1208 = tpu.memref_slice %arg6[%dma_start3A_1205, %dma_start3A_1206, %dma_start3A_1207] : memref<5x256x64xf32, #tpu.memory_space<vmem>> -> memref<1x128x64xf32, #tpu.memory_space<vmem>>
      %dma_start3A_1209 = tpu.memref_squeeze %dma_start3A_1208 : memref<1x128x64xf32, #tpu.memory_space<vmem>> -> memref<128x64xf32, #tpu.memory_space<vmem>>
      %dma_start3A_1210 = arith.constant 0 : i32
      %dma_start3A_1211 = tpu.memref_slice %arg5[%dma_start3A_1203, %dma_start3A_1204, %dma_start3A_1210] : memref<5x2x128xi32, #tpu.memory_space<vmem>> -> memref<1x1x128xi32, #tpu.memory_space<vmem>>
      %dma_start3A_1212 = tpu.memref_squeeze %dma_start3A_1211 : memref<1x1x128xi32, #tpu.memory_space<vmem>> -> memref<128xi32, #tpu.memory_space<vmem>>
      %dma_start3A_1213 = arith.constant 0 : i32
      %dma_start3A_1214 = arith.constant 0 : i32
      %dma_start3A_1215 = tpu.memref_slice %arg2[%dma_start3A_1213, %dma_start3A_1214] : memref<2000000x64xf32, #tpu.memory_space<hbm>> -> memref<2000000x64xf32, #tpu.memory_space<hbm>>
      tpu.enqueue_indirect_dma source(%dma_start3A_1215 : memref<2000000x64xf32, #tpu.memory_space<hbm>>) target(%dma_start3A_1209 : memref<128x64xf32, #tpu.memory_space<vmem>>) offsets(%dma_start3A_1212 : memref<128xi32, #tpu.memory_space<vmem>>) semaphore(%arg8 : memref<!tpu.dma_semaphore, #tpu.memory_space<semaphore_mem>>)
      %dma_start3A_1216 = arith.constant 1 : i32
      %dma_start3A_1217 = arith.constant 1 : i32
      %dma_start3A_1218 = arith.constant 1 : i32
      %dma_start3A_1219 = arith.constant 128 : i32
      %dma_start3A_1220 = arith.constant 0 : i32
      %dma_start3A_1221 = tpu.memref_slice %arg6[%dma_start3A_1218, %dma_start3A_1219, %dma_start3A_1220] : memref<5x256x64xf32, #tpu.memory_space<vmem>> -> memref<1x128x64xf32, #tpu.memory_space<vmem>>
      %dma_start3A_1222 = tpu.memref_squeeze %dma_start3A_1221 : memref<1x128x64xf32, #tpu.memory_space<vmem>> -> memref<128x64xf32, #tpu.memory_space<vmem>>
      %dma_start3A_1223 = arith.constant 0 : i32
      %dma_start3A_1224 = tpu.memref_slice %arg5[%dma_start3A_1216, %dma_start3A_1217, %dma_start3A_1223] : memref<5x2x128xi32, #tpu.memory_space<vmem>> -> memref<1x1x128xi32, #tpu.memory_space<vmem>>
      %dma_start3A_1225 = tpu.memref_squeeze %dma_start3A_1224 : memref<1x1x128xi32, #tpu.memory_space<vmem>> -> memref<128xi32, #tpu.memory_space<vmem>>
      %dma_start3A_1226 = arith.constant 0 : i32
      %dma_start3A_1227 = arith.constant 0 : i32
      %dma_start3A_1228 = tpu.memref_slice %arg2[%dma_start3A_1226, %dma_start3A_1227] : memref<2000000x64xf32, #tpu.memory_space<hbm>> -> memref<2000000x64xf32, #tpu.memory_space<hbm>>
      tpu.enqueue_indirect_dma source(%dma_start3A_1228 : memref<2000000x64xf32, #tpu.memory_space<hbm>>) target(%dma_start3A_1222 : memref<128x64xf32, #tpu.memory_space<vmem>>) offsets(%dma_start3A_1225 : memref<128xi32, #tpu.memory_space<vmem>>) semaphore(%arg8 : memref<!tpu.dma_semaphore, #tpu.memory_space<semaphore_mem>>)
      %add3A_1229 = arith.constant 4 : i32
      %add3A_1230 = arith.addi %add3A_1139, %add3A_1229 : i32
      %add3A_1231 = arith.constant 1 : i32
      %add3A_1232 = arith.addi %add3A_1230, %add3A_1231 : i32
      %mul3A_1233 = arith.constant 2 : i32
      %mul3A_1234 = arith.muli %add3A_1232, %mul3A_1233 : i32
      %add3A_1235 = arith.addi %mul3A_2, %mul3A_1234 : i32
      %dma_start3A_1236 = arith.constant 2 : i32
      %dma_start3A_1237 = arith.constant 0 : i32
      %dma_start3A_1238 = arith.constant 0 : i32
      %dma_start3A_1239 = tpu.memref_slice %arg5[%dma_start3A_1236, %dma_start3A_1237, %dma_start3A_1238] : memref<5x2x128xi32, #tpu.memory_space<vmem>> -> memref<1x2x128xi32, #tpu.memory_space<vmem>>
      %dma_start3A_1240 = tpu.memref_squeeze %dma_start3A_1239 : memref<1x2x128xi32, #tpu.memory_space<vmem>> -> memref<2x128xi32, #tpu.memory_space<vmem>>
      %dma_start3A_1241 = arith.constant 0 : i32
      %dma_start3A_1242 = tpu.memref_slice %arg3[%add3A_1235, %dma_start3A_1241] : memref<25600x128xi32, #tpu.memory_space<hbm>> -> memref<2x128xi32, #tpu.memory_space<hbm>>
      %dma_start3A_1243 = arith.constant 0 : i32
      %dma_start3A_1244 = arith.constant 0 : i32
      %dma_start3A_1245 = tpu.memref_slice %arg5[%dma_start3A_1236, %dma_start3A_1243, %dma_start3A_1244] : memref<5x2x128xi32, #tpu.memory_space<vmem>> -> memref<1x2x128xi32, #tpu.memory_space<vmem>>
      %dma_start3A_1246 = tpu.memref_squeeze %dma_start3A_1245 : memref<1x2x128xi32, #tpu.memory_space<vmem>> -> memref<2x128xi32, #tpu.memory_space<vmem>>
      %dma_start3A_1247 = arith.constant 0 : i32
      %dma_start3A_1248 = tpu.memref_slice %arg3[%add3A_1235, %dma_start3A_1247] : memref<25600x128xi32, #tpu.memory_space<hbm>> -> memref<2x128xi32, #tpu.memory_space<hbm>>
      tpu.enqueue_dma source(%dma_start3A_1248 : memref<2x128xi32, #tpu.memory_space<hbm>>) target(%dma_start3A_1246 : memref<2x128xi32, #tpu.memory_space<vmem>>) target_semaphore(%arg19 : memref<!tpu.dma_semaphore, #tpu.memory_space<semaphore_mem>>)
      %mul3A_1249 = arith.constant 5 : i32
      %mul3A_1250 = arith.muli %scan3A_909, %mul3A_1249 : i32
      %add3A_1251 = arith.constant 3 : i32
      %add3A_1252 = arith.addi %mul3A_1250, %add3A_1251 : i32
      %dma_wait3A_1253 = arith.constant 3 : i32
      %dma_wait3A_1254 = arith.constant 0 : i32
      %dma_wait3A_1255 = arith.constant 0 : i32
      %dma_wait3A_1256 = tpu.memref_slice %arg6[%dma_wait3A_1253, %dma_wait3A_1254, %dma_wait3A_1255] : memref<5x256x64xf32, #tpu.memory_space<vmem>> -> memref<1x256x64xf32, #tpu.memory_space<vmem>>
      %dma_wait3A_1257 = tpu.memref_squeeze %dma_wait3A_1256 : memref<1x256x64xf32, #tpu.memory_space<vmem>> -> memref<256x64xf32, #tpu.memory_space<vmem>>
      %dma_wait3A_1258 = arith.constant 0 : i32
      %dma_wait3A_1259 = arith.constant 0 : i32
      %dma_wait3A_1260 = tpu.memref_slice %arg2[%dma_wait3A_1258, %dma_wait3A_1259] : memref<2000000x64xf32, #tpu.memory_space<hbm>> -> memref<256x64xf32, #tpu.memory_space<hbm>>
      %dma_wait3A_1261 = arith.constant 0 : i32
      %dma_wait3A_1262 = arith.constant 0 : i32
      %dma_wait3A_1263 = tpu.memref_slice %arg6[%dma_wait3A_1253, %dma_wait3A_1261, %dma_wait3A_1262] : memref<5x256x64xf32, #tpu.memory_space<vmem>> -> memref<1x256x64xf32, #tpu.memory_space<vmem>>
      %dma_wait3A_1264 = tpu.memref_squeeze %dma_wait3A_1263 : memref<1x256x64xf32, #tpu.memory_space<vmem>> -> memref<256x64xf32, #tpu.memory_space<vmem>>
      %dma_wait3A_1265 = arith.constant 0 : i32
      %dma_wait3A_1266 = arith.constant 0 : i32
      %dma_wait3A_1267 = tpu.memref_slice %arg2[%dma_wait3A_1265, %dma_wait3A_1266] : memref<2000000x64xf32, #tpu.memory_space<hbm>> -> memref<256x64xf32, #tpu.memory_space<hbm>>
      tpu.wait_dma2 semaphore(%arg10 : memref<!tpu.dma_semaphore, #tpu.memory_space<semaphore_mem>>) src(%dma_wait3A_1267 : memref<256x64xf32, #tpu.memory_space<hbm>>) dst(%dma_wait3A_1264 : memref<256x64xf32, #tpu.memory_space<vmem>>)
      %mul3A_1268 = arith.constant 256 : i32
      %mul3A_1269 = arith.muli %add3A_1252, %mul3A_1268 : i32
      %add3A_1270 = arith.addi %mul3A_4, %mul3A_1269 : i32
      %dma_start3A_1271 = arith.constant 3 : i32
      %dma_start3A_1272 = arith.constant 0 : i32
      %dma_start3A_1273 = arith.constant 0 : i32
      %dma_start3A_1274 = tpu.memref_slice %arg6[%dma_start3A_1271, %dma_start3A_1272, %dma_start3A_1273] : memref<5x256x64xf32, #tpu.memory_space<vmem>> -> memref<1x256x64xf32, #tpu.memory_space<vmem>>
      %dma_start3A_1275 = tpu.memref_squeeze %dma_start3A_1274 : memref<1x256x64xf32, #tpu.memory_space<vmem>> -> memref<256x64xf32, #tpu.memory_space<vmem>>
      %dma_start3A_1276 = arith.constant 0 : i32
      %dma_start3A_1277 = tpu.memref_slice %arg4[%add3A_1270, %dma_start3A_1276] : memref<3276800x64xf32, #tpu.memory_space<hbm>> -> memref<256x64xf32, #tpu.memory_space<hbm>>
      %dma_start3A_1278 = arith.constant 0 : i32
      %dma_start3A_1279 = tpu.memref_slice %arg4[%add3A_1270, %dma_start3A_1278] : memref<3276800x64xf32, #tpu.memory_space<hbm>> -> memref<256x64xf32, #tpu.memory_space<hbm>>
      %dma_start3A_1280 = arith.constant 0 : i32
      %dma_start3A_1281 = arith.constant 0 : i32
      %dma_start3A_1282 = tpu.memref_slice %arg6[%dma_start3A_1271, %dma_start3A_1280, %dma_start3A_1281] : memref<5x256x64xf32, #tpu.memory_space<vmem>> -> memref<1x256x64xf32, #tpu.memory_space<vmem>>
      %dma_start3A_1283 = tpu.memref_squeeze %dma_start3A_1282 : memref<1x256x64xf32, #tpu.memory_space<vmem>> -> memref<256x64xf32, #tpu.memory_space<vmem>>
      tpu.enqueue_dma source(%dma_start3A_1283 : memref<256x64xf32, #tpu.memory_space<vmem>>) target(%dma_start3A_1279 : memref<256x64xf32, #tpu.memory_space<hbm>>) target_semaphore(%arg15 : memref<!tpu.dma_semaphore, #tpu.memory_space<semaphore_mem>>)
      %dma_wait3A_1284 = arith.constant 2 : i32
      %dma_wait3A_1285 = arith.constant 0 : i32
      %dma_wait3A_1286 = arith.constant 0 : i32
      %dma_wait3A_1287 = tpu.memref_slice %arg5[%dma_wait3A_1284, %dma_wait3A_1285, %dma_wait3A_1286] : memref<5x2x128xi32, #tpu.memory_space<vmem>> -> memref<1x2x128xi32, #tpu.memory_space<vmem>>
      %dma_wait3A_1288 = tpu.memref_squeeze %dma_wait3A_1287 : memref<1x2x128xi32, #tpu.memory_space<vmem>> -> memref<2x128xi32, #tpu.memory_space<vmem>>
      %dma_wait3A_1289 = arith.constant 0 : i32
      %dma_wait3A_1290 = arith.constant 0 : i32
      %dma_wait3A_1291 = tpu.memref_slice %arg3[%dma_wait3A_1289, %dma_wait3A_1290] : memref<25600x128xi32, #tpu.memory_space<hbm>> -> memref<2x128xi32, #tpu.memory_space<hbm>>
      %dma_wait3A_1292 = arith.constant 0 : i32
      %dma_wait3A_1293 = arith.constant 0 : i32
      %dma_wait3A_1294 = tpu.memref_slice %arg5[%dma_wait3A_1284, %dma_wait3A_1292, %dma_wait3A_1293] : memref<5x2x128xi32, #tpu.memory_space<vmem>> -> memref<1x2x128xi32, #tpu.memory_space<vmem>>
      %dma_wait3A_1295 = tpu.memref_squeeze %dma_wait3A_1294 : memref<1x2x128xi32, #tpu.memory_space<vmem>> -> memref<2x128xi32, #tpu.memory_space<vmem>>
      %dma_wait3A_1296 = arith.constant 0 : i32
      %dma_wait3A_1297 = arith.constant 0 : i32
      %dma_wait3A_1298 = tpu.memref_slice %arg3[%dma_wait3A_1296, %dma_wait3A_1297] : memref<25600x128xi32, #tpu.memory_space<hbm>> -> memref<2x128xi32, #tpu.memory_space<hbm>>
      tpu.wait_dma2 semaphore(%arg19 : memref<!tpu.dma_semaphore, #tpu.memory_space<semaphore_mem>>) src(%dma_wait3A_1298 : memref<2x128xi32, #tpu.memory_space<hbm>>) dst(%dma_wait3A_1295 : memref<2x128xi32, #tpu.memory_space<vmem>>)
      %dma_wait3A_1299 = arith.constant 2 : i32
      %dma_wait3A_1300 = arith.constant 0 : i32
      %dma_wait3A_1301 = arith.constant 0 : i32
      %dma_wait3A_1302 = tpu.memref_slice %arg6[%dma_wait3A_1299, %dma_wait3A_1300, %dma_wait3A_1301] : memref<5x256x64xf32, #tpu.memory_space<vmem>> -> memref<1x256x64xf32, #tpu.memory_space<vmem>>
      %dma_wait3A_1303 = tpu.memref_squeeze %dma_wait3A_1302 : memref<1x256x64xf32, #tpu.memory_space<vmem>> -> memref<256x64xf32, #tpu.memory_space<vmem>>
      %dma_wait3A_1304 = arith.constant 0 : i32
      %dma_wait3A_1305 = arith.constant 0 : i32
      %dma_wait3A_1306 = tpu.memref_slice %arg4[%dma_wait3A_1304, %dma_wait3A_1305] : memref<3276800x64xf32, #tpu.memory_space<hbm>> -> memref<256x64xf32, #tpu.memory_space<hbm>>
      %dma_wait3A_1307 = arith.constant 0 : i32
      %dma_wait3A_1308 = arith.constant 0 : i32
      %dma_wait3A_1309 = tpu.memref_slice %arg6[%dma_wait3A_1299, %dma_wait3A_1307, %dma_wait3A_1308] : memref<5x256x64xf32, #tpu.memory_space<vmem>> -> memref<1x256x64xf32, #tpu.memory_space<vmem>>
      %dma_wait3A_1310 = tpu.memref_squeeze %dma_wait3A_1309 : memref<1x256x64xf32, #tpu.memory_space<vmem>> -> memref<256x64xf32, #tpu.memory_space<vmem>>
      %dma_wait3A_1311 = arith.constant 0 : i32
      %dma_wait3A_1312 = arith.constant 0 : i32
      %dma_wait3A_1313 = tpu.memref_slice %arg4[%dma_wait3A_1311, %dma_wait3A_1312] : memref<3276800x64xf32, #tpu.memory_space<hbm>> -> memref<256x64xf32, #tpu.memory_space<hbm>>
      tpu.wait_dma2 semaphore(%arg14 : memref<!tpu.dma_semaphore, #tpu.memory_space<semaphore_mem>>) src(%dma_wait3A_1313 : memref<256x64xf32, #tpu.memory_space<hbm>>) dst(%dma_wait3A_1310 : memref<256x64xf32, #tpu.memory_space<vmem>>)
      %add3A_1314 = arith.constant 4 : i32
      %add3A_1315 = arith.addi %add3A_1252, %add3A_1314 : i32
      %dma_start3A_1316 = arith.constant 2 : i32
      %dma_start3A_1317 = arith.constant 0 : i32
      %dma_start3A_1318 = arith.constant 2 : i32
      %dma_start3A_1319 = arith.constant 0 : i32
      %dma_start3A_1320 = arith.constant 0 : i32
      %dma_start3A_1321 = tpu.memref_slice %arg6[%dma_start3A_1318, %dma_start3A_1319, %dma_start3A_1320] : memref<5x256x64xf32, #tpu.memory_space<vmem>> -> memref<1x128x64xf32, #tpu.memory_space<vmem>>
      %dma_start3A_1322 = tpu.memref_squeeze %dma_start3A_1321 : memref<1x128x64xf32, #tpu.memory_space<vmem>> -> memref<128x64xf32, #tpu.memory_space<vmem>>
      %dma_start3A_1323 = arith.constant 0 : i32
      %dma_start3A_1324 = tpu.memref_slice %arg5[%dma_start3A_1316, %dma_start3A_1317, %dma_start3A_1323] : memref<5x2x128xi32, #tpu.memory_space<vmem>> -> memref<1x1x128xi32, #tpu.memory_space<vmem>>
      %dma_start3A_1325 = tpu.memref_squeeze %dma_start3A_1324 : memref<1x1x128xi32, #tpu.memory_space<vmem>> -> memref<128xi32, #tpu.memory_space<vmem>>
      %dma_start3A_1326 = arith.constant 0 : i32
      %dma_start3A_1327 = arith.constant 0 : i32
      %dma_start3A_1328 = tpu.memref_slice %arg2[%dma_start3A_1326, %dma_start3A_1327] : memref<2000000x64xf32, #tpu.memory_space<hbm>> -> memref<2000000x64xf32, #tpu.memory_space<hbm>>
      tpu.enqueue_indirect_dma source(%dma_start3A_1328 : memref<2000000x64xf32, #tpu.memory_space<hbm>>) target(%dma_start3A_1322 : memref<128x64xf32, #tpu.memory_space<vmem>>) offsets(%dma_start3A_1325 : memref<128xi32, #tpu.memory_space<vmem>>) semaphore(%arg9 : memref<!tpu.dma_semaphore, #tpu.memory_space<semaphore_mem>>)
      %dma_start3A_1329 = arith.constant 2 : i32
      %dma_start3A_1330 = arith.constant 1 : i32
      %dma_start3A_1331 = arith.constant 2 : i32
      %dma_start3A_1332 = arith.constant 128 : i32
      %dma_start3A_1333 = arith.constant 0 : i32
      %dma_start3A_1334 = tpu.memref_slice %arg6[%dma_start3A_1331, %dma_start3A_1332, %dma_start3A_1333] : memref<5x256x64xf32, #tpu.memory_space<vmem>> -> memref<1x128x64xf32, #tpu.memory_space<vmem>>
      %dma_start3A_1335 = tpu.memref_squeeze %dma_start3A_1334 : memref<1x128x64xf32, #tpu.memory_space<vmem>> -> memref<128x64xf32, #tpu.memory_space<vmem>>
      %dma_start3A_1336 = arith.constant 0 : i32
      %dma_start3A_1337 = tpu.memref_slice %arg5[%dma_start3A_1329, %dma_start3A_1330, %dma_start3A_1336] : memref<5x2x128xi32, #tpu.memory_space<vmem>> -> memref<1x1x128xi32, #tpu.memory_space<vmem>>
      %dma_start3A_1338 = tpu.memref_squeeze %dma_start3A_1337 : memref<1x1x128xi32, #tpu.memory_space<vmem>> -> memref<128xi32, #tpu.memory_space<vmem>>
      %dma_start3A_1339 = arith.constant 0 : i32
      %dma_start3A_1340 = arith.constant 0 : i32
      %dma_start3A_1341 = tpu.memref_slice %arg2[%dma_start3A_1339, %dma_start3A_1340] : memref<2000000x64xf32, #tpu.memory_space<hbm>> -> memref<2000000x64xf32, #tpu.memory_space<hbm>>
      tpu.enqueue_indirect_dma source(%dma_start3A_1341 : memref<2000000x64xf32, #tpu.memory_space<hbm>>) target(%dma_start3A_1335 : memref<128x64xf32, #tpu.memory_space<vmem>>) offsets(%dma_start3A_1338 : memref<128xi32, #tpu.memory_space<vmem>>) semaphore(%arg9 : memref<!tpu.dma_semaphore, #tpu.memory_space<semaphore_mem>>)
      %add3A_1342 = arith.constant 4 : i32
      %add3A_1343 = arith.addi %add3A_1252, %add3A_1342 : i32
      %add3A_1344 = arith.constant 1 : i32
      %add3A_1345 = arith.addi %add3A_1343, %add3A_1344 : i32
      %mul3A_1346 = arith.constant 2 : i32
      %mul3A_1347 = arith.muli %add3A_1345, %mul3A_1346 : i32
      %add3A_1348 = arith.addi %mul3A_2, %mul3A_1347 : i32
      %dma_start3A_1349 = arith.constant 3 : i32
      %dma_start3A_1350 = arith.constant 0 : i32
      %dma_start3A_1351 = arith.constant 0 : i32
      %dma_start3A_1352 = tpu.memref_slice %arg5[%dma_start3A_1349, %dma_start3A_1350, %dma_start3A_1351] : memref<5x2x128xi32, #tpu.memory_space<vmem>> -> memref<1x2x128xi32, #tpu.memory_space<vmem>>
      %dma_start3A_1353 = tpu.memref_squeeze %dma_start3A_1352 : memref<1x2x128xi32, #tpu.memory_space<vmem>> -> memref<2x128xi32, #tpu.memory_space<vmem>>
      %dma_start3A_1354 = arith.constant 0 : i32
      %dma_start3A_1355 = tpu.memref_slice %arg3[%add3A_1348, %dma_start3A_1354] : memref<25600x128xi32, #tpu.memory_space<hbm>> -> memref<2x128xi32, #tpu.memory_space<hbm>>
      %dma_start3A_1356 = arith.constant 0 : i32
      %dma_start3A_1357 = arith.constant 0 : i32
      %dma_start3A_1358 = tpu.memref_slice %arg5[%dma_start3A_1349, %dma_start3A_1356, %dma_start3A_1357] : memref<5x2x128xi32, #tpu.memory_space<vmem>> -> memref<1x2x128xi32, #tpu.memory_space<vmem>>
      %dma_start3A_1359 = tpu.memref_squeeze %dma_start3A_1358 : memref<1x2x128xi32, #tpu.memory_space<vmem>> -> memref<2x128xi32, #tpu.memory_space<vmem>>
      %dma_start3A_1360 = arith.constant 0 : i32
      %dma_start3A_1361 = tpu.memref_slice %arg3[%add3A_1348, %dma_start3A_1360] : memref<25600x128xi32, #tpu.memory_space<hbm>> -> memref<2x128xi32, #tpu.memory_space<hbm>>
      tpu.enqueue_dma source(%dma_start3A_1361 : memref<2x128xi32, #tpu.memory_space<hbm>>) target(%dma_start3A_1359 : memref<2x128xi32, #tpu.memory_space<vmem>>) target_semaphore(%arg20 : memref<!tpu.dma_semaphore, #tpu.memory_space<semaphore_mem>>)
      %mul3A_1362 = arith.constant 5 : i32
      %mul3A_1363 = arith.muli %scan3A_909, %mul3A_1362 : i32
      %add3A_1364 = arith.constant 4 : i32
      %add3A_1365 = arith.addi %mul3A_1363, %add3A_1364 : i32
      %dma_wait3A_1366 = arith.constant 4 : i32
      %dma_wait3A_1367 = arith.constant 0 : i32
      %dma_wait3A_1368 = arith.constant 0 : i32
      %dma_wait3A_1369 = tpu.memref_slice %arg6[%dma_wait3A_1366, %dma_wait3A_1367, %dma_wait3A_1368] : memref<5x256x64xf32, #tpu.memory_space<vmem>> -> memref<1x256x64xf32, #tpu.memory_space<vmem>>
      %dma_wait3A_1370 = tpu.memref_squeeze %dma_wait3A_1369 : memref<1x256x64xf32, #tpu.memory_space<vmem>> -> memref<256x64xf32, #tpu.memory_space<vmem>>
      %dma_wait3A_1371 = arith.constant 0 : i32
      %dma_wait3A_1372 = arith.constant 0 : i32
      %dma_wait3A_1373 = tpu.memref_slice %arg2[%dma_wait3A_1371, %dma_wait3A_1372] : memref<2000000x64xf32, #tpu.memory_space<hbm>> -> memref<256x64xf32, #tpu.memory_space<hbm>>
      %dma_wait3A_1374 = arith.constant 0 : i32
      %dma_wait3A_1375 = arith.constant 0 : i32
      %dma_wait3A_1376 = tpu.memref_slice %arg6[%dma_wait3A_1366, %dma_wait3A_1374, %dma_wait3A_1375] : memref<5x256x64xf32, #tpu.memory_space<vmem>> -> memref<1x256x64xf32, #tpu.memory_space<vmem>>
      %dma_wait3A_1377 = tpu.memref_squeeze %dma_wait3A_1376 : memref<1x256x64xf32, #tpu.memory_space<vmem>> -> memref<256x64xf32, #tpu.memory_space<vmem>>
      %dma_wait3A_1378 = arith.constant 0 : i32
      %dma_wait3A_1379 = arith.constant 0 : i32
      %dma_wait3A_1380 = tpu.memref_slice %arg2[%dma_wait3A_1378, %dma_wait3A_1379] : memref<2000000x64xf32, #tpu.memory_space<hbm>> -> memref<256x64xf32, #tpu.memory_space<hbm>>
      tpu.wait_dma2 semaphore(%arg11 : memref<!tpu.dma_semaphore, #tpu.memory_space<semaphore_mem>>) src(%dma_wait3A_1380 : memref<256x64xf32, #tpu.memory_space<hbm>>) dst(%dma_wait3A_1377 : memref<256x64xf32, #tpu.memory_space<vmem>>)
      %mul3A_1381 = arith.constant 256 : i32
      %mul3A_1382 = arith.muli %add3A_1365, %mul3A_1381 : i32
      %add3A_1383 = arith.addi %mul3A_4, %mul3A_1382 : i32
      %dma_start3A_1384 = arith.constant 4 : i32
      %dma_start3A_1385 = arith.constant 0 : i32
      %dma_start3A_1386 = arith.constant 0 : i32
      %dma_start3A_1387 = tpu.memref_slice %arg6[%dma_start3A_1384, %dma_start3A_1385, %dma_start3A_1386] : memref<5x256x64xf32, #tpu.memory_space<vmem>> -> memref<1x256x64xf32, #tpu.memory_space<vmem>>
      %dma_start3A_1388 = tpu.memref_squeeze %dma_start3A_1387 : memref<1x256x64xf32, #tpu.memory_space<vmem>> -> memref<256x64xf32, #tpu.memory_space<vmem>>
      %dma_start3A_1389 = arith.constant 0 : i32
      %dma_start3A_1390 = tpu.memref_slice %arg4[%add3A_1383, %dma_start3A_1389] : memref<3276800x64xf32, #tpu.memory_space<hbm>> -> memref<256x64xf32, #tpu.memory_space<hbm>>
      %dma_start3A_1391 = arith.constant 0 : i32
      %dma_start3A_1392 = tpu.memref_slice %arg4[%add3A_1383, %dma_start3A_1391] : memref<3276800x64xf32, #tpu.memory_space<hbm>> -> memref<256x64xf32, #tpu.memory_space<hbm>>
      %dma_start3A_1393 = arith.constant 0 : i32
      %dma_start3A_1394 = arith.constant 0 : i32
      %dma_start3A_1395 = tpu.memref_slice %arg6[%dma_start3A_1384, %dma_start3A_1393, %dma_start3A_1394] : memref<5x256x64xf32, #tpu.memory_space<vmem>> -> memref<1x256x64xf32, #tpu.memory_space<vmem>>
      %dma_start3A_1396 = tpu.memref_squeeze %dma_start3A_1395 : memref<1x256x64xf32, #tpu.memory_space<vmem>> -> memref<256x64xf32, #tpu.memory_space<vmem>>
      tpu.enqueue_dma source(%dma_start3A_1396 : memref<256x64xf32, #tpu.memory_space<vmem>>) target(%dma_start3A_1392 : memref<256x64xf32, #tpu.memory_space<hbm>>) target_semaphore(%arg16 : memref<!tpu.dma_semaphore, #tpu.memory_space<semaphore_mem>>)
      %dma_wait3A_1397 = arith.constant 3 : i32
      %dma_wait3A_1398 = arith.constant 0 : i32
      %dma_wait3A_1399 = arith.constant 0 : i32
      %dma_wait3A_1400 = tpu.memref_slice %arg5[%dma_wait3A_1397, %dma_wait3A_1398, %dma_wait3A_1399] : memref<5x2x128xi32, #tpu.memory_space<vmem>> -> memref<1x2x128xi32, #tpu.memory_space<vmem>>
      %dma_wait3A_1401 = tpu.memref_squeeze %dma_wait3A_1400 : memref<1x2x128xi32, #tpu.memory_space<vmem>> -> memref<2x128xi32, #tpu.memory_space<vmem>>
      %dma_wait3A_1402 = arith.constant 0 : i32
      %dma_wait3A_1403 = arith.constant 0 : i32
      %dma_wait3A_1404 = tpu.memref_slice %arg3[%dma_wait3A_1402, %dma_wait3A_1403] : memref<25600x128xi32, #tpu.memory_space<hbm>> -> memref<2x128xi32, #tpu.memory_space<hbm>>
      %dma_wait3A_1405 = arith.constant 0 : i32
      %dma_wait3A_1406 = arith.constant 0 : i32
      %dma_wait3A_1407 = tpu.memref_slice %arg5[%dma_wait3A_1397, %dma_wait3A_1405, %dma_wait3A_1406] : memref<5x2x128xi32, #tpu.memory_space<vmem>> -> memref<1x2x128xi32, #tpu.memory_space<vmem>>
      %dma_wait3A_1408 = tpu.memref_squeeze %dma_wait3A_1407 : memref<1x2x128xi32, #tpu.memory_space<vmem>> -> memref<2x128xi32, #tpu.memory_space<vmem>>
      %dma_wait3A_1409 = arith.constant 0 : i32
      %dma_wait3A_1410 = arith.constant 0 : i32
      %dma_wait3A_1411 = tpu.memref_slice %arg3[%dma_wait3A_1409, %dma_wait3A_1410] : memref<25600x128xi32, #tpu.memory_space<hbm>> -> memref<2x128xi32, #tpu.memory_space<hbm>>
      tpu.wait_dma2 semaphore(%arg20 : memref<!tpu.dma_semaphore, #tpu.memory_space<semaphore_mem>>) src(%dma_wait3A_1411 : memref<2x128xi32, #tpu.memory_space<hbm>>) dst(%dma_wait3A_1408 : memref<2x128xi32, #tpu.memory_space<vmem>>)
      %dma_wait3A_1412 = arith.constant 3 : i32
      %dma_wait3A_1413 = arith.constant 0 : i32
      %dma_wait3A_1414 = arith.constant 0 : i32
      %dma_wait3A_1415 = tpu.memref_slice %arg6[%dma_wait3A_1412, %dma_wait3A_1413, %dma_wait3A_1414] : memref<5x256x64xf32, #tpu.memory_space<vmem>> -> memref<1x256x64xf32, #tpu.memory_space<vmem>>
      %dma_wait3A_1416 = tpu.memref_squeeze %dma_wait3A_1415 : memref<1x256x64xf32, #tpu.memory_space<vmem>> -> memref<256x64xf32, #tpu.memory_space<vmem>>
      %dma_wait3A_1417 = arith.constant 0 : i32
      %dma_wait3A_1418 = arith.constant 0 : i32
      %dma_wait3A_1419 = tpu.memref_slice %arg4[%dma_wait3A_1417, %dma_wait3A_1418] : memref<3276800x64xf32, #tpu.memory_space<hbm>> -> memref<256x64xf32, #tpu.memory_space<hbm>>
      %dma_wait3A_1420 = arith.constant 0 : i32
      %dma_wait3A_1421 = arith.constant 0 : i32
      %dma_wait3A_1422 = tpu.memref_slice %arg6[%dma_wait3A_1412, %dma_wait3A_1420, %dma_wait3A_1421] : memref<5x256x64xf32, #tpu.memory_space<vmem>> -> memref<1x256x64xf32, #tpu.memory_space<vmem>>
      %dma_wait3A_1423 = tpu.memref_squeeze %dma_wait3A_1422 : memref<1x256x64xf32, #tpu.memory_space<vmem>> -> memref<256x64xf32, #tpu.memory_space<vmem>>
      %dma_wait3A_1424 = arith.constant 0 : i32
      %dma_wait3A_1425 = arith.constant 0 : i32
      %dma_wait3A_1426 = tpu.memref_slice %arg4[%dma_wait3A_1424, %dma_wait3A_1425] : memref<3276800x64xf32, #tpu.memory_space<hbm>> -> memref<256x64xf32, #tpu.memory_space<hbm>>
      tpu.wait_dma2 semaphore(%arg15 : memref<!tpu.dma_semaphore, #tpu.memory_space<semaphore_mem>>) src(%dma_wait3A_1426 : memref<256x64xf32, #tpu.memory_space<hbm>>) dst(%dma_wait3A_1423 : memref<256x64xf32, #tpu.memory_space<vmem>>)
      %add3A_1427 = arith.constant 4 : i32
      %add3A_1428 = arith.addi %add3A_1365, %add3A_1427 : i32
      %dma_start3A_1429 = arith.constant 3 : i32
      %dma_start3A_1430 = arith.constant 0 : i32
      %dma_start3A_1431 = arith.constant 3 : i32
      %dma_start3A_1432 = arith.constant 0 : i32
      %dma_start3A_1433 = arith.constant 0 : i32
      %dma_start3A_1434 = tpu.memref_slice %arg6[%dma_start3A_1431, %dma_start3A_1432, %dma_start3A_1433] : memref<5x256x64xf32, #tpu.memory_space<vmem>> -> memref<1x128x64xf32, #tpu.memory_space<vmem>>
      %dma_start3A_1435 = tpu.memref_squeeze %dma_start3A_1434 : memref<1x128x64xf32, #tpu.memory_space<vmem>> -> memref<128x64xf32, #tpu.memory_space<vmem>>
      %dma_start3A_1436 = arith.constant 0 : i32
      %dma_start3A_1437 = tpu.memref_slice %arg5[%dma_start3A_1429, %dma_start3A_1430, %dma_start3A_1436] : memref<5x2x128xi32, #tpu.memory_space<vmem>> -> memref<1x1x128xi32, #tpu.memory_space<vmem>>
      %dma_start3A_1438 = tpu.memref_squeeze %dma_start3A_1437 : memref<1x1x128xi32, #tpu.memory_space<vmem>> -> memref<128xi32, #tpu.memory_space<vmem>>
      %dma_start3A_1439 = arith.constant 0 : i32
      %dma_start3A_1440 = arith.constant 0 : i32
      %dma_start3A_1441 = tpu.memref_slice %arg2[%dma_start3A_1439, %dma_start3A_1440] : memref<2000000x64xf32, #tpu.memory_space<hbm>> -> memref<2000000x64xf32, #tpu.memory_space<hbm>>
      tpu.enqueue_indirect_dma source(%dma_start3A_1441 : memref<2000000x64xf32, #tpu.memory_space<hbm>>) target(%dma_start3A_1435 : memref<128x64xf32, #tpu.memory_space<vmem>>) offsets(%dma_start3A_1438 : memref<128xi32, #tpu.memory_space<vmem>>) semaphore(%arg10 : memref<!tpu.dma_semaphore, #tpu.memory_space<semaphore_mem>>)
      %dma_start3A_1442 = arith.constant 3 : i32
      %dma_start3A_1443 = arith.constant 1 : i32
      %dma_start3A_1444 = arith.constant 3 : i32
      %dma_start3A_1445 = arith.constant 128 : i32
      %dma_start3A_1446 = arith.constant 0 : i32
      %dma_start3A_1447 = tpu.memref_slice %arg6[%dma_start3A_1444, %dma_start3A_1445, %dma_start3A_1446] : memref<5x256x64xf32, #tpu.memory_space<vmem>> -> memref<1x128x64xf32, #tpu.memory_space<vmem>>
      %dma_start3A_1448 = tpu.memref_squeeze %dma_start3A_1447 : memref<1x128x64xf32, #tpu.memory_space<vmem>> -> memref<128x64xf32, #tpu.memory_space<vmem>>
      %dma_start3A_1449 = arith.constant 0 : i32
      %dma_start3A_1450 = tpu.memref_slice %arg5[%dma_start3A_1442, %dma_start3A_1443, %dma_start3A_1449] : memref<5x2x128xi32, #tpu.memory_space<vmem>> -> memref<1x1x128xi32, #tpu.memory_space<vmem>>
      %dma_start3A_1451 = tpu.memref_squeeze %dma_start3A_1450 : memref<1x1x128xi32, #tpu.memory_space<vmem>> -> memref<128xi32, #tpu.memory_space<vmem>>
      %dma_start3A_1452 = arith.constant 0 : i32
      %dma_start3A_1453 = arith.constant 0 : i32
      %dma_start3A_1454 = tpu.memref_slice %arg2[%dma_start3A_1452, %dma_start3A_1453] : memref<2000000x64xf32, #tpu.memory_space<hbm>> -> memref<2000000x64xf32, #tpu.memory_space<hbm>>
      tpu.enqueue_indirect_dma source(%dma_start3A_1454 : memref<2000000x64xf32, #tpu.memory_space<hbm>>) target(%dma_start3A_1448 : memref<128x64xf32, #tpu.memory_space<vmem>>) offsets(%dma_start3A_1451 : memref<128xi32, #tpu.memory_space<vmem>>) semaphore(%arg10 : memref<!tpu.dma_semaphore, #tpu.memory_space<semaphore_mem>>)
      %add3A_1455 = arith.constant 4 : i32
      %add3A_1456 = arith.addi %add3A_1365, %add3A_1455 : i32
      %add3A_1457 = arith.constant 1 : i32
      %add3A_1458 = arith.addi %add3A_1456, %add3A_1457 : i32
      %mul3A_1459 = arith.constant 2 : i32
      %mul3A_1460 = arith.muli %add3A_1458, %mul3A_1459 : i32
      %add3A_1461 = arith.addi %mul3A_2, %mul3A_1460 : i32
      %dma_start3A_1462 = arith.constant 4 : i32
      %dma_start3A_1463 = arith.constant 0 : i32
      %dma_start3A_1464 = arith.constant 0 : i32
      %dma_start3A_1465 = tpu.memref_slice %arg5[%dma_start3A_1462, %dma_start3A_1463, %dma_start3A_1464] : memref<5x2x128xi32, #tpu.memory_space<vmem>> -> memref<1x2x128xi32, #tpu.memory_space<vmem>>
      %dma_start3A_1466 = tpu.memref_squeeze %dma_start3A_1465 : memref<1x2x128xi32, #tpu.memory_space<vmem>> -> memref<2x128xi32, #tpu.memory_space<vmem>>
      %dma_start3A_1467 = arith.constant 0 : i32
      %dma_start3A_1468 = tpu.memref_slice %arg3[%add3A_1461, %dma_start3A_1467] : memref<25600x128xi32, #tpu.memory_space<hbm>> -> memref<2x128xi32, #tpu.memory_space<hbm>>
      %dma_start3A_1469 = arith.constant 0 : i32
      %dma_start3A_1470 = arith.constant 0 : i32
      %dma_start3A_1471 = tpu.memref_slice %arg5[%dma_start3A_1462, %dma_start3A_1469, %dma_start3A_1470] : memref<5x2x128xi32, #tpu.memory_space<vmem>> -> memref<1x2x128xi32, #tpu.memory_space<vmem>>
      %dma_start3A_1472 = tpu.memref_squeeze %dma_start3A_1471 : memref<1x2x128xi32, #tpu.memory_space<vmem>> -> memref<2x128xi32, #tpu.memory_space<vmem>>
      %dma_start3A_1473 = arith.constant 0 : i32
      %dma_start3A_1474 = tpu.memref_slice %arg3[%add3A_1461, %dma_start3A_1473] : memref<25600x128xi32, #tpu.memory_space<hbm>> -> memref<2x128xi32, #tpu.memory_space<hbm>>
      tpu.enqueue_dma source(%dma_start3A_1474 : memref<2x128xi32, #tpu.memory_space<hbm>>) target(%dma_start3A_1472 : memref<2x128xi32, #tpu.memory_space<vmem>>) target_semaphore(%arg21 : memref<!tpu.dma_semaphore, #tpu.memory_space<semaphore_mem>>)
    }
    %scan3A_627 = arith.constant 78 : i32
    %dma_wait3A_628 = arith.constant 0 : i32
    %dma_wait3A_629 = arith.constant 0 : i32
    %dma_wait3A_630 = arith.constant 0 : i32
    %dma_wait3A_631 = tpu.memref_slice %arg6[%dma_wait3A_628, %dma_wait3A_629, %dma_wait3A_630] : memref<5x256x64xf32, #tpu.memory_space<vmem>> -> memref<1x256x64xf32, #tpu.memory_space<vmem>>
    %dma_wait3A_632 = tpu.memref_squeeze %dma_wait3A_631 : memref<1x256x64xf32, #tpu.memory_space<vmem>> -> memref<256x64xf32, #tpu.memory_space<vmem>>
    %dma_wait3A_633 = arith.constant 0 : i32
    %dma_wait3A_634 = arith.constant 0 : i32
    %dma_wait3A_635 = tpu.memref_slice %arg2[%dma_wait3A_633, %dma_wait3A_634] : memref<2000000x64xf32, #tpu.memory_space<hbm>> -> memref<256x64xf32, #tpu.memory_space<hbm>>
    %dma_wait3A_636 = arith.constant 0 : i32
    %dma_wait3A_637 = arith.constant 0 : i32
    %dma_wait3A_638 = tpu.memref_slice %arg6[%dma_wait3A_628, %dma_wait3A_636, %dma_wait3A_637] : memref<5x256x64xf32, #tpu.memory_space<vmem>> -> memref<1x256x64xf32, #tpu.memory_space<vmem>>
    %dma_wait3A_639 = tpu.memref_squeeze %dma_wait3A_638 : memref<1x256x64xf32, #tpu.memory_space<vmem>> -> memref<256x64xf32, #tpu.memory_space<vmem>>
    %dma_wait3A_640 = arith.constant 0 : i32
    %dma_wait3A_641 = arith.constant 0 : i32
    %dma_wait3A_642 = tpu.memref_slice %arg2[%dma_wait3A_640, %dma_wait3A_641] : memref<2000000x64xf32, #tpu.memory_space<hbm>> -> memref<256x64xf32, #tpu.memory_space<hbm>>
    tpu.wait_dma2 semaphore(%arg7 : memref<!tpu.dma_semaphore, #tpu.memory_space<semaphore_mem>>) src(%dma_wait3A_642 : memref<256x64xf32, #tpu.memory_space<hbm>>) dst(%dma_wait3A_639 : memref<256x64xf32, #tpu.memory_space<vmem>>)
    %add3A_643 = arith.constant 101120 : i32
    %add3A_644 = arith.addi %mul3A_4, %add3A_643 : i32
    %dma_start3A_645 = arith.constant 0 : i32
    %dma_start3A_646 = arith.constant 0 : i32
    %dma_start3A_647 = arith.constant 0 : i32
    %dma_start3A_648 = tpu.memref_slice %arg6[%dma_start3A_645, %dma_start3A_646, %dma_start3A_647] : memref<5x256x64xf32, #tpu.memory_space<vmem>> -> memref<1x256x64xf32, #tpu.memory_space<vmem>>
    %dma_start3A_649 = tpu.memref_squeeze %dma_start3A_648 : memref<1x256x64xf32, #tpu.memory_space<vmem>> -> memref<256x64xf32, #tpu.memory_space<vmem>>
    %dma_start3A_650 = arith.constant 0 : i32
    %dma_start3A_651 = tpu.memref_slice %arg4[%add3A_644, %dma_start3A_650] : memref<3276800x64xf32, #tpu.memory_space<hbm>> -> memref<256x64xf32, #tpu.memory_space<hbm>>
    %dma_start3A_652 = arith.constant 0 : i32
    %dma_start3A_653 = tpu.memref_slice %arg4[%add3A_644, %dma_start3A_652] : memref<3276800x64xf32, #tpu.memory_space<hbm>> -> memref<256x64xf32, #tpu.memory_space<hbm>>
    %dma_start3A_654 = arith.constant 0 : i32
    %dma_start3A_655 = arith.constant 0 : i32
    %dma_start3A_656 = tpu.memref_slice %arg6[%dma_start3A_645, %dma_start3A_654, %dma_start3A_655] : memref<5x256x64xf32, #tpu.memory_space<vmem>> -> memref<1x256x64xf32, #tpu.memory_space<vmem>>
    %dma_start3A_657 = tpu.memref_squeeze %dma_start3A_656 : memref<1x256x64xf32, #tpu.memory_space<vmem>> -> memref<256x64xf32, #tpu.memory_space<vmem>>
    tpu.enqueue_dma source(%dma_start3A_657 : memref<256x64xf32, #tpu.memory_space<vmem>>) target(%dma_start3A_653 : memref<256x64xf32, #tpu.memory_space<hbm>>) target_semaphore(%arg12 : memref<!tpu.dma_semaphore, #tpu.memory_space<semaphore_mem>>)
    %dma_wait3A_658 = arith.constant 4 : i32
    %dma_wait3A_659 = arith.constant 0 : i32
    %dma_wait3A_660 = arith.constant 0 : i32
    %dma_wait3A_661 = tpu.memref_slice %arg5[%dma_wait3A_658, %dma_wait3A_659, %dma_wait3A_660] : memref<5x2x128xi32, #tpu.memory_space<vmem>> -> memref<1x2x128xi32, #tpu.memory_space<vmem>>
    %dma_wait3A_662 = tpu.memref_squeeze %dma_wait3A_661 : memref<1x2x128xi32, #tpu.memory_space<vmem>> -> memref<2x128xi32, #tpu.memory_space<vmem>>
    %dma_wait3A_663 = arith.constant 0 : i32
    %dma_wait3A_664 = arith.constant 0 : i32
    %dma_wait3A_665 = tpu.memref_slice %arg3[%dma_wait3A_663, %dma_wait3A_664] : memref<25600x128xi32, #tpu.memory_space<hbm>> -> memref<2x128xi32, #tpu.memory_space<hbm>>
    %dma_wait3A_666 = arith.constant 0 : i32
    %dma_wait3A_667 = arith.constant 0 : i32
    %dma_wait3A_668 = tpu.memref_slice %arg5[%dma_wait3A_658, %dma_wait3A_666, %dma_wait3A_667] : memref<5x2x128xi32, #tpu.memory_space<vmem>> -> memref<1x2x128xi32, #tpu.memory_space<vmem>>
    %dma_wait3A_669 = tpu.memref_squeeze %dma_wait3A_668 : memref<1x2x128xi32, #tpu.memory_space<vmem>> -> memref<2x128xi32, #tpu.memory_space<vmem>>
    %dma_wait3A_670 = arith.constant 0 : i32
    %dma_wait3A_671 = arith.constant 0 : i32
    %dma_wait3A_672 = tpu.memref_slice %arg3[%dma_wait3A_670, %dma_wait3A_671] : memref<25600x128xi32, #tpu.memory_space<hbm>> -> memref<2x128xi32, #tpu.memory_space<hbm>>
    tpu.wait_dma2 semaphore(%arg21 : memref<!tpu.dma_semaphore, #tpu.memory_space<semaphore_mem>>) src(%dma_wait3A_672 : memref<2x128xi32, #tpu.memory_space<hbm>>) dst(%dma_wait3A_669 : memref<2x128xi32, #tpu.memory_space<vmem>>)
    %dma_wait3A_673 = arith.constant 4 : i32
    %dma_wait3A_674 = arith.constant 0 : i32
    %dma_wait3A_675 = arith.constant 0 : i32
    %dma_wait3A_676 = tpu.memref_slice %arg6[%dma_wait3A_673, %dma_wait3A_674, %dma_wait3A_675] : memref<5x256x64xf32, #tpu.memory_space<vmem>> -> memref<1x256x64xf32, #tpu.memory_space<vmem>>
    %dma_wait3A_677 = tpu.memref_squeeze %dma_wait3A_676 : memref<1x256x64xf32, #tpu.memory_space<vmem>> -> memref<256x64xf32, #tpu.memory_space<vmem>>
    %dma_wait3A_678 = arith.constant 0 : i32
    %dma_wait3A_679 = arith.constant 0 : i32
    %dma_wait3A_680 = tpu.memref_slice %arg4[%dma_wait3A_678, %dma_wait3A_679] : memref<3276800x64xf32, #tpu.memory_space<hbm>> -> memref<256x64xf32, #tpu.memory_space<hbm>>
    %dma_wait3A_681 = arith.constant 0 : i32
    %dma_wait3A_682 = arith.constant 0 : i32
    %dma_wait3A_683 = tpu.memref_slice %arg6[%dma_wait3A_673, %dma_wait3A_681, %dma_wait3A_682] : memref<5x256x64xf32, #tpu.memory_space<vmem>> -> memref<1x256x64xf32, #tpu.memory_space<vmem>>
    %dma_wait3A_684 = tpu.memref_squeeze %dma_wait3A_683 : memref<1x256x64xf32, #tpu.memory_space<vmem>> -> memref<256x64xf32, #tpu.memory_space<vmem>>
    %dma_wait3A_685 = arith.constant 0 : i32
    %dma_wait3A_686 = arith.constant 0 : i32
    %dma_wait3A_687 = tpu.memref_slice %arg4[%dma_wait3A_685, %dma_wait3A_686] : memref<3276800x64xf32, #tpu.memory_space<hbm>> -> memref<256x64xf32, #tpu.memory_space<hbm>>
    tpu.wait_dma2 semaphore(%arg16 : memref<!tpu.dma_semaphore, #tpu.memory_space<semaphore_mem>>) src(%dma_wait3A_687 : memref<256x64xf32, #tpu.memory_space<hbm>>) dst(%dma_wait3A_684 : memref<256x64xf32, #tpu.memory_space<vmem>>)
    %dma_start3A_688 = arith.constant 4 : i32
    %dma_start3A_689 = arith.constant 0 : i32
    %dma_start3A_690 = arith.constant 4 : i32
    %dma_start3A_691 = arith.constant 0 : i32
    %dma_start3A_692 = arith.constant 0 : i32
    %dma_start3A_693 = tpu.memref_slice %arg6[%dma_start3A_690, %dma_start3A_691, %dma_start3A_692] : memref<5x256x64xf32, #tpu.memory_space<vmem>> -> memref<1x128x64xf32, #tpu.memory_space<vmem>>
    %dma_start3A_694 = tpu.memref_squeeze %dma_start3A_693 : memref<1x128x64xf32, #tpu.memory_space<vmem>> -> memref<128x64xf32, #tpu.memory_space<vmem>>
    %dma_start3A_695 = arith.constant 0 : i32
    %dma_start3A_696 = tpu.memref_slice %arg5[%dma_start3A_688, %dma_start3A_689, %dma_start3A_695] : memref<5x2x128xi32, #tpu.memory_space<vmem>> -> memref<1x1x128xi32, #tpu.memory_space<vmem>>
    %dma_start3A_697 = tpu.memref_squeeze %dma_start3A_696 : memref<1x1x128xi32, #tpu.memory_space<vmem>> -> memref<128xi32, #tpu.memory_space<vmem>>
    %dma_start3A_698 = arith.constant 0 : i32
    %dma_start3A_699 = arith.constant 0 : i32
    %dma_start3A_700 = tpu.memref_slice %arg2[%dma_start3A_698, %dma_start3A_699] : memref<2000000x64xf32, #tpu.memory_space<hbm>> -> memref<2000000x64xf32, #tpu.memory_space<hbm>>
    tpu.enqueue_indirect_dma source(%dma_start3A_700 : memref<2000000x64xf32, #tpu.memory_space<hbm>>) target(%dma_start3A_694 : memref<128x64xf32, #tpu.memory_space<vmem>>) offsets(%dma_start3A_697 : memref<128xi32, #tpu.memory_space<vmem>>) semaphore(%arg11 : memref<!tpu.dma_semaphore, #tpu.memory_space<semaphore_mem>>)
    %dma_start3A_701 = arith.constant 4 : i32
    %dma_start3A_702 = arith.constant 1 : i32
    %dma_start3A_703 = arith.constant 4 : i32
    %dma_start3A_704 = arith.constant 128 : i32
    %dma_start3A_705 = arith.constant 0 : i32
    %dma_start3A_706 = tpu.memref_slice %arg6[%dma_start3A_703, %dma_start3A_704, %dma_start3A_705] : memref<5x256x64xf32, #tpu.memory_space<vmem>> -> memref<1x128x64xf32, #tpu.memory_space<vmem>>
    %dma_start3A_707 = tpu.memref_squeeze %dma_start3A_706 : memref<1x128x64xf32, #tpu.memory_space<vmem>> -> memref<128x64xf32, #tpu.memory_space<vmem>>
    %dma_start3A_708 = arith.constant 0 : i32
    %dma_start3A_709 = tpu.memref_slice %arg5[%dma_start3A_701, %dma_start3A_702, %dma_start3A_708] : memref<5x2x128xi32, #tpu.memory_space<vmem>> -> memref<1x1x128xi32, #tpu.memory_space<vmem>>
    %dma_start3A_710 = tpu.memref_squeeze %dma_start3A_709 : memref<1x1x128xi32, #tpu.memory_space<vmem>> -> memref<128xi32, #tpu.memory_space<vmem>>
    %dma_start3A_711 = arith.constant 0 : i32
    %dma_start3A_712 = arith.constant 0 : i32
    %dma_start3A_713 = tpu.memref_slice %arg2[%dma_start3A_711, %dma_start3A_712] : memref<2000000x64xf32, #tpu.memory_space<hbm>> -> memref<2000000x64xf32, #tpu.memory_space<hbm>>
    tpu.enqueue_indirect_dma source(%dma_start3A_713 : memref<2000000x64xf32, #tpu.memory_space<hbm>>) target(%dma_start3A_707 : memref<128x64xf32, #tpu.memory_space<vmem>>) offsets(%dma_start3A_710 : memref<128xi32, #tpu.memory_space<vmem>>) semaphore(%arg11 : memref<!tpu.dma_semaphore, #tpu.memory_space<semaphore_mem>>)
    %dma_wait3A_714 = arith.constant 1 : i32
    %dma_wait3A_715 = arith.constant 0 : i32
    %dma_wait3A_716 = arith.constant 0 : i32
    %dma_wait3A_717 = tpu.memref_slice %arg6[%dma_wait3A_714, %dma_wait3A_715, %dma_wait3A_716] : memref<5x256x64xf32, #tpu.memory_space<vmem>> -> memref<1x256x64xf32, #tpu.memory_space<vmem>>
    %dma_wait3A_718 = tpu.memref_squeeze %dma_wait3A_717 : memref<1x256x64xf32, #tpu.memory_space<vmem>> -> memref<256x64xf32, #tpu.memory_space<vmem>>
    %dma_wait3A_719 = arith.constant 0 : i32
    %dma_wait3A_720 = arith.constant 0 : i32
    %dma_wait3A_721 = tpu.memref_slice %arg2[%dma_wait3A_719, %dma_wait3A_720] : memref<2000000x64xf32, #tpu.memory_space<hbm>> -> memref<256x64xf32, #tpu.memory_space<hbm>>
    %dma_wait3A_722 = arith.constant 0 : i32
    %dma_wait3A_723 = arith.constant 0 : i32
    %dma_wait3A_724 = tpu.memref_slice %arg6[%dma_wait3A_714, %dma_wait3A_722, %dma_wait3A_723] : memref<5x256x64xf32, #tpu.memory_space<vmem>> -> memref<1x256x64xf32, #tpu.memory_space<vmem>>
    %dma_wait3A_725 = tpu.memref_squeeze %dma_wait3A_724 : memref<1x256x64xf32, #tpu.memory_space<vmem>> -> memref<256x64xf32, #tpu.memory_space<vmem>>
    %dma_wait3A_726 = arith.constant 0 : i32
    %dma_wait3A_727 = arith.constant 0 : i32
    %dma_wait3A_728 = tpu.memref_slice %arg2[%dma_wait3A_726, %dma_wait3A_727] : memref<2000000x64xf32, #tpu.memory_space<hbm>> -> memref<256x64xf32, #tpu.memory_space<hbm>>
    tpu.wait_dma2 semaphore(%arg8 : memref<!tpu.dma_semaphore, #tpu.memory_space<semaphore_mem>>) src(%dma_wait3A_728 : memref<256x64xf32, #tpu.memory_space<hbm>>) dst(%dma_wait3A_725 : memref<256x64xf32, #tpu.memory_space<vmem>>)
    %add3A_729 = arith.constant 101376 : i32
    %add3A_730 = arith.addi %mul3A_4, %add3A_729 : i32
    %dma_start3A_731 = arith.constant 1 : i32
    %dma_start3A_732 = arith.constant 0 : i32
    %dma_start3A_733 = arith.constant 0 : i32
    %dma_start3A_734 = tpu.memref_slice %arg6[%dma_start3A_731, %dma_start3A_732, %dma_start3A_733] : memref<5x256x64xf32, #tpu.memory_space<vmem>> -> memref<1x256x64xf32, #tpu.memory_space<vmem>>
    %dma_start3A_735 = tpu.memref_squeeze %dma_start3A_734 : memref<1x256x64xf32, #tpu.memory_space<vmem>> -> memref<256x64xf32, #tpu.memory_space<vmem>>
    %dma_start3A_736 = arith.constant 0 : i32
    %dma_start3A_737 = tpu.memref_slice %arg4[%add3A_730, %dma_start3A_736] : memref<3276800x64xf32, #tpu.memory_space<hbm>> -> memref<256x64xf32, #tpu.memory_space<hbm>>
    %dma_start3A_738 = arith.constant 0 : i32
    %dma_start3A_739 = tpu.memref_slice %arg4[%add3A_730, %dma_start3A_738] : memref<3276800x64xf32, #tpu.memory_space<hbm>> -> memref<256x64xf32, #tpu.memory_space<hbm>>
    %dma_start3A_740 = arith.constant 0 : i32
    %dma_start3A_741 = arith.constant 0 : i32
    %dma_start3A_742 = tpu.memref_slice %arg6[%dma_start3A_731, %dma_start3A_740, %dma_start3A_741] : memref<5x256x64xf32, #tpu.memory_space<vmem>> -> memref<1x256x64xf32, #tpu.memory_space<vmem>>
    %dma_start3A_743 = tpu.memref_squeeze %dma_start3A_742 : memref<1x256x64xf32, #tpu.memory_space<vmem>> -> memref<256x64xf32, #tpu.memory_space<vmem>>
    tpu.enqueue_dma source(%dma_start3A_743 : memref<256x64xf32, #tpu.memory_space<vmem>>) target(%dma_start3A_739 : memref<256x64xf32, #tpu.memory_space<hbm>>) target_semaphore(%arg13 : memref<!tpu.dma_semaphore, #tpu.memory_space<semaphore_mem>>)
    %dma_wait3A_744 = arith.constant 2 : i32
    %dma_wait3A_745 = arith.constant 0 : i32
    %dma_wait3A_746 = arith.constant 0 : i32
    %dma_wait3A_747 = tpu.memref_slice %arg6[%dma_wait3A_744, %dma_wait3A_745, %dma_wait3A_746] : memref<5x256x64xf32, #tpu.memory_space<vmem>> -> memref<1x256x64xf32, #tpu.memory_space<vmem>>
    %dma_wait3A_748 = tpu.memref_squeeze %dma_wait3A_747 : memref<1x256x64xf32, #tpu.memory_space<vmem>> -> memref<256x64xf32, #tpu.memory_space<vmem>>
    %dma_wait3A_749 = arith.constant 0 : i32
    %dma_wait3A_750 = arith.constant 0 : i32
    %dma_wait3A_751 = tpu.memref_slice %arg2[%dma_wait3A_749, %dma_wait3A_750] : memref<2000000x64xf32, #tpu.memory_space<hbm>> -> memref<256x64xf32, #tpu.memory_space<hbm>>
    %dma_wait3A_752 = arith.constant 0 : i32
    %dma_wait3A_753 = arith.constant 0 : i32
    %dma_wait3A_754 = tpu.memref_slice %arg6[%dma_wait3A_744, %dma_wait3A_752, %dma_wait3A_753] : memref<5x256x64xf32, #tpu.memory_space<vmem>> -> memref<1x256x64xf32, #tpu.memory_space<vmem>>
    %dma_wait3A_755 = tpu.memref_squeeze %dma_wait3A_754 : memref<1x256x64xf32, #tpu.memory_space<vmem>> -> memref<256x64xf32, #tpu.memory_space<vmem>>
    %dma_wait3A_756 = arith.constant 0 : i32
    %dma_wait3A_757 = arith.constant 0 : i32
    %dma_wait3A_758 = tpu.memref_slice %arg2[%dma_wait3A_756, %dma_wait3A_757] : memref<2000000x64xf32, #tpu.memory_space<hbm>> -> memref<256x64xf32, #tpu.memory_space<hbm>>
    tpu.wait_dma2 semaphore(%arg9 : memref<!tpu.dma_semaphore, #tpu.memory_space<semaphore_mem>>) src(%dma_wait3A_758 : memref<256x64xf32, #tpu.memory_space<hbm>>) dst(%dma_wait3A_755 : memref<256x64xf32, #tpu.memory_space<vmem>>)
    %add3A_759 = arith.constant 101632 : i32
    %add3A_760 = arith.addi %mul3A_4, %add3A_759 : i32
    %dma_start3A_761 = arith.constant 2 : i32
    %dma_start3A_762 = arith.constant 0 : i32
    %dma_start3A_763 = arith.constant 0 : i32
    %dma_start3A_764 = tpu.memref_slice %arg6[%dma_start3A_761, %dma_start3A_762, %dma_start3A_763] : memref<5x256x64xf32, #tpu.memory_space<vmem>> -> memref<1x256x64xf32, #tpu.memory_space<vmem>>
    %dma_start3A_765 = tpu.memref_squeeze %dma_start3A_764 : memref<1x256x64xf32, #tpu.memory_space<vmem>> -> memref<256x64xf32, #tpu.memory_space<vmem>>
    %dma_start3A_766 = arith.constant 0 : i32
    %dma_start3A_767 = tpu.memref_slice %arg4[%add3A_760, %dma_start3A_766] : memref<3276800x64xf32, #tpu.memory_space<hbm>> -> memref<256x64xf32, #tpu.memory_space<hbm>>
    %dma_start3A_768 = arith.constant 0 : i32
    %dma_start3A_769 = tpu.memref_slice %arg4[%add3A_760, %dma_start3A_768] : memref<3276800x64xf32, #tpu.memory_space<hbm>> -> memref<256x64xf32, #tpu.memory_space<hbm>>
    %dma_start3A_770 = arith.constant 0 : i32
    %dma_start3A_771 = arith.constant 0 : i32
    %dma_start3A_772 = tpu.memref_slice %arg6[%dma_start3A_761, %dma_start3A_770, %dma_start3A_771] : memref<5x256x64xf32, #tpu.memory_space<vmem>> -> memref<1x256x64xf32, #tpu.memory_space<vmem>>
    %dma_start3A_773 = tpu.memref_squeeze %dma_start3A_772 : memref<1x256x64xf32, #tpu.memory_space<vmem>> -> memref<256x64xf32, #tpu.memory_space<vmem>>
    tpu.enqueue_dma source(%dma_start3A_773 : memref<256x64xf32, #tpu.memory_space<vmem>>) target(%dma_start3A_769 : memref<256x64xf32, #tpu.memory_space<hbm>>) target_semaphore(%arg14 : memref<!tpu.dma_semaphore, #tpu.memory_space<semaphore_mem>>)
    %dma_wait3A_774 = arith.constant 3 : i32
    %dma_wait3A_775 = arith.constant 0 : i32
    %dma_wait3A_776 = arith.constant 0 : i32
    %dma_wait3A_777 = tpu.memref_slice %arg6[%dma_wait3A_774, %dma_wait3A_775, %dma_wait3A_776] : memref<5x256x64xf32, #tpu.memory_space<vmem>> -> memref<1x256x64xf32, #tpu.memory_space<vmem>>
    %dma_wait3A_778 = tpu.memref_squeeze %dma_wait3A_777 : memref<1x256x64xf32, #tpu.memory_space<vmem>> -> memref<256x64xf32, #tpu.memory_space<vmem>>
    %dma_wait3A_779 = arith.constant 0 : i32
    %dma_wait3A_780 = arith.constant 0 : i32
    %dma_wait3A_781 = tpu.memref_slice %arg2[%dma_wait3A_779, %dma_wait3A_780] : memref<2000000x64xf32, #tpu.memory_space<hbm>> -> memref<256x64xf32, #tpu.memory_space<hbm>>
    %dma_wait3A_782 = arith.constant 0 : i32
    %dma_wait3A_783 = arith.constant 0 : i32
    %dma_wait3A_784 = tpu.memref_slice %arg6[%dma_wait3A_774, %dma_wait3A_782, %dma_wait3A_783] : memref<5x256x64xf32, #tpu.memory_space<vmem>> -> memref<1x256x64xf32, #tpu.memory_space<vmem>>
    %dma_wait3A_785 = tpu.memref_squeeze %dma_wait3A_784 : memref<1x256x64xf32, #tpu.memory_space<vmem>> -> memref<256x64xf32, #tpu.memory_space<vmem>>
    %dma_wait3A_786 = arith.constant 0 : i32
    %dma_wait3A_787 = arith.constant 0 : i32
    %dma_wait3A_788 = tpu.memref_slice %arg2[%dma_wait3A_786, %dma_wait3A_787] : memref<2000000x64xf32, #tpu.memory_space<hbm>> -> memref<256x64xf32, #tpu.memory_space<hbm>>
    tpu.wait_dma2 semaphore(%arg10 : memref<!tpu.dma_semaphore, #tpu.memory_space<semaphore_mem>>) src(%dma_wait3A_788 : memref<256x64xf32, #tpu.memory_space<hbm>>) dst(%dma_wait3A_785 : memref<256x64xf32, #tpu.memory_space<vmem>>)
    %add3A_789 = arith.constant 101888 : i32
    %add3A_790 = arith.addi %mul3A_4, %add3A_789 : i32
    %dma_start3A_791 = arith.constant 3 : i32
    %dma_start3A_792 = arith.constant 0 : i32
    %dma_start3A_793 = arith.constant 0 : i32
    %dma_start3A_794 = tpu.memref_slice %arg6[%dma_start3A_791, %dma_start3A_792, %dma_start3A_793] : memref<5x256x64xf32, #tpu.memory_space<vmem>> -> memref<1x256x64xf32, #tpu.memory_space<vmem>>
    %dma_start3A_795 = tpu.memref_squeeze %dma_start3A_794 : memref<1x256x64xf32, #tpu.memory_space<vmem>> -> memref<256x64xf32, #tpu.memory_space<vmem>>
    %dma_start3A_796 = arith.constant 0 : i32
    %dma_start3A_797 = tpu.memref_slice %arg4[%add3A_790, %dma_start3A_796] : memref<3276800x64xf32, #tpu.memory_space<hbm>> -> memref<256x64xf32, #tpu.memory_space<hbm>>
    %dma_start3A_798 = arith.constant 0 : i32
    %dma_start3A_799 = tpu.memref_slice %arg4[%add3A_790, %dma_start3A_798] : memref<3276800x64xf32, #tpu.memory_space<hbm>> -> memref<256x64xf32, #tpu.memory_space<hbm>>
    %dma_start3A_800 = arith.constant 0 : i32
    %dma_start3A_801 = arith.constant 0 : i32
    %dma_start3A_802 = tpu.memref_slice %arg6[%dma_start3A_791, %dma_start3A_800, %dma_start3A_801] : memref<5x256x64xf32, #tpu.memory_space<vmem>> -> memref<1x256x64xf32, #tpu.memory_space<vmem>>
    %dma_start3A_803 = tpu.memref_squeeze %dma_start3A_802 : memref<1x256x64xf32, #tpu.memory_space<vmem>> -> memref<256x64xf32, #tpu.memory_space<vmem>>
    tpu.enqueue_dma source(%dma_start3A_803 : memref<256x64xf32, #tpu.memory_space<vmem>>) target(%dma_start3A_799 : memref<256x64xf32, #tpu.memory_space<hbm>>) target_semaphore(%arg15 : memref<!tpu.dma_semaphore, #tpu.memory_space<semaphore_mem>>)
    %dma_wait3A_804 = arith.constant 4 : i32
    %dma_wait3A_805 = arith.constant 0 : i32
    %dma_wait3A_806 = arith.constant 0 : i32
    %dma_wait3A_807 = tpu.memref_slice %arg6[%dma_wait3A_804, %dma_wait3A_805, %dma_wait3A_806] : memref<5x256x64xf32, #tpu.memory_space<vmem>> -> memref<1x256x64xf32, #tpu.memory_space<vmem>>
    %dma_wait3A_808 = tpu.memref_squeeze %dma_wait3A_807 : memref<1x256x64xf32, #tpu.memory_space<vmem>> -> memref<256x64xf32, #tpu.memory_space<vmem>>
    %dma_wait3A_809 = arith.constant 0 : i32
    %dma_wait3A_810 = arith.constant 0 : i32
    %dma_wait3A_811 = tpu.memref_slice %arg2[%dma_wait3A_809, %dma_wait3A_810] : memref<2000000x64xf32, #tpu.memory_space<hbm>> -> memref<256x64xf32, #tpu.memory_space<hbm>>
    %dma_wait3A_812 = arith.constant 0 : i32
    %dma_wait3A_813 = arith.constant 0 : i32
    %dma_wait3A_814 = tpu.memref_slice %arg6[%dma_wait3A_804, %dma_wait3A_812, %dma_wait3A_813] : memref<5x256x64xf32, #tpu.memory_space<vmem>> -> memref<1x256x64xf32, #tpu.memory_space<vmem>>
    %dma_wait3A_815 = tpu.memref_squeeze %dma_wait3A_814 : memref<1x256x64xf32, #tpu.memory_space<vmem>> -> memref<256x64xf32, #tpu.memory_space<vmem>>
    %dma_wait3A_816 = arith.constant 0 : i32
    %dma_wait3A_817 = arith.constant 0 : i32
    %dma_wait3A_818 = tpu.memref_slice %arg2[%dma_wait3A_816, %dma_wait3A_817] : memref<2000000x64xf32, #tpu.memory_space<hbm>> -> memref<256x64xf32, #tpu.memory_space<hbm>>
    tpu.wait_dma2 semaphore(%arg11 : memref<!tpu.dma_semaphore, #tpu.memory_space<semaphore_mem>>) src(%dma_wait3A_818 : memref<256x64xf32, #tpu.memory_space<hbm>>) dst(%dma_wait3A_815 : memref<256x64xf32, #tpu.memory_space<vmem>>)
    %add3A_819 = arith.constant 102144 : i32
    %add3A_820 = arith.addi %mul3A_4, %add3A_819 : i32
    %dma_start3A_821 = arith.constant 4 : i32
    %dma_start3A_822 = arith.constant 0 : i32
    %dma_start3A_823 = arith.constant 0 : i32
    %dma_start3A_824 = tpu.memref_slice %arg6[%dma_start3A_821, %dma_start3A_822, %dma_start3A_823] : memref<5x256x64xf32, #tpu.memory_space<vmem>> -> memref<1x256x64xf32, #tpu.memory_space<vmem>>
    %dma_start3A_825 = tpu.memref_squeeze %dma_start3A_824 : memref<1x256x64xf32, #tpu.memory_space<vmem>> -> memref<256x64xf32, #tpu.memory_space<vmem>>
    %dma_start3A_826 = arith.constant 0 : i32
    %dma_start3A_827 = tpu.memref_slice %arg4[%add3A_820, %dma_start3A_826] : memref<3276800x64xf32, #tpu.memory_space<hbm>> -> memref<256x64xf32, #tpu.memory_space<hbm>>
    %dma_start3A_828 = arith.constant 0 : i32
    %dma_start3A_829 = tpu.memref_slice %arg4[%add3A_820, %dma_start3A_828] : memref<3276800x64xf32, #tpu.memory_space<hbm>> -> memref<256x64xf32, #tpu.memory_space<hbm>>
    %dma_start3A_830 = arith.constant 0 : i32
    %dma_start3A_831 = arith.constant 0 : i32
    %dma_start3A_832 = tpu.memref_slice %arg6[%dma_start3A_821, %dma_start3A_830, %dma_start3A_831] : memref<5x256x64xf32, #tpu.memory_space<vmem>> -> memref<1x256x64xf32, #tpu.memory_space<vmem>>
    %dma_start3A_833 = tpu.memref_squeeze %dma_start3A_832 : memref<1x256x64xf32, #tpu.memory_space<vmem>> -> memref<256x64xf32, #tpu.memory_space<vmem>>
    tpu.enqueue_dma source(%dma_start3A_833 : memref<256x64xf32, #tpu.memory_space<vmem>>) target(%dma_start3A_829 : memref<256x64xf32, #tpu.memory_space<hbm>>) target_semaphore(%arg16 : memref<!tpu.dma_semaphore, #tpu.memory_space<semaphore_mem>>)
    %dma_wait3A_834 = arith.constant 0 : i32
    %dma_wait3A_835 = arith.constant 0 : i32
    %dma_wait3A_836 = arith.constant 0 : i32
    %dma_wait3A_837 = tpu.memref_slice %arg6[%dma_wait3A_834, %dma_wait3A_835, %dma_wait3A_836] : memref<5x256x64xf32, #tpu.memory_space<vmem>> -> memref<1x256x64xf32, #tpu.memory_space<vmem>>
    %dma_wait3A_838 = tpu.memref_squeeze %dma_wait3A_837 : memref<1x256x64xf32, #tpu.memory_space<vmem>> -> memref<256x64xf32, #tpu.memory_space<vmem>>
    %dma_wait3A_839 = arith.constant 0 : i32
    %dma_wait3A_840 = arith.constant 0 : i32
    %dma_wait3A_841 = tpu.memref_slice %arg4[%dma_wait3A_839, %dma_wait3A_840] : memref<3276800x64xf32, #tpu.memory_space<hbm>> -> memref<256x64xf32, #tpu.memory_space<hbm>>
    %dma_wait3A_842 = arith.constant 0 : i32
    %dma_wait3A_843 = arith.constant 0 : i32
    %dma_wait3A_844 = tpu.memref_slice %arg6[%dma_wait3A_834, %dma_wait3A_842, %dma_wait3A_843] : memref<5x256x64xf32, #tpu.memory_space<vmem>> -> memref<1x256x64xf32, #tpu.memory_space<vmem>>
    %dma_wait3A_845 = tpu.memref_squeeze %dma_wait3A_844 : memref<1x256x64xf32, #tpu.memory_space<vmem>> -> memref<256x64xf32, #tpu.memory_space<vmem>>
    %dma_wait3A_846 = arith.constant 0 : i32
    %dma_wait3A_847 = arith.constant 0 : i32
    %dma_wait3A_848 = tpu.memref_slice %arg4[%dma_wait3A_846, %dma_wait3A_847] : memref<3276800x64xf32, #tpu.memory_space<hbm>> -> memref<256x64xf32, #tpu.memory_space<hbm>>
    tpu.wait_dma2 semaphore(%arg12 : memref<!tpu.dma_semaphore, #tpu.memory_space<semaphore_mem>>) src(%dma_wait3A_848 : memref<256x64xf32, #tpu.memory_space<hbm>>) dst(%dma_wait3A_845 : memref<256x64xf32, #tpu.memory_space<vmem>>)
    %dma_wait3A_849 = arith.constant 1 : i32
    %dma_wait3A_850 = arith.constant 0 : i32
    %dma_wait3A_851 = arith.constant 0 : i32
    %dma_wait3A_852 = tpu.memref_slice %arg6[%dma_wait3A_849, %dma_wait3A_850, %dma_wait3A_851] : memref<5x256x64xf32, #tpu.memory_space<vmem>> -> memref<1x256x64xf32, #tpu.memory_space<vmem>>
    %dma_wait3A_853 = tpu.memref_squeeze %dma_wait3A_852 : memref<1x256x64xf32, #tpu.memory_space<vmem>> -> memref<256x64xf32, #tpu.memory_space<vmem>>
    %dma_wait3A_854 = arith.constant 0 : i32
    %dma_wait3A_855 = arith.constant 0 : i32
    %dma_wait3A_856 = tpu.memref_slice %arg4[%dma_wait3A_854, %dma_wait3A_855] : memref<3276800x64xf32, #tpu.memory_space<hbm>> -> memref<256x64xf32, #tpu.memory_space<hbm>>
    %dma_wait3A_857 = arith.constant 0 : i32
    %dma_wait3A_858 = arith.constant 0 : i32
    %dma_wait3A_859 = tpu.memref_slice %arg6[%dma_wait3A_849, %dma_wait3A_857, %dma_wait3A_858] : memref<5x256x64xf32, #tpu.memory_space<vmem>> -> memref<1x256x64xf32, #tpu.memory_space<vmem>>
    %dma_wait3A_860 = tpu.memref_squeeze %dma_wait3A_859 : memref<1x256x64xf32, #tpu.memory_space<vmem>> -> memref<256x64xf32, #tpu.memory_space<vmem>>
    %dma_wait3A_861 = arith.constant 0 : i32
    %dma_wait3A_862 = arith.constant 0 : i32
    %dma_wait3A_863 = tpu.memref_slice %arg4[%dma_wait3A_861, %dma_wait3A_862] : memref<3276800x64xf32, #tpu.memory_space<hbm>> -> memref<256x64xf32, #tpu.memory_space<hbm>>
    tpu.wait_dma2 semaphore(%arg13 : memref<!tpu.dma_semaphore, #tpu.memory_space<semaphore_mem>>) src(%dma_wait3A_863 : memref<256x64xf32, #tpu.memory_space<hbm>>) dst(%dma_wait3A_860 : memref<256x64xf32, #tpu.memory_space<vmem>>)
    %dma_wait3A_864 = arith.constant 2 : i32
    %dma_wait3A_865 = arith.constant 0 : i32
    %dma_wait3A_866 = arith.constant 0 : i32
    %dma_wait3A_867 = tpu.memref_slice %arg6[%dma_wait3A_864, %dma_wait3A_865, %dma_wait3A_866] : memref<5x256x64xf32, #tpu.memory_space<vmem>> -> memref<1x256x64xf32, #tpu.memory_space<vmem>>
    %dma_wait3A_868 = tpu.memref_squeeze %dma_wait3A_867 : memref<1x256x64xf32, #tpu.memory_space<vmem>> -> memref<256x64xf32, #tpu.memory_space<vmem>>
    %dma_wait3A_869 = arith.constant 0 : i32
    %dma_wait3A_870 = arith.constant 0 : i32
    %dma_wait3A_871 = tpu.memref_slice %arg4[%dma_wait3A_869, %dma_wait3A_870] : memref<3276800x64xf32, #tpu.memory_space<hbm>> -> memref<256x64xf32, #tpu.memory_space<hbm>>
    %dma_wait3A_872 = arith.constant 0 : i32
    %dma_wait3A_873 = arith.constant 0 : i32
    %dma_wait3A_874 = tpu.memref_slice %arg6[%dma_wait3A_864, %dma_wait3A_872, %dma_wait3A_873] : memref<5x256x64xf32, #tpu.memory_space<vmem>> -> memref<1x256x64xf32, #tpu.memory_space<vmem>>
    %dma_wait3A_875 = tpu.memref_squeeze %dma_wait3A_874 : memref<1x256x64xf32, #tpu.memory_space<vmem>> -> memref<256x64xf32, #tpu.memory_space<vmem>>
    %dma_wait3A_876 = arith.constant 0 : i32
    %dma_wait3A_877 = arith.constant 0 : i32
    %dma_wait3A_878 = tpu.memref_slice %arg4[%dma_wait3A_876, %dma_wait3A_877] : memref<3276800x64xf32, #tpu.memory_space<hbm>> -> memref<256x64xf32, #tpu.memory_space<hbm>>
    tpu.wait_dma2 semaphore(%arg14 : memref<!tpu.dma_semaphore, #tpu.memory_space<semaphore_mem>>) src(%dma_wait3A_878 : memref<256x64xf32, #tpu.memory_space<hbm>>) dst(%dma_wait3A_875 : memref<256x64xf32, #tpu.memory_space<vmem>>)
    %dma_wait3A_879 = arith.constant 3 : i32
    %dma_wait3A_880 = arith.constant 0 : i32
    %dma_wait3A_881 = arith.constant 0 : i32
    %dma_wait3A_882 = tpu.memref_slice %arg6[%dma_wait3A_879, %dma_wait3A_880, %dma_wait3A_881] : memref<5x256x64xf32, #tpu.memory_space<vmem>> -> memref<1x256x64xf32, #tpu.memory_space<vmem>>
    %dma_wait3A_883 = tpu.memref_squeeze %dma_wait3A_882 : memref<1x256x64xf32, #tpu.memory_space<vmem>> -> memref<256x64xf32, #tpu.memory_space<vmem>>
    %dma_wait3A_884 = arith.constant 0 : i32
    %dma_wait3A_885 = arith.constant 0 : i32
    %dma_wait3A_886 = tpu.memref_slice %arg4[%dma_wait3A_884, %dma_wait3A_885] : memref<3276800x64xf32, #tpu.memory_space<hbm>> -> memref<256x64xf32, #tpu.memory_space<hbm>>
    %dma_wait3A_887 = arith.constant 0 : i32
    %dma_wait3A_888 = arith.constant 0 : i32
    %dma_wait3A_889 = tpu.memref_slice %arg6[%dma_wait3A_879, %dma_wait3A_887, %dma_wait3A_888] : memref<5x256x64xf32, #tpu.memory_space<vmem>> -> memref<1x256x64xf32, #tpu.memory_space<vmem>>
    %dma_wait3A_890 = tpu.memref_squeeze %dma_wait3A_889 : memref<1x256x64xf32, #tpu.memory_space<vmem>> -> memref<256x64xf32, #tpu.memory_space<vmem>>
    %dma_wait3A_891 = arith.constant 0 : i32
    %dma_wait3A_892 = arith.constant 0 : i32
    %dma_wait3A_893 = tpu.memref_slice %arg4[%dma_wait3A_891, %dma_wait3A_892] : memref<3276800x64xf32, #tpu.memory_space<hbm>> -> memref<256x64xf32, #tpu.memory_space<hbm>>
    tpu.wait_dma2 semaphore(%arg15 : memref<!tpu.dma_semaphore, #tpu.memory_space<semaphore_mem>>) src(%dma_wait3A_893 : memref<256x64xf32, #tpu.memory_space<hbm>>) dst(%dma_wait3A_890 : memref<256x64xf32, #tpu.memory_space<vmem>>)
    %dma_wait3A_894 = arith.constant 4 : i32
    %dma_wait3A_895 = arith.constant 0 : i32
    %dma_wait3A_896 = arith.constant 0 : i32
    %dma_wait3A_897 = tpu.memref_slice %arg6[%dma_wait3A_894, %dma_wait3A_895, %dma_wait3A_896] : memref<5x256x64xf32, #tpu.memory_space<vmem>> -> memref<1x256x64xf32, #tpu.memory_space<vmem>>
    %dma_wait3A_898 = tpu.memref_squeeze %dma_wait3A_897 : memref<1x256x64xf32, #tpu.memory_space<vmem>> -> memref<256x64xf32, #tpu.memory_space<vmem>>
    %dma_wait3A_899 = arith.constant 0 : i32
    %dma_wait3A_900 = arith.constant 0 : i32
    %dma_wait3A_901 = tpu.memref_slice %arg4[%dma_wait3A_899, %dma_wait3A_900] : memref<3276800x64xf32, #tpu.memory_space<hbm>> -> memref<256x64xf32, #tpu.memory_space<hbm>>
    %dma_wait3A_902 = arith.constant 0 : i32
    %dma_wait3A_903 = arith.constant 0 : i32
    %dma_wait3A_904 = tpu.memref_slice %arg6[%dma_wait3A_894, %dma_wait3A_902, %dma_wait3A_903] : memref<5x256x64xf32, #tpu.memory_space<vmem>> -> memref<1x256x64xf32, #tpu.memory_space<vmem>>
    %dma_wait3A_905 = tpu.memref_squeeze %dma_wait3A_904 : memref<1x256x64xf32, #tpu.memory_space<vmem>> -> memref<256x64xf32, #tpu.memory_space<vmem>>
    %dma_wait3A_906 = arith.constant 0 : i32
    %dma_wait3A_907 = arith.constant 0 : i32
    %dma_wait3A_908 = tpu.memref_slice %arg4[%dma_wait3A_906, %dma_wait3A_907] : memref<3276800x64xf32, #tpu.memory_space<hbm>> -> memref<256x64xf32, #tpu.memory_space<hbm>>
    tpu.wait_dma2 semaphore(%arg16 : memref<!tpu.dma_semaphore, #tpu.memory_space<semaphore_mem>>) src(%dma_wait3A_908 : memref<256x64xf32, #tpu.memory_space<hbm>>) dst(%dma_wait3A_905 : memref<256x64xf32, #tpu.memory_space<vmem>>)
    return
  }
}

</mosaic_0001>

<sc_bundles>
// kernel: kernel.3.cloned.1.call-start
scs
__scs_entry_jumppad:
0x0: {  	(pc) =	sbr.rel $0x88, $3  }
0x1: {  	(tag) =	ssettag $0x0;
	lr =	simm.s32 $0x1  }
0x2: {  	[smem:$0x3F9F] =	sst lr;
	_ =	strace $0xD0000000  }
0x3: {  	_ = 	snop  }
0x4: {  	_ = 	snop  }
0x5: {  	_ = 	snop  }
0x6: {  	_ = 	snop  }
0x7: {  	_ = 	snop  }
__scs_overlays_trampoline_lowered:
0x8: {  	[smem:$0x3FAE] =	sst s0  }
0x9: {  	[smem:$0x3FAF] =	sst s1  }
0xa: {  	[smem:$0x3FB0] =	sst s2  }
0xb: {  	[smem:$0x3FB1] =	sst s3  }
0xc: {  	[smem:$0x3FB2] =	sst s4  }
0xd: {  	[smem:$0x3FB3] =	sst s5  }
0xe: {  	[smem:$0x3FB4] =	sst s6  }
0xf: {  	[smem:$0x3FB5] =	sst s7  }
0x10: {  	[smem:$0x3FB6] =	sst s8  }
0x11: {  	[smem:$0x3FB7] =	sst s9;
	s0 =	simm.s32 @!p0 $0x0  }
0x12: {  	s1 =	sld [smem:$0x3F9D];
	s0 =	simm.s32 @p0 $0x1  }
0x13: {  	[smem:$0x3FB8] =	sst s0;
	s0 =	simm.s32 @!p1 $0x0  }
0x14: {  	s2 =	sld [smem:$0x3F9C];
	s0 =	simm.s32 @p1 $0x1  }
0x15: {  	[smem:$0x3FB9] =	sst s0;
	s0 =	simm.s32 @!p2 $0x0  }
0x16: {  	s3 =	sld [smem:$0x3FDB];
	s0 =	simm.s32 @p2 $0x1  }
0x17: {  	s4 =	simm.s32 $0x1BF5;
	[smem:$0x3FBB] =	sst s0  }
0x18: {  	s0 =	sld [smem:$0x3F9E];
	_ =	swait.ge [sflag:s4], $0x0  }
0x19: {  	s7 =	sld [smem:$0x3F9F]  }
0x1a: {  	s8 =	sadd.s32 $0xFFFFE003, lr  }
0x1b: {  	s9 =	sadd.s32 $0xFFFFFEF7, lr;
	s5 =	simm.s32 $0xFFFFFFFF;
	p2 =	slt.u32 s8, $0xFFFFF086  }
0x1c: {  	p1 =	slt.u32 s9, $0xF7A;
	s5 =	simm.s32 @!p2 $0x0  }
0x1d: {  	s5 =	simm.s32 @p1 $0x1;
	p0 =	seq.s32 s7, s2  }
0x1e: {  	s7 =	smul.u32 @!p0 $0xF7A, s2;
	p2 =	seq.s32 @!p0 s5, $0x0  }
0x1f: {  	s9 =	smul.u32 $0xF7A, s1;
	s8 =	simm.s32 @!p0 $0x1BF5;
	p2 =	por !p2, p0  }
0x20: {  	[sflag:s8] =	ssyncset.s32 @!p0 $0xFFFFF086;
	s6 =	sadd.s32 @!p0 s3, s7;
	s7 =	simm.s32 @!p0 $0x108  }
0x21: {  	s3 =	sadd.s32 s3, s9;
	s6 =	sadd.s32 @!p0 $0x88, s6;
	s7 =	simm.s32 @p2 $0x1082  }
0x22: {  	[simem:s7], [sflag:s8] =	dma.local @!p0 [hbm:s6], $0xF7A  }
0x23: {  	s9 =	sor.u32 $0xD0000000, s2;
	s6 =	simm.s32 $0x108;
	_ =	swait.ge @!p0 [sflag:s8], $0x0  }
0x24: {  	s3 =	sadd.s32 $0x88, s3;
	s6 =	simm.s32 @!p1 $0x1082;
	[sflag:s4] =	ssyncset.s32 $0xFFFFF086  }
0x25: {  	[simem:s6], [sflag:s4] =	dma.local [hbm:s3], $0xF7A  }
0x26: {  	[smem:$0x3F9F] =	sst s1;
	(tag) =	ssettag s2;
	_ =	strace s9  }
0x27: {  	s1 =	sld [smem:$0x3FAF]  }
0x28: {  	s2 =	sld [smem:$0x3FB0]  }
0x29: {  	s4 =	sld [smem:$0x3FB2]  }
0x2a: {  	p0 =	seq.s32 s5, $0x0;
	s5 =	sld [smem:$0x3FB3]  }
0x2b: {  	s6 =	sld [smem:$0x3FB4]  }
0x2c: {  	s7 =	sld [smem:$0x3FB5]  }
0x2d: {  	s3 =	simm.s32 $0x108;
	s8 =	sld [smem:$0x3FB6]  }
0x2e: {  	s3 =	simm.s32 @!p0 $0x1082;
	s9 =	sld [smem:$0x3FB7]  }
0x2f: {  	lr =	sadd.s32 s0, s3;
	s0 =	sld [smem:$0x3FAE]  }
0x30: {  	s3 =	sld [smem:$0x3FB1]  }
0x31: {  	[smem:$0x3FBA] =	sst s10  }
0x32: {  	s10 =	sld [smem:$0x3FB8];
	_ =	sdelay $0x3  }
0x33: {  	p0 =	seq.s32 s10, $0x1;
	s10 =	sld [smem:$0x3FBA];
	_ =	sdelay $0x3  }
0x34: {  	[smem:$0x3FBA] =	sst s10  }
0x35: {  	s10 =	sld [smem:$0x3FB9];
	_ =	sdelay $0x3  }
0x36: {  	p1 =	seq.s32 s10, $0x1;
	s10 =	sld [smem:$0x3FBA];
	_ =	sdelay $0x3  }
0x37: {  	[smem:$0x3FBA] =	sst s10  }
0x38: {  	s10 =	sld [smem:$0x3FBB]  }
0x39: {  	_ = 	snop;
	(pc) =	sbr.ind lr, $3  }
0x3a: {  	_ = 	snop  }
0x3b: {  	_ = 	snop  }
0x3c: {  	p2 =	seq.s32 s10, $0x1;
	s10 =	sld [smem:$0x3FBA]  }
0x3d: {  	_ =	shalt  }
0x3e: {  	_ =	shalt  }
0x3f: {  	_ =	shalt  }
0x40: {  	_ =	shalt  }
0x41: {  	_ =	shalt  }
0x42: {  	_ =	shalt  }
0x43: {  	_ =	shalt  }
0x44: {  	_ =	shalt  }
0x45: {  	_ =	shalt  }
0x46: {  	_ =	shalt  }
0x47: {  	_ =	shalt  }
0x48: {  	_ =	shalt  }
0x49: {  	_ =	shalt  }
0x4a: {  	_ =	shalt  }
0x4b: {  	_ =	shalt  }
0x4c: {  	_ =	shalt  }
0x4d: {  	_ =	shalt  }
0x4e: {  	_ =	shalt  }
0x4f: {  	_ =	shalt  }
0x50: {  	_ =	shalt  }
0x51: {  	_ =	shalt  }
0x52: {  	_ =	shalt  }
0x53: {  	_ =	shalt  }
0x54: {  	_ =	shalt  }
0x55: {  	_ =	shalt  }
0x56: {  	_ =	shalt  }
0x57: {  	_ =	shalt  }
0x58: {  	_ =	shalt  }
0x59: {  	_ =	shalt  }
0x5a: {  	_ =	shalt  }
0x5b: {  	_ =	shalt  }
0x5c: {  	_ =	shalt  }
0x5d: {  	_ =	shalt  }
0x5e: {  	_ =	shalt  }
0x5f: {  	_ =	shalt  }
0x60: {  	_ =	shalt  }
0x61: {  	_ =	shalt  }
0x62: {  	_ =	shalt  }
0x63: {  	_ =	shalt  }
0x64: {  	_ =	shalt  }
0x65: {  	_ =	shalt  }
0x66: {  	_ =	shalt  }
0x67: {  	_ =	shalt  }
0x68: {  	_ =	shalt  }
0x69: {  	_ =	shalt  }
0x6a: {  	_ =	shalt  }
0x6b: {  	_ =	shalt  }
0x6c: {  	_ =	shalt  }
0x6d: {  	_ =	shalt  }
0x6e: {  	_ =	shalt  }
0x6f: {  	_ =	shalt  }
0x70: {  	_ =	shalt  }
0x71: {  	_ =	shalt  }
0x72: {  	_ =	shalt  }
0x73: {  	_ =	shalt  }
0x74: {  	_ =	shalt  }
0x75: {  	_ =	shalt  }
0x76: {  	_ =	shalt  }
0x77: {  	_ =	shalt  }
0x78: {  	_ =	shalt  }
0x79: {  	_ =	shalt  }
0x7a: {  	_ =	shalt  }
0x7b: {  	_ =	shalt  }
0x7c: {  	_ =	shalt  }
0x7d: {  	_ =	shalt  }
0x7e: {  	_ =	shalt  }
0x7f: {  	_ =	shalt  }
0x80: {  	_ =	shalt  }
0x81: {  	_ =	shalt  }
0x82: {  	_ =	shalt  }
0x83: {  	_ =	shalt  }
0x84: {  	_ =	shalt  }
0x85: {  	_ =	shalt  }
0x86: {  	_ =	shalt  }
0x87: {  	_ =	shalt  }
.Lfunc_end0:
.L_simem_size_0:
called_computation.2_lowered:
.L_overlay_start_0:
0x88: {  	s2 =	sld [smem:$0x3FD9]  }
0x89: {  	s3 =	sld [smem:$0x3FFE];
	_ =	sdelay $0x1  }
0x8a: {  	s1 =	srdreg.scid  }
0x8b: {  	s0 =	sand.u32 $0x1, s1  }
0x8c: {  	s17 =	sshll.u32 s0, $0xA;
	s2 =	sadd.s32 s3, s2  }
0x8d: {  	s2 =	sadd.s32 s2, s17  }
0x8e: {  	[smem:$0x3FC6] =	sst s2  }
0x8f: {  	_ = 	snop  }
0x90: {  	s2 =	sld [smem:$0x3FD0];
	(tm) =	ssettm $0x1  }
0x91: {  	s18 =	sld [smem:$0x3FFB];
	_ =	sdelay $0x3  }
0x92: {  	_ =	strace s18  }
0x93: {  	s3 =	sld [smem:$0x3FFC];
	_ =	sdelay $0x3  }
0x94: {  	_ =	strace s3  }
0x95: {  	s3 =	sld [smem:$0x3FFD];
	_ =	sdelay $0x3  }
0x96: {  	_ =	strace s3  }
0x97: {  	_ =	strace $0x8FFFFFFF  }
0x98: {  	s19 =	sld [smem:$0x3FDB];
	_ =	sdelay $0x1  }
0x99: {  	s4 =	simm.s32 $_scs_section_size  }
0x9a: {  	s5 =	simm.s32 $_size__tile_overlayer_lowered;
	s6 =	simm.s32 $_tile_overlayer_lowered  }
0x9b: {  	s22 =	simm.s32 $0x1BFF;
	s21 =	sshll.u32 s6, $0x1;
	s3 =	sadd.s32 s4, s19  }
0x9c: {  	s7 =	simm.s32 $0x0;
	s20 =	sshll.u32 s5, $0x1;
	s5 =	sadd.s32 s21, s3  }
0x9d: {  	[timem:s7], [sflag:s22] =	dma.local [hbm:s5], s20  }
0x9e: {  	_ =	swait.ge [sflag:s22], s20  }
0x9f: {  	s4 =	ssub.s32 $0x0, s20;
	[sflag:s22] =	ssyncset.done $0x0  }
0xa0: {  	[sflag:s22] =	ssyncadd.s32 s4;
	_ =	sdelay $0x1  }
0xa1: {  	s23 =	simm.s32 $0x1B8B  }
0xa2: {  	_ =	swait.ge [sflag:s23], $0x1  }
0xa3: {  	[sflag:s23] =	ssyncset.done $0x0  }
0xa4: {  	s25 =	simm.s32 $0x1B8E;
	s24 =	sld [smem:$0x3FFE];
	[sflag:s23] =	ssyncadd.s32 $0xFFFFFFFF  }
0xa5: {  	s26 =	simm.s32 $execute0_lowered;
	[smem:$0x3FD2] =	sst s25  }
0xa6: {  	s5 =	sshll.u32 s26, $0x1;
	_ =	strace $0x80000049;
	[dreg:$0x1] =	wrdreg $0xFFFFFFFF  }
0xa7: {  	s28 =	simm.s32 $_size_execute0_lowered;
	s3 =	sadd.s32 s3, s5;
	[dreg:$0x0] =	wrdreg $0x0  }
0xa8: {  	s5 =	sshll.u32 s28, $0x1;
	[dreg:$0x2] =	wrdreg s3  }
0xa9: {  	[dreg:$0x3] =	wrdreg s5  }
0xaa: {  	[dreg:$0x4] =	wrdreg $0xC0  }
0xab: {  	_ =	task [dreg:s7], $0x5FFFF  }
0xac: {  	[dreg:$0x1] =	wrdreg $0xFFFFFFFF  }
0xad: {  	[dreg:$0x0] =	wrdreg $0x60  }
0xae: {  	[dreg:$0x2] =	wrdreg s24  }
0xaf: {  	[dreg:$0x3] =	wrdreg s2  }
0xb0: {  	[dreg:$0x4] =	wrdreg $0x9  }
0xb1: {  	_ =	task.clear_ibuf [dreg:s7], $0x5FFFF;
	_ =	strace $0x90000049  }
0xb2: {  	s29 =	simm.s32 $0x9;
	_ =	strace $0x8000004B  }
0xb3: {  	_ =	swait.ge [sflag:s29], $0x1  }
0xb4: {  	[sflag:s29] =	ssyncadd.s32 $0xFFFFFFFF  }
0xb5: {  	_ =	strace $0x9000004B  }
0xb6: {  	_ =	sfence  }
0xb7: {  	s30 =	sld [smem:$0x0];
	_ =	sdelay $0x2  }
0xb8: {  	s31 =	sshll.u32 s1, $0xD;
	s1 =	sshrl.u32 s1, $0x2  }
0xb9: {  	s3 =	sand.u32 $0x4000, s31;
	s1 =	sadd.s32 s1, s30  }
0xba: {  	s0 =	sor.u32 s3, s0;
	s1 =	sshll.u32 s1, $0x11  }
0xbb: {  	s0 =	sor.u32 s1, s0  }
0xbc: {  	s0 =	sadd.s32 $0x8F2B, s0  }
0xbd: {  	[sflag:s0] =	ssyncadd.remote.s32 $0x1  }
0xbe: {  	_ =	sfence.sel $0xFFFF  }
0xbf: {  	[dreg:$0x0] =	wrdreg $0xFFFFFFFF;
	(pc) =	sbr.abs _section_cstart, $3  }
0xc0: {  	[dreg:$0x1] =	wrdreg $0xFFFFFFFF  }
0xc1: {  	_ =	task.clear_ibuf [dreg:s7], $0x2FFFF;
	_ =	strace $0x9FFFFFFF  }
0xc2: {  	(tm) =	ssettm $0x7FFFFFFF  }
0xc3: {  	_ =	shalt  }
tec
execute0_lowered:
.L_overlay_start_1:
0x0: {  	(tag) =	ssettag $0x1  }
0x1: {  	s0 =	rddreg [dreg:$0x0]  }
0x2: {  	s1 =	rddreg [dreg:$0x1]  }
0x3: {  	s2 =	simm.s32 $0x0;
	s3 =	srdreg.scid;
	s10 =	stileid.u32  }
0x4: {  	s28 =	simm.s32 $0x180;
	s4 =	sand.u32 $0x1, s3;
	s29 =	sshll.u32 s10, $0x1  }
0x5: {  	s3 =	sadd.s32 $0x806200, s0;
	s30 =	smul.u32 $0x640, s10;
	s5 =	sor.u32 s4, s29  }
0x6: {  	[smem:$0x7FF] =	sst s2;
	s0 =	sadd.s32 $0x7A2200, s0;
	s7 =	smul.u32 $0x3200, s5  }
0x7: {  	s31 =	simm.s32 $0xD;
	s25 =	smul.u32 $0x32000, s10;
	_ =	strace $0x8000004A  }
0x8: {  	s6 =	ssub.s32 $0x2, s4;
	s14 =	smul.u32 $0x320, s4;
	s11 =	sadd.s32 s0, s7  }
0x9: {  	s29 =	smul.u32 $0x19000, s4;
	s12 =	sadd.s32 $0x20, s11;
	[dreg:$0x8] =	wrdreg s11  }
0xa: {  	s4 =	smul.u32 $0xC8000, s4;
	s13 =	sadd.s32 $0x40, s11;
	[dreg:$0x9] =	wrdreg s12  }
0xb: {  	s9 =	smul.u32 $0xC8000, s5;
	s15 =	sadd.s32 $0x80, s11;
	[dreg:$0xa] =	wrdreg s13  }
0xc: {  	s5 =	smul.u32 $0x640000, s5;
	s16 =	sadd.s32 $0xA0, s11;
	[dreg:$0xc] =	wrdreg s15  }
0xd: {  	s8 =	sshrl.u32 s6, $0x1;
	s18 =	sadd.s32 $0xC0, s11;
	[dreg:$0xe] =	wrdreg s16  }
0xe: {  	s5 =	sshrl.u32 s5, $0x3;
	s20 =	sadd.s32 $0xE0, s11;
	[dreg:$0x10] =	wrdreg s18  }
0xf: {  	s5 =	sadd.s32 s1, s5;
	s12 =	sadd.s32 $0x60, s11;
	[dreg:$0x12] =	wrdreg s20  }
0x10: {  	s6 =	ssub.s32 s6, s8;
	s22 =	sadd.s32 $0xC5800, s5;
	[dreg:$0xb] =	wrdreg s12  }
0x11: {  	s8 =	simm.s32 $0x5;
	s13 =	sadd.s32 $0xC6000, s5;
	[dreg:$0x13] =	wrdreg s22  }
0x12: {  	s7 =	sadd.s32 s14, s30;
	s30 =	sadd.s32 $0xC6800, s5;
	[dreg:$0x14] =	wrdreg s13  }
0x13: {  	s7 =	sshll.u32 s7, $0x4;
	s14 =	sadd.s32 $0xC7000, s5;
	[dreg:$0x15] =	wrdreg s30  }
0x14: {  	s0 =	sadd.s32 s7, s0;
	s5 =	sadd.s32 $0xC7800, s5;
	[dreg:$0x16] =	wrdreg s14  }
0x15: {  	s15 =	sadd.s32 s29, s25;
	s21 =	sadd.s32 $0x1C0, s0;
	[dreg:$0x17] =	wrdreg s5  }
0x16: {  	s16 =	smul.u32 $0x190000, s10;
	s23 =	sadd.s32 $0x1A0, s0;
	[dreg:$0x3] =	wrdreg s21  }
0x17: {  	s10 =	simm.s32 $0xE;
	s24 =	sadd.s32 $0x180, s0;
	[dreg:$0x4] =	wrdreg s23  }
0x18: {  	s12 =	sadd.s32 s1, s9;
	s26 =	sadd.s32 $0x160, s0;
	[dreg:$0x5] =	wrdreg s24  }
0x19: {  	s0 =	sadd.s32 $0x140, s0;
	s18 =	sshll.u32 s15, $0x3;
	[dreg:$0x6] =	wrdreg s26  }
0x1a: {  	s30 =	sadd.s32 $0x120, s11;
	s15 =	simm.s32 $0x2500;
	[dreg:$0x7] =	wrdreg s0  }
0x1b: {  	s9 =	simm.s32 $0x280;
	s5 =	simm.s32 $0x8;
	[dreg:$0xd] =	wrdreg s12  }
0x1c: {  	s13 =	simm.s32 $0x9;
	s17 =	sadd.s32 $0x800, s12;
	[smem:$0x7FD] =	sst s30  }
0x1d: {  	s14 =	simm.s32 $0xA;
	s19 =	sadd.s32 $0x1000, s12;
	[dreg:$0xf] =	wrdreg s17  }
0x1e: {  	s20 =	sadd.s32 s18, s1;
	s25 =	sadd.s32 $0x1800, s12;
	[dreg:$0x11] =	wrdreg s19  }
0x1f: {  	s26 =	sadd.s32 $0x100, s11;
	s29 =	sadd.s32 $0x2000, s12;
	[dreg:$0x1e] =	wrdreg s25  }
0x20: {  	s11 =	simm.s32 $0x100;
	s18 =	simm.s32 $0xA500;
	[dreg:$0x1f] =	wrdreg s26  }
0x21: {  	s12 =	simm.s32 $0xE500;
	s17 =	smax.u32 s6, $0x1;
	[smem:$0x7FC] =	sst s29  }
0x22: {  	s19 =	sadd.s32 s16, s1;
	s22 =	sadd.s32 $0x4800, s20;
	[dreg:$0x18] =	wrdreg s17  }
0x23: {  	s23 =	sadd.s32 $0x3800, s20;
	s24 =	sadd.s32 $0x3000, s20;
	[dreg:$0x19] =	wrdreg s22  }
0x24: {  	s0 =	sadd.s32 $0x2800, s20;
	s16 =	simm.s32 $0x6500;
	[dreg:$0x1b] =	wrdreg s23  }
0x25: {  	s20 =	simm.s32 $0x300;
	s21 =	sadd.s32 s4, s19;
	[dreg:$0x1c] =	wrdreg s24  }
0x26: {  	[dreg:$0x1d] =	wrdreg s0;
	s0 =	simm.s32 $0x80;
	s17 =	simm.s32 $0x200  }
0x27: {  	s22 =	simm.s32 $0x380;
	s23 =	simm.s32 $0xB;
	s1 =	sadd.s32 $0x4000, s21  }
0x28: {  	s24 =	simm.s32 $0xC;
	s4 =	simm.s32 $0x0;
	[dreg:$0x1a] =	wrdreg s1  }
.LBB2_1:
0x29: {  	[smem:$0x7FB] =	sst s4  }
0x2a: {  	s1 =	rddreg [dreg:$0x8];
	s6 =	simm.s32 $0x10  }
0x2b: {  	[tilespmem:s2], [sflag:$0x10] =	stream.linear.gather [hbm4b:s1+s2], $0x100, $0x38;
	[tilespmem:$0x14500] =	vst v63  }
0x2c: {  	_ =	swait.ge [sflag:s6], $0x100  }
0x2d: {  	[sflag:s6] =	ssyncset.done $0x0  }
0x2e: {  	s4 =	simm.s32 $0x500;
	[sflag:s6] =	ssyncadd.s32 $0xFFFFFF00  }
0x2f: {  	[tilespmem:s4], [sflag:$0x1] =	stream.indirect.gather [hbm4b:s3+s0], $0x40, s2, s0, $0xb8;
	[tilespmem:$0x14500] =	vst v63  }
0x30: {  	_ = 	snop  }
0x31: {  	[tilespmem:s15], [sflag:$0x1] =	stream.indirect.gather [hbm4b:s3+s0], $0x40, s0, s0, $0xb8;
	[tilespmem:$0x14500] =	vst v63  }
0x32: {  	s7 =	rddreg [dreg:$0x9]  }
0x33: {  	[tilespmem:s11], [sflag:$0x10] =	stream.linear.gather [hbm4b:s7+s2], $0x100, $0x38;
	[tilespmem:$0x14500] =	vst v63  }
0x34: {  	_ =	swait.ge [sflag:s6], $0x100  }
0x35: {  	[sflag:s6] =	ssyncset.done $0x0  }
0x36: {  	s19 =	simm.s32 $0x4500;
	[sflag:s6] =	ssyncadd.s32 $0xFFFFFF00  }
0x37: {  	[tilespmem:s19], [sflag:$0x2] =	stream.indirect.gather [hbm4b:s3+s0], $0x40, s11, s0, $0xb8;
	[tilespmem:$0x14500] =	vst v63  }
0x38: {  	_ = 	snop  }
0x39: {  	[tilespmem:s16], [sflag:$0x2] =	stream.indirect.gather [hbm4b:s3+s0], $0x40, s28, s0, $0xb8;
	[tilespmem:$0x14500] =	vst v63  }
0x3a: {  	s21 =	rddreg [dreg:$0xa]  }
0x3b: {  	[tilespmem:s17], [sflag:$0x10] =	stream.linear.gather [hbm4b:s21+s2], $0x100, $0x38;
	[tilespmem:$0x14500] =	vst v63  }
0x3c: {  	_ =	swait.ge [sflag:s6], $0x100  }
0x3d: {  	[sflag:s6] =	ssyncset.done $0x0  }
0x3e: {  	s25 =	simm.s32 $0x8500;
	[sflag:s6] =	ssyncadd.s32 $0xFFFFFF00  }
0x3f: {  	[tilespmem:s25], [sflag:$0x3] =	stream.indirect.gather [hbm4b:s3+s0], $0x40, s17, s0, $0xb8;
	[tilespmem:$0x14500] =	vst v63  }
0x40: {  	_ = 	snop  }
0x41: {  	[tilespmem:s18], [sflag:$0x3] =	stream.indirect.gather [hbm4b:s3+s0], $0x40, s9, s0, $0xb8;
	[tilespmem:$0x14500] =	vst v63  }
0x42: {  	s26 =	rddreg [dreg:$0xb]  }
0x43: {  	[tilespmem:s20], [sflag:$0x10] =	stream.linear.gather [hbm4b:s26+s2], $0x100, $0x38;
	[tilespmem:$0x14500] =	vst v63  }
0x44: {  	_ =	swait.ge [sflag:s6], $0x100  }
0x45: {  	[sflag:s6] =	ssyncset.done $0x0  }
0x46: {  	s18 =	simm.s32 $0xC500;
	[sflag:s6] =	ssyncadd.s32 $0xFFFFFF00  }
0x47: {  	[tilespmem:s18], [sflag:$0x4] =	stream.indirect.gather [hbm4b:s3+s0], $0x40, s20, s0, $0xb8;
	[tilespmem:$0x14500] =	vst v63  }
0x48: {  	_ = 	snop  }
0x49: {  	[tilespmem:s12], [sflag:$0x4] =	stream.indirect.gather [hbm4b:s3+s0], $0x40, s22, s0, $0xb8;
	[tilespmem:$0x14500] =	vst v63  }
0x4a: {  	s21 =	simm.s32 $0x400;
	s26 =	simm.s32 $0x1;
	s19 =	rddreg [dreg:$0xc]  }
0x4b: {  	[tilespmem:s21], [sflag:$0xF] =	stream.linear.gather [hbm4b:s19+s2], $0x100, $0x38;
	[tilespmem:$0x14500] =	vst v63  }
0x4c: {  	_ =	swait.ge [sflag:s26], $0x4000  }
0x4d: {  	s29 =	simm.s32 $0xF;
	[sflag:s26] =	ssyncset.done $0x0  }
0x4e: {  	s4 =	simm.s32 $0x500;
	s25 =	rddreg [dreg:$0xd];
	[sflag:s26] =	ssyncadd.s32 $0xFFFFC000  }
0x4f: {  	[hbm4b:s25+s2] =	stream.linear.scatter [tilespmem:s4], [sflag:$0x6], $0x4000, $0x38;
	[tilespmem:$0x14500] =	vst v63  }
0x50: {  	_ =	swait.ge [sflag:s29], $0x100  }
0x51: {  	[sflag:s29] =	ssyncset.done $0x0  }
0x52: {  	s4 =	simm.s32 $0x10500;
	[sflag:s29] =	ssyncadd.s32 $0xFFFFFF00  }
0x53: {  	[tilespmem:s4], [sflag:$0x5] =	stream.indirect.gather [hbm4b:s3+s0], $0x40, s21, s0, $0xb8;
	[tilespmem:$0x14500] =	vst v63  }
0x54: {  	s25 =	simm.s32 $0x12500;
	s21 =	simm.s32 $0x480  }
0x55: {  	[tilespmem:s25], [sflag:$0x5] =	stream.indirect.gather [hbm4b:s3+s0], $0x40, s21, s0, $0xb8;
	[tilespmem:$0x14500] =	vst v63  }
0x56: {  	s4 =	rddreg [dreg:$0xe]  }
0x57: {  	[tilespmem:s2], [sflag:$0xB] =	stream.linear.gather [hbm4b:s4+s2], $0x100, $0x38;
	[tilespmem:$0x14500] =	vst v63  }
0x58: {  	s4 =	simm.s32 $0x2  }
0x59: {  	_ =	swait.ge [sflag:s4], $0x4000  }
0x5a: {  	[sflag:s4] =	ssyncset.done $0x0  }
0x5b: {  	s7 =	simm.s32 $0x4500;
	s6 =	rddreg [dreg:$0xf];
	[sflag:s4] =	ssyncadd.s32 $0xFFFFC000  }
0x5c: {  	[hbm4b:s6+s2] =	stream.linear.scatter [tilespmem:s7], [sflag:$0x7], $0x4000, $0x38;
	[tilespmem:$0x14500] =	vst v63  }
0x5d: {  	_ =	swait.ge [sflag:s23], $0x100  }
0x5e: {  	[sflag:s23] =	ssyncset.done $0x0  }
0x5f: {  	s6 =	simm.s32 $0x6;
	[sflag:s23] =	ssyncadd.s32 $0xFFFFFF00  }
0x60: {  	_ =	swait.ge [sflag:s6], $0x4000  }
0x61: {  	[sflag:s6] =	ssyncset.done $0x0  }
0x62: {  	s12 =	simm.s32 $0x500;
	[sflag:s6] =	ssyncadd.s32 $0xFFFFC000  }
0x63: {  	[tilespmem:s12], [sflag:$0x1] =	stream.indirect.gather [hbm4b:s3+s0], $0x40, s2, s0, $0xb8;
	[tilespmem:$0x14500] =	vst v63  }
0x64: {  	_ = 	snop  }
0x65: {  	[tilespmem:s15], [sflag:$0x1] =	stream.indirect.gather [hbm4b:s3+s0], $0x40, s0, s0, $0xb8;
	[tilespmem:$0x14500] =	vst v63  }
0x66: {  	s7 =	rddreg [dreg:$0x10]  }
0x67: {  	[tilespmem:s11], [sflag:$0xC] =	stream.linear.gather [hbm4b:s7+s2], $0x100, $0x38;
	[tilespmem:$0x14500] =	vst v63  }
0x68: {  	s7 =	simm.s32 $0x3  }
0x69: {  	_ =	swait.ge [sflag:s7], $0x4000  }
0x6a: {  	[sflag:s7] =	ssyncset.done $0x0  }
0x6b: {  	s30 =	simm.s32 $0x8500;
	s12 =	rddreg [dreg:$0x11];
	[sflag:s7] =	ssyncadd.s32 $0xFFFFC000  }
0x6c: {  	[hbm4b:s12+s2] =	stream.linear.scatter [tilespmem:s30], [sflag:$0x8], $0x4000, $0x38;
	[tilespmem:$0x14500] =	vst v63  }
0x6d: {  	_ =	swait.ge [sflag:s24], $0x100  }
0x6e: {  	[sflag:s24] =	ssyncset.done $0x0  }
0x6f: {  	s12 =	simm.s32 $0x7;
	[sflag:s24] =	ssyncadd.s32 $0xFFFFFF00  }
0x70: {  	_ =	swait.ge [sflag:s12], $0x4000  }
0x71: {  	[sflag:s12] =	ssyncset.done $0x0  }
0x72: {  	s21 =	simm.s32 $0x4500;
	[sflag:s12] =	ssyncadd.s32 $0xFFFFC000  }
0x73: {  	[tilespmem:s21], [sflag:$0x2] =	stream.indirect.gather [hbm4b:s3+s0], $0x40, s11, s0, $0xb8;
	[tilespmem:$0x14500] =	vst v63  }
0x74: {  	_ = 	snop  }
0x75: {  	[tilespmem:s16], [sflag:$0x2] =	stream.indirect.gather [hbm4b:s3+s0], $0x40, s28, s0, $0xb8;
	[tilespmem:$0x14500] =	vst v63  }
0x76: {  	s25 =	simm.s32 $0x4;
	s23 =	rddreg [dreg:$0x12]  }
0x77: {  	[tilespmem:s17], [sflag:$0xD] =	stream.linear.gather [hbm4b:s23+s2], $0x100, $0x38;
	[tilespmem:$0x14500] =	vst v63  }
0x78: {  	_ =	swait.ge [sflag:s25], $0x4000  }
0x79: {  	[sflag:s25] =	ssyncset.done $0x0  }
0x7a: {  	s23 =	simm.s32 $0xC500;
	s24 =	rddreg [dreg:$0x1e];
	[sflag:s25] =	ssyncadd.s32 $0xFFFFC000  }
0x7b: {  	[hbm4b:s24+s2] =	stream.linear.scatter [tilespmem:s23], [sflag:$0x9], $0x4000, $0x38;
	[tilespmem:$0x14500] =	vst v63  }
0x7c: {  	_ =	swait.ge [sflag:s31], $0x100  }
0x7d: {  	[sflag:s31] =	ssyncset.done $0x0  }
0x7e: {  	[sflag:s31] =	ssyncadd.s32 $0xFFFFFF00  }
0x7f: {  	_ =	swait.ge [sflag:s5], $0x4000  }
0x80: {  	[sflag:s5] =	ssyncset.done $0x0  }
0x81: {  	[sflag:s5] =	ssyncadd.s32 $0xFFFFC000  }
0x82: {  	[tilespmem:s30], [sflag:$0x3] =	stream.indirect.gather [hbm4b:s3+s0], $0x40, s17, s0, $0xb8;
	[tilespmem:$0x14500] =	vst v63  }
0x83: {  	s19 =	simm.s32 $0xA500  }
0x84: {  	[tilespmem:s19], [sflag:$0x3] =	stream.indirect.gather [hbm4b:s3+s0], $0x40, s9, s0, $0xb8;
	[tilespmem:$0x14500] =	vst v63  }
0x85: {  	s21 =	rddreg [dreg:$0x1f]  }
0x86: {  	[tilespmem:s20], [sflag:$0xE] =	stream.linear.gather [hbm4b:s21+s2], $0x100, $0x38;
	[tilespmem:$0x14500] =	vst v63  }
0x87: {  	_ =	swait.ge [sflag:s8], $0x4000  }
0x88: {  	s24 =	sld [smem:$0x7FC]  }
0x89: {  	[sflag:s8] =	ssyncset.done $0x0  }
0x8a: {  	s21 =	simm.s32 $0x10500;
	[sflag:s8] =	ssyncadd.s32 $0xFFFFC000  }
0x8b: {  	[hbm4b:s24+s2] =	stream.linear.scatter [tilespmem:s21], [sflag:$0xA], $0x4000, $0x38;
	[tilespmem:$0x14500] =	vst v63  }
0x8c: {  	_ =	swait.ge [sflag:s10], $0x100  }
0x8d: {  	[sflag:s10] =	ssyncset.done $0x0  }
0x8e: {  	[sflag:s10] =	ssyncadd.s32 $0xFFFFFF00  }
0x8f: {  	_ =	swait.ge [sflag:s13], $0x4000  }
0x90: {  	[sflag:s13] =	ssyncset.done $0x0  }
0x91: {  	[sflag:s13] =	ssyncadd.s32 $0xFFFFC000  }
0x92: {  	[tilespmem:s23], [sflag:$0x4] =	stream.indirect.gather [hbm4b:s3+s0], $0x40, s20, s0, $0xb8;
	[tilespmem:$0x14500] =	vst v63  }
0x93: {  	s18 =	simm.s32 $0xE500  }
0x94: {  	[tilespmem:s18], [sflag:$0x4] =	stream.indirect.gather [hbm4b:s3+s0], $0x40, s22, s0, $0xb8;
	[tilespmem:$0x14500] =	vst v63  }
0x95: {  	s18 =	sld [smem:$0x7FD];
	_ =	sdelay $0x1  }
0x96: {  	s19 =	simm.s32 $0x400  }
0x97: {  	[tilespmem:s19], [sflag:$0xF] =	stream.linear.gather [hbm4b:s18+s2], $0x100, $0x38;
	[tilespmem:$0x14500] =	vst v63  }
0x98: {  	_ =	swait.ge [sflag:s26], $0x4000  }
0x99: {  	[sflag:s26] =	ssyncset.done $0x0  }
0x9a: {  	s18 =	simm.s32 $0x500;
	s30 =	rddreg [dreg:$0x1d];
	[sflag:s26] =	ssyncadd.s32 $0xFFFFC000  }
0x9b: {  	[hbm4b:s30+s2] =	stream.linear.scatter [tilespmem:s18], [sflag:$0x6], $0x4000, $0x38;
	[tilespmem:$0x14500] =	vst v63  }
0x9c: {  	_ =	swait.ge [sflag:s29], $0x100  }
0x9d: {  	[sflag:s29] =	ssyncset.done $0x0  }
0x9e: {  	[sflag:s29] =	ssyncadd.s32 $0xFFFFFF00  }
0x9f: {  	_ =	swait.ge [sflag:s14], $0x4000  }
0xa0: {  	[sflag:s14] =	ssyncset.done $0x0  }
0xa1: {  	[sflag:s14] =	ssyncadd.s32 $0xFFFFC000  }
0xa2: {  	[tilespmem:s21], [sflag:$0x5] =	stream.indirect.gather [hbm4b:s3+s0], $0x40, s19, s0, $0xb8;
	[tilespmem:$0x14500] =	vst v63  }
0xa3: {  	s26 =	simm.s32 $0x12500;
	s1 =	rddreg [dreg:$0x7];
	s19 =	simm.s32 $0x480  }
0xa4: {  	[tilespmem:s26], [sflag:$0x5] =	stream.indirect.gather [hbm4b:s3+s0], $0x40, s19, s0, $0xb8;
	[tilespmem:$0x14500] =	vst v63  }
0xa5: {  	s1 =	sadd.s32 $0x0, s1  }
0xa6: {  	[tilespmem:s2], [sflag:$0xB] =	stream.linear.gather [hbm4b:s1+s2], $0x100, $0x38;
	[tilespmem:$0x14500] =	vst v63  }
0xa7: {  	_ =	swait.ge [sflag:s4], $0x4000  }
0xa8: {  	s23 =	simm.s32 $0xB;
	[sflag:s4] =	ssyncset.done $0x0  }
0xa9: {  	s19 =	simm.s32 $0x4500;
	s29 =	rddreg [dreg:$0x1c];
	[sflag:s4] =	ssyncadd.s32 $0xFFFFC000  }
0xaa: {  	[hbm4b:s29+s2] =	stream.linear.scatter [tilespmem:s19], [sflag:$0x7], $0x4000, $0x38;
	[tilespmem:$0x14500] =	vst v63  }
0xab: {  	_ =	swait.ge [sflag:s23], $0x100  }
0xac: {  	[sflag:s23] =	ssyncset.done $0x0  }
0xad: {  	[sflag:s23] =	ssyncadd.s32 $0xFFFFFF00  }
0xae: {  	_ =	swait.ge [sflag:s6], $0x4000  }
0xaf: {  	[sflag:s6] =	ssyncset.done $0x0  }
0xb0: {  	[sflag:s6] =	ssyncadd.s32 $0xFFFFC000  }
0xb1: {  	[tilespmem:s18], [sflag:$0x1] =	stream.indirect.gather [hbm4b:s3+s0], $0x40, s2, s0, $0xb8;
	[tilespmem:$0x14500] =	vst v63  }
0xb2: {  	s4 =	rddreg [dreg:$0x6]  }
0xb3: {  	[tilespmem:s15], [sflag:$0x1] =	stream.indirect.gather [hbm4b:s3+s0], $0x40, s0, s0, $0xb8;
	[tilespmem:$0x14500] =	vst v63  }
0xb4: {  	s1 =	sadd.s32 $0x0, s4  }
0xb5: {  	[tilespmem:s11], [sflag:$0xC] =	stream.linear.gather [hbm4b:s1+s2], $0x100, $0x38;
	[tilespmem:$0x14500] =	vst v63  }
0xb6: {  	_ =	swait.ge [sflag:s7], $0x4000  }
0xb7: {  	s24 =	simm.s32 $0xC;
	[sflag:s7] =	ssyncset.done $0x0  }
0xb8: {  	s6 =	simm.s32 $0x8500;
	[sflag:s7] =	ssyncadd.s32 $0xFFFFC000;
	s7 =	rddreg [dreg:$0x1b]  }
0xb9: {  	[hbm4b:s7+s2] =	stream.linear.scatter [tilespmem:s6], [sflag:$0x8], $0x4000, $0x38;
	[tilespmem:$0x14500] =	vst v63  }
0xba: {  	_ =	swait.ge [sflag:s24], $0x100  }
0xbb: {  	[sflag:s24] =	ssyncset.done $0x0  }
0xbc: {  	[sflag:s24] =	ssyncadd.s32 $0xFFFFFF00  }
0xbd: {  	_ =	swait.ge [sflag:s12], $0x4000  }
0xbe: {  	[sflag:s12] =	ssyncset.done $0x0  }
0xbf: {  	[sflag:s12] =	ssyncadd.s32 $0xFFFFC000  }
0xc0: {  	[tilespmem:s19], [sflag:$0x2] =	stream.indirect.gather [hbm4b:s3+s0], $0x40, s11, s0, $0xb8;
	[tilespmem:$0x14500] =	vst v63  }
0xc1: {  	s12 =	rddreg [dreg:$0x5]  }
0xc2: {  	[tilespmem:s16], [sflag:$0x2] =	stream.indirect.gather [hbm4b:s3+s0], $0x40, s28, s0, $0xb8;
	[tilespmem:$0x14500] =	vst v63  }
0xc3: {  	s1 =	sadd.s32 $0x0, s12  }
0xc4: {  	[tilespmem:s17], [sflag:$0xD] =	stream.linear.gather [hbm4b:s1+s2], $0x100, $0x38;
	[tilespmem:$0x14500] =	vst v63  }
0xc5: {  	_ =	swait.ge [sflag:s25], $0x4000  }
0xc6: {  	[sflag:s25] =	ssyncset.done $0x0  }
0xc7: {  	s15 =	simm.s32 $0xC500;
	s11 =	rddreg [dreg:$0x1a];
	[sflag:s25] =	ssyncadd.s32 $0xFFFFC000  }
0xc8: {  	[hbm4b:s11+s2] =	stream.linear.scatter [tilespmem:s15], [sflag:$0x9], $0x4000, $0x38;
	[tilespmem:$0x14500] =	vst v63  }
0xc9: {  	_ =	swait.ge [sflag:s31], $0x100  }
0xca: {  	[sflag:s31] =	ssyncset.done $0x0  }
0xcb: {  	[sflag:s31] =	ssyncadd.s32 $0xFFFFFF00  }
0xcc: {  	_ =	swait.ge [sflag:s5], $0x4000  }
0xcd: {  	[sflag:s5] =	ssyncset.done $0x0  }
0xce: {  	[sflag:s5] =	ssyncadd.s32 $0xFFFFC000  }
0xcf: {  	[tilespmem:s6], [sflag:$0x3] =	stream.indirect.gather [hbm4b:s3+s0], $0x40, s17, s0, $0xb8;
	[tilespmem:$0x14500] =	vst v63  }
0xd0: {  	s19 =	simm.s32 $0xA500;
	s18 =	rddreg [dreg:$0x4]  }
0xd1: {  	[tilespmem:s19], [sflag:$0x3] =	stream.indirect.gather [hbm4b:s3+s0], $0x40, s9, s0, $0xb8;
	[tilespmem:$0x14500] =	vst v63  }
0xd2: {  	s1 =	sadd.s32 $0x0, s18  }
0xd3: {  	[tilespmem:s20], [sflag:$0xE] =	stream.linear.gather [hbm4b:s1+s2], $0x100, $0x38;
	[tilespmem:$0x14500] =	vst v63  }
0xd4: {  	_ =	swait.ge [sflag:s8], $0x4000  }
0xd5: {  	[sflag:s8] =	ssyncset.done $0x0  }
0xd6: {  	s21 =	simm.s32 $0x10500;
	s25 =	rddreg [dreg:$0x19];
	[sflag:s8] =	ssyncadd.s32 $0xFFFFC000  }
0xd7: {  	[hbm4b:s25+s2] =	stream.linear.scatter [tilespmem:s21], [sflag:$0xA], $0x4000, $0x38;
	[tilespmem:$0x14500] =	vst v63  }
0xd8: {  	_ =	swait.ge [sflag:s10], $0x100  }
0xd9: {  	s30 =	sadd.s32 $0x2800, s30;
	[sflag:s10] =	ssyncset.done $0x0  }
0xda: {  	s29 =	sadd.s32 $0x2800, s29;
	s4 =	simm.s32 $0x300;
	[sflag:s10] =	ssyncadd.s32 $0xFFFFFF00  }
0xdb: {  	s16 =	simm.s32 $0x100;
	s28 =	simm.s32 $0xE500;
	_ =	swait.ge [sflag:s13], $0x4000  }
0xdc: {  	s18 =	sadd.s32 $0x2800, s7;
	s17 =	simm.s32 $0xA0;
	[sflag:s13] =	ssyncset.done $0x0  }
0xdd: {  	s6 =	sadd.s32 $0x2800, s11;
	s26 =	rddreg [dreg:$0x3];
	[sflag:s13] =	ssyncadd.s32 $0xFFFFC000  }
0xde: {  	[tilespmem:s15], [sflag:$0x4] =	stream.indirect.gather [hbm4b:s3+s0], $0x40, s20, s0, $0xb8;
	[tilespmem:$0x14500] =	vst v63  }
0xdf: {  	s1 =	sadd.s32 $0x2800, s25;
	s7 =	sadd.s32 $0x0, s26;
	s20 =	simm.s32 $0x200  }
0xe0: {  	[tilespmem:s28], [sflag:$0x4] =	stream.indirect.gather [hbm4b:s3+s0], $0x40, s22, s0, $0xb8;
	[tilespmem:$0x14500] =	vst v63  }
.LBB2_2:
0xe1: {  	s9 =	simm.s32 $0x400;
	s11 =	simm.s32 $0x1  }
0xe2: {  	[tilespmem:s9], [sflag:$0xF] =	stream.linear.gather [hbm4b:s7+s2], $0x100, $0x38;
	[tilespmem:$0x14500] =	vst v63  }
0xe3: {  	_ =	swait.ge [sflag:s11], $0x4000  }
0xe4: {  	[sflag:s11] =	ssyncset.done $0x0  }
0xe5: {  	s15 =	simm.s32 $0x500;
	s12 =	simm.s32 $0xF;
	[sflag:s11] =	ssyncadd.s32 $0xFFFFC000  }
0xe6: {  	[hbm4b:s30+s2] =	stream.linear.scatter [tilespmem:s15], [sflag:$0x6], $0x4000, $0x38;
	[tilespmem:$0x14500] =	vst v63  }
0xe7: {  	_ =	swait.ge [sflag:s12], $0x100  }
0xe8: {  	[sflag:s12] =	ssyncset.done $0x0  }
0xe9: {  	[sflag:s12] =	ssyncadd.s32 $0xFFFFFF00  }
0xea: {  	_ =	swait.ge [sflag:s14], $0x4000  }
0xeb: {  	[sflag:s14] =	ssyncset.done $0x0  }
0xec: {  	s21 =	simm.s32 $0x10500;
	s22 =	simm.s32 $0x480;
	[sflag:s14] =	ssyncadd.s32 $0xFFFFC000  }
0xed: {  	[tilespmem:s21], [sflag:$0x5] =	stream.indirect.gather [hbm4b:s3+s0], $0x40, s9, s0, $0xb8;
	[tilespmem:$0x14500] =	vst v63  }
0xee: {  	s7 =	smov.u32 s17;
	s12 =	simm.s32 $0x12500;
	s19 =	rddreg [dreg:$0x7]  }
0xef: {  	[tilespmem:s12], [sflag:$0x5] =	stream.indirect.gather [hbm4b:s3+s0], $0x40, s22, s0, $0xb8;
	[tilespmem:$0x14500] =	vst v63  }
0xf0: {  	s25 =	simm.s32 $0x2;
	s11 =	sadd.s32 s7, s19  }
0xf1: {  	[tilespmem:s2], [sflag:$0xB] =	stream.linear.gather [hbm4b:s11+s2], $0x100, $0x38;
	[tilespmem:$0x14500] =	vst v63  }
0xf2: {  	_ =	swait.ge [sflag:s25], $0x4000  }
0xf3: {  	[sflag:s25] =	ssyncset.done $0x0  }
0xf4: {  	s28 =	simm.s32 $0x4500;
	[sflag:s25] =	ssyncadd.s32 $0xFFFFC000  }
0xf5: {  	[hbm4b:s29+s2] =	stream.linear.scatter [tilespmem:s28], [sflag:$0x7], $0x4000, $0x38;
	[tilespmem:$0x14500] =	vst v63  }
0xf6: {  	_ =	swait.ge [sflag:s23], $0x100  }
0xf7: {  	[sflag:s23] =	ssyncset.done $0x0  }
0xf8: {  	s26 =	simm.s32 $0x6;
	[sflag:s23] =	ssyncadd.s32 $0xFFFFFF00  }
0xf9: {  	_ =	swait.ge [sflag:s26], $0x4000  }
0xfa: {  	[sflag:s26] =	ssyncset.done $0x0  }
0xfb: {  	[sflag:s26] =	ssyncadd.s32 $0xFFFFC000  }
0xfc: {  	[tilespmem:s15], [sflag:$0x1] =	stream.indirect.gather [hbm4b:s3+s0], $0x40, s2, s0, $0xb8;
	[tilespmem:$0x14500] =	vst v63  }
0xfd: {  	s9 =	rddreg [dreg:$0x6];
	s15 =	simm.s32 $0x2500  }
0xfe: {  	[tilespmem:s15], [sflag:$0x1] =	stream.indirect.gather [hbm4b:s3+s0], $0x40, s0, s0, $0xb8;
	[tilespmem:$0x14500] =	vst v63  }
0xff: {  	s19 =	simm.s32 $0x3;
	s11 =	sadd.s32 s7, s9  }
0x100: {  	[tilespmem:s16], [sflag:$0xC] =	stream.linear.gather [hbm4b:s11+s2], $0x100, $0x38;
	[tilespmem:$0x14500] =	vst v63  }
0x101: {  	_ =	swait.ge [sflag:s19], $0x4000  }
0x102: {  	[sflag:s19] =	ssyncset.done $0x0  }
0x103: {  	s9 =	simm.s32 $0x8500;
	[sflag:s19] =	ssyncadd.s32 $0xFFFFC000  }
0x104: {  	[hbm4b:s18+s2] =	stream.linear.scatter [tilespmem:s9], [sflag:$0x8], $0x4000, $0x38;
	[tilespmem:$0x14500] =	vst v63  }
0x105: {  	_ =	swait.ge [sflag:s24], $0x100  }
0x106: {  	[sflag:s24] =	ssyncset.done $0x0  }
0x107: {  	s22 =	simm.s32 $0x7;
	[sflag:s24] =	ssyncadd.s32 $0xFFFFFF00  }
0x108: {  	_ =	swait.ge [sflag:s22], $0x4000  }
0x109: {  	[sflag:s22] =	ssyncset.done $0x0  }
0x10a: {  	[sflag:s22] =	ssyncadd.s32 $0xFFFFC000  }
0x10b: {  	[tilespmem:s28], [sflag:$0x2] =	stream.indirect.gather [hbm4b:s3+s0], $0x40, s16, s0, $0xb8;
	[tilespmem:$0x14500] =	vst v63  }
0x10c: {  	s25 =	rddreg [dreg:$0x5];
	s22 =	simm.s32 $0x6500;
	s28 =	simm.s32 $0x180  }
0x10d: {  	[tilespmem:s22], [sflag:$0x2] =	stream.indirect.gather [hbm4b:s3+s0], $0x40, s28, s0, $0xb8;
	[tilespmem:$0x14500] =	vst v63  }
0x10e: {  	s26 =	simm.s32 $0x4;
	s11 =	sadd.s32 s7, s25  }
0x10f: {  	[tilespmem:s20], [sflag:$0xD] =	stream.linear.gather [hbm4b:s11+s2], $0x100, $0x38;
	[tilespmem:$0x14500] =	vst v63  }
0x110: {  	_ =	swait.ge [sflag:s26], $0x4000  }
0x111: {  	[sflag:s26] =	ssyncset.done $0x0  }
0x112: {  	s22 =	simm.s32 $0xC500;
	[sflag:s26] =	ssyncadd.s32 $0xFFFFC000  }
0x113: {  	[hbm4b:s6+s2] =	stream.linear.scatter [tilespmem:s22], [sflag:$0x9], $0x4000, $0x38;
	[tilespmem:$0x14500] =	vst v63  }
0x114: {  	_ =	swait.ge [sflag:s31], $0x100  }
0x115: {  	[sflag:s31] =	ssyncset.done $0x0  }
0x116: {  	[sflag:s31] =	ssyncadd.s32 $0xFFFFFF00  }
0x117: {  	_ =	swait.ge [sflag:s5], $0x4000  }
0x118: {  	[sflag:s5] =	ssyncset.done $0x0  }
0x119: {  	[sflag:s5] =	ssyncadd.s32 $0xFFFFC000  }
0x11a: {  	[tilespmem:s9], [sflag:$0x3] =	stream.indirect.gather [hbm4b:s3+s0], $0x40, s20, s0, $0xb8;
	[tilespmem:$0x14500] =	vst v63  }
0x11b: {  	s25 =	simm.s32 $0xA500;
	s11 =	rddreg [dreg:$0x4];
	s9 =	simm.s32 $0x280  }
0x11c: {  	[tilespmem:s25], [sflag:$0x3] =	stream.indirect.gather [hbm4b:s3+s0], $0x40, s9, s0, $0xb8;
	[tilespmem:$0x14500] =	vst v63  }
0x11d: {  	s11 =	sadd.s32 s7, s11  }
0x11e: {  	[tilespmem:s4], [sflag:$0xE] =	stream.linear.gather [hbm4b:s11+s2], $0x100, $0x38;
	[tilespmem:$0x14500] =	vst v63  }
0x11f: {  	_ =	swait.ge [sflag:s8], $0x4000  }
0x120: {  	[sflag:s8] =	ssyncset.done $0x0  }
0x121: {  	p0 =	sne.s32 s17, $0x3020;
	[sflag:s8] =	ssyncadd.s32 $0xFFFFC000  }
0x122: {  	[hbm4b:s1+s2] =	stream.linear.scatter [tilespmem:s21], [sflag:$0xA], $0x4000, $0x38;
	[tilespmem:$0x14500] =	vst v63  }
0x123: {  	s17 =	sadd.s32 $0xA0, s17;
	s30 =	sadd.s32 $0x2800, s30;
	_ =	swait.ge [sflag:s10], $0x100  }
0x124: {  	s12 =	simm.s32 $0x500;
	s29 =	sadd.s32 $0x2800, s29;
	[sflag:s10] =	ssyncset.done $0x0  }
0x125: {  	s19 =	simm.s32 $0x4500;
	s18 =	sadd.s32 $0x2800, s18;
	[sflag:s10] =	ssyncadd.s32 $0xFFFFFF00  }
0x126: {  	s26 =	simm.s32 $0x8500;
	s6 =	sadd.s32 $0x2800, s6;
	_ =	swait.ge [sflag:s13], $0x4000  }
.Ltmp0:
0x127: {  	s25 =	simm.s32 $0xE500;
	[sflag:s13] =	ssyncset.done $0x0;
	(pc) =	sbr.rel @p0 .LBB2_2-.Ltmp0, $4  }
0x128: {  	s21 =	simm.s32 $0xC500;
	s11 =	rddreg [dreg:$0x3];
	[sflag:s13] =	ssyncadd.s32 $0xFFFFC000  }
0x129: {  	[tilespmem:s22], [sflag:$0x4] =	stream.indirect.gather [hbm4b:s3+s0], $0x40, s4, s0, $0xb8;
	[tilespmem:$0x14500] =	vst v63  }
0x12a: {  	s1 =	sadd.s32 $0x2800, s1;
	s7 =	sadd.s32 s7, s11;
	s22 =	simm.s32 $0x380  }
0x12b: {  	[tilespmem:s25], [sflag:$0x4] =	stream.indirect.gather [hbm4b:s3+s0], $0x40, s22, s0, $0xb8;
	[tilespmem:$0x14500] =	vst v63  }
0x12c: {  	s4 =	simm.s32 $0x400;
	s1 =	simm.s32 $0x1  }
0x12d: {  	[tilespmem:s4], [sflag:$0xF] =	stream.linear.gather [hbm4b:s7+s2], $0x100, $0x38;
	[tilespmem:$0x14500] =	vst v63  }
0x12e: {  	_ =	swait.ge [sflag:s1], $0x4000  }
0x12f: {  	[sflag:s1] =	ssyncset.done $0x0  }
0x130: {  	s7 =	simm.s32 $0xF;
	s6 =	rddreg [dreg:$0x13];
	[sflag:s1] =	ssyncadd.s32 $0xFFFFC000  }
0x131: {  	[hbm4b:s6+s2] =	stream.linear.scatter [tilespmem:s12], [sflag:$0x6], $0x4000, $0x38;
	[tilespmem:$0x14500] =	vst v63  }
0x132: {  	_ =	swait.ge [sflag:s7], $0x100  }
0x133: {  	[sflag:s7] =	ssyncset.done $0x0  }
0x134: {  	[sflag:s7] =	ssyncadd.s32 $0xFFFFFF00  }
0x135: {  	_ =	swait.ge [sflag:s14], $0x4000  }
0x136: {  	[sflag:s14] =	ssyncset.done $0x0  }
0x137: {  	s6 =	simm.s32 $0x10500;
	[sflag:s14] =	ssyncadd.s32 $0xFFFFC000  }
0x138: {  	[tilespmem:s6], [sflag:$0x5] =	stream.indirect.gather [hbm4b:s3+s0], $0x40, s4, s0, $0xb8;
	[tilespmem:$0x14500] =	vst v63  }
0x139: {  	s11 =	simm.s32 $0x480;
	s16 =	simm.s32 $0x2;
	s12 =	simm.s32 $0x12500  }
0x13a: {  	[tilespmem:s12], [sflag:$0x5] =	stream.indirect.gather [hbm4b:s3+s0], $0x40, s11, s0, $0xb8;
	[tilespmem:$0x14500] =	vst v63  }
0x13b: {  	_ =	swait.ge [sflag:s16], $0x4000  }
0x13c: {  	[sflag:s16] =	ssyncset.done $0x0  }
0x13d: {  	s18 =	simm.s32 $0x3;
	s17 =	rddreg [dreg:$0x14];
	[sflag:s16] =	ssyncadd.s32 $0xFFFFC000  }
0x13e: {  	[hbm4b:s17+s2] =	stream.linear.scatter [tilespmem:s19], [sflag:$0x7], $0x4000, $0x38;
	[tilespmem:$0x14500] =	vst v63  }
0x13f: {  	_ =	swait.ge [sflag:s18], $0x4000  }
0x140: {  	[sflag:s18] =	ssyncset.done $0x0  }
0x141: {  	s20 =	simm.s32 $0x4;
	s19 =	rddreg [dreg:$0x15];
	[sflag:s18] =	ssyncadd.s32 $0xFFFFC000  }
0x142: {  	[hbm4b:s19+s2] =	stream.linear.scatter [tilespmem:s26], [sflag:$0x8], $0x4000, $0x38;
	[tilespmem:$0x14500] =	vst v63  }
0x143: {  	_ =	swait.ge [sflag:s20], $0x4000  }
0x144: {  	[sflag:s20] =	ssyncset.done $0x0  }
0x145: {  	s23 =	rddreg [dreg:$0x16];
	[sflag:s20] =	ssyncadd.s32 $0xFFFFC000  }
0x146: {  	[hbm4b:s23+s2] =	stream.linear.scatter [tilespmem:s21], [sflag:$0x9], $0x4000, $0x38;
	[tilespmem:$0x14500] =	vst v63  }
0x147: {  	_ =	swait.ge [sflag:s8], $0x4000  }
0x148: {  	[sflag:s8] =	ssyncset.done $0x0  }
0x149: {  	s25 =	simm.s32 $0x6;
	s24 =	rddreg [dreg:$0x17];
	[sflag:s8] =	ssyncadd.s32 $0xFFFFC000  }
0x14a: {  	[hbm4b:s24+s2] =	stream.linear.scatter [tilespmem:s6], [sflag:$0xA], $0x4000, $0x38;
	[tilespmem:$0x14500] =	vst v63  }
0x14b: {  	_ =	swait.ge [sflag:s25], $0x4000  }
0x14c: {  	[sflag:s25] =	ssyncset.done $0x0  }
0x14d: {  	s26 =	simm.s32 $0x7;
	[sflag:s25] =	ssyncadd.s32 $0xFFFFC000  }
0x14e: {  	_ =	swait.ge [sflag:s26], $0x4000  }
0x14f: {  	[sflag:s26] =	ssyncset.done $0x0  }
0x150: {  	[sflag:s26] =	ssyncadd.s32 $0xFFFFC000  }
0x151: {  	_ =	swait.ge [sflag:s5], $0x4000  }
0x152: {  	[sflag:s5] =	ssyncset.done $0x0  }
0x153: {  	[sflag:s5] =	ssyncadd.s32 $0xFFFFC000  }
0x154: {  	_ =	swait.ge [sflag:s13], $0x4000  }
0x155: {  	[sflag:s13] =	ssyncset.done $0x0  }
0x156: {  	[sflag:s13] =	ssyncadd.s32 $0xFFFFC000  }
0x157: {  	_ =	swait.ge [sflag:s14], $0x4000  }
0x158: {  	s29 =	sld [smem:$0x7FB];
	_ =	sdelay $0x2  }
0x159: {  	s30 =	rddreg [dreg:$0x18];
	s4 =	sadd.s32 $0x1, s29  }
0x15a: {  	p0 =	sne.s32 s4, s30  }
.Ltmp1:
0x15b: {  	_ = 	snop;
	(pc) =	sbr.rel @p0 .LBB2_1-.Ltmp1, $4  }
0x15c: {  	s11 =	simm.s32 $0x100  }
0x15d: {  	s12 =	simm.s32 $0xE500;
	s16 =	simm.s32 $0x6500;
	s17 =	simm.s32 $0x200  }
0x15e: {  	s18 =	simm.s32 $0xA500;
	s20 =	simm.s32 $0x300;
	[sflag:s14] =	ssyncset.done $0x0  }
0x15f: {  	s23 =	simm.s32 $0xB;
	s24 =	simm.s32 $0xC;
	[sflag:s14] =	ssyncadd.s32 $0xFFFFC000  }
0x160: {  	_ =	sfence.sel $0x180000  }
0x161: {  	[bflag:$0x0] =	sbarrier.arrive $0xFFFF  }
0x162: {  	_ =	strace $0x9000004A  }
0x163: {  	s0 =	stileid.u32;
	[bflag:$0x2] =	sbarrier.arrive $0xFFFF  }
0x164: {  	p0 =	sne.s32 s0, $0x0;
	s0 =	rddreg [dreg:$0x2]  }
0x165: {  	s0 =	sadd.s32 @!p0 $0x100000, s0  }
0x166: {  	[sflag:s0] =	ssyncadd.tile.s32 @!p0 $0x1;
	_ =	shalt  }
.Lfunc_end2:
_tile_overlayer_lowered:
.L_overlay_start_2:
0x167: {  	(tag) =	ssettag $0x2  }
0x168: {  	s0 =	rddreg [dreg:$0x0];
	s2 =	stileid.u32  }
0x169: {  	s1 =	rddreg [dreg:$0x1];
	p0 =	sne.s32 s2, $0x0  }
0x16a: {  	s3 =	rddreg [dreg:$0x2];
	[bflag:$0x3] =	sbarrier.arrive $0xFFFF;
	s2 =	simm.s32 @!p0 $0x1C10  }
0x16b: {  	[timem:s3], [sflag:s2] =	dma.local @!p0 [hbm:s0], s1  }
0x16c: {  	s0 =	simm.s32 @!p0 $0x10  }
0x16d: {  	_ =	swait.ge @!p0 [sflag:s0], s1  }
0x16e: {  	s1 =	ssub.s32 @!p0 $0x0, s1;
	[sflag:s0] =	ssyncset.done @!p0 $0x0  }
0x16f: {  	[sflag:s0] =	ssyncadd.s32 @!p0 s1  }
0x170: {  	[bflag:$0x3] =	sbarrier.arrive $0xFFFF  }
0x171: {  	_ =	shalt  }

// kernel: sparse-core-data-format-call.1.cloned.1.call-start
scs
called_computation.1_lowered:
.L_overlay_start_0:
0x0: {  	s2 =	sld [smem:$0x3FD9]  }
0x1: {  	s3 =	sld [smem:$0x3FFE];
	_ =	sdelay $0x1  }
0x2: {  	s1 =	srdreg.scid  }
0x3: {  	s0 =	sand.u32 $0x1, s1  }
0x4: {  	s18 =	sshll.u32 s0, $0xA;
	s2 =	sadd.s32 s3, s2  }
0x5: {  	s2 =	sadd.s32 s2, s18  }
0x6: {  	[smem:$0x3FC6] =	sst s2  }
0x7: {  	_ = 	snop  }
0x8: {  	s2 =	sld [smem:$0x3FD0];
	(tm) =	ssettm $0x1  }
0x9: {  	s19 =	sld [smem:$0x3FFB];
	_ =	sdelay $0x3  }
0xa: {  	_ =	strace s19  }
0xb: {  	s3 =	sld [smem:$0x3FFC];
	_ =	sdelay $0x3  }
0xc: {  	_ =	strace s3  }
0xd: {  	s3 =	sld [smem:$0x3FFD];
	_ =	sdelay $0x3  }
0xe: {  	_ =	strace s3  }
0xf: {  	_ =	strace $0x8FFFFFFF  }
0x10: {  	s20 =	sld [smem:$0x3FDB];
	_ =	sdelay $0x1  }
0x11: {  	s4 =	simm.s32 $_scs_section_size  }
0x12: {  	s5 =	simm.s32 $_size__tile_overlayer_lowered;
	s6 =	simm.s32 $_tile_overlayer_lowered  }
0x13: {  	s23 =	simm.s32 $0x1BFF;
	s22 =	sshll.u32 s6, $0x1;
	s3 =	sadd.s32 s4, s20  }
0x14: {  	s7 =	simm.s32 $0x0;
	s21 =	sshll.u32 s5, $0x1;
	s5 =	sadd.s32 s22, s3  }
0x15: {  	[timem:s7], [sflag:s23] =	dma.local [hbm:s5], s21  }
0x16: {  	_ =	swait.ge [sflag:s23], s21  }
0x17: {  	s4 =	ssub.s32 $0x0, s21;
	[sflag:s23] =	ssyncset.done $0x0  }
0x18: {  	[sflag:s23] =	ssyncadd.s32 s4;
	_ =	sdelay $0x1  }
0x19: {  	s24 =	simm.s32 $0x1B8B  }
0x1a: {  	_ =	swait.ge [sflag:s24], $0x1  }
0x1b: {  	[sflag:s24] =	ssyncset.done $0x0  }
0x1c: {  	s26 =	simm.s32 $0x1B8E;
	s25 =	sld [smem:$0x3FFE];
	[sflag:s24] =	ssyncadd.s32 $0xFFFFFFFF  }
0x1d: {  	s27 =	simm.s32 $execute0_lowered;
	[smem:$0x3FD2] =	sst s26  }
0x1e: {  	s5 =	sshll.u32 s27, $0x1;
	_ =	strace $0x80000046;
	[dreg:$0x1] =	wrdreg $0xFFFFFFFF  }
0x1f: {  	s28 =	simm.s32 $_size_execute0_lowered;
	s3 =	sadd.s32 s3, s5;
	[dreg:$0x0] =	wrdreg $0x0  }
0x20: {  	s5 =	sshll.u32 s28, $0x1;
	[dreg:$0x2] =	wrdreg s3  }
0x21: {  	[dreg:$0x3] =	wrdreg s5  }
0x22: {  	[dreg:$0x4] =	wrdreg $0xC0  }
0x23: {  	_ =	task [dreg:s7], $0x5FFFF  }
0x24: {  	[dreg:$0x1] =	wrdreg $0xFFFFFFFF  }
0x25: {  	[dreg:$0x0] =	wrdreg $0x60  }
0x26: {  	[dreg:$0x2] =	wrdreg s25  }
0x27: {  	[dreg:$0x3] =	wrdreg s2  }
0x28: {  	[dreg:$0x4] =	wrdreg $0x9  }
0x29: {  	_ =	task.clear_ibuf [dreg:s7], $0x5FFFF;
	_ =	strace $0x90000046  }
0x2a: {  	s29 =	simm.s32 $0x9;
	_ =	strace $0x80000048  }
0x2b: {  	_ =	swait.ge [sflag:s29], $0x1  }
0x2c: {  	[sflag:s29] =	ssyncadd.s32 $0xFFFFFFFF  }
0x2d: {  	_ =	strace $0x90000048  }
0x2e: {  	_ =	sfence  }
0x2f: {  	s30 =	sld [smem:$0x0];
	_ =	sdelay $0x2  }
0x30: {  	s31 =	sshll.u32 s1, $0xD;
	s1 =	sshrl.u32 s1, $0x2  }
0x31: {  	s3 =	sand.u32 $0x4000, s31;
	s1 =	sadd.s32 s1, s30  }
0x32: {  	s0 =	sor.u32 s3, s0;
	s1 =	sshll.u32 s1, $0x11  }
0x33: {  	s0 =	sor.u32 s1, s0  }
0x34: {  	s0 =	sadd.s32 $0x8F2B, s0  }
0x35: {  	[sflag:s0] =	ssyncadd.remote.s32 $0x1  }
0x36: {  	_ =	sfence.sel $0xFFFF  }
0x37: {  	[dreg:$0x0] =	wrdreg $0xFFFFFFFF;
	(pc) =	sbr.abs _section_cstart, $3  }
0x38: {  	[dreg:$0x1] =	wrdreg $0xFFFFFFFF  }
0x39: {  	_ =	task.clear_ibuf [dreg:s7], $0x2FFFF;
	_ =	strace $0x9FFFFFFF  }
0x3a: {  	(tm) =	ssettm $0x7FFFFFFF  }
0x3b: {  	_ =	shalt  }
tec
execute0_lowered:
.L_overlay_start_1:
0x0: {  	(tag) =	ssettag $0x1  }
0x1: {  	s0 =	srdreg.scid;
	s5 =	rddreg [dreg:$0x0]  }
0x2: {  	s2 =	rddreg [dreg:$0x1];
	s1 =	stileid.u32  }
0x3: {  	s4 =	simm.s32 $0x1;
	s6 =	simm.s32 $0x2;
	s15 =	simm.s32 $0x0  }
0x4: {  	p0 =	por $0x0, $0x0;
	s8 =	simm.s32 $0x80;
	s0 =	sshll.u32 s0, $0x4  }
0x5: {  	s14 =	simm.s32 $0x0;
	s9 =	simm.s32 $0x0;
	s3 =	sand.u32 $0x10, s0  }
.Ltmp0:
0x6: {  	s10 =	simm.s32 $0x0;
	s3 =	sor.u32 s1, s3;
	(pc) =	sbr.rel .LBB1_1-.Ltmp0, $4  }
0x7: {  	s0 =	rddreg [dreg:$0x2];
	_ =	strace $0x80000047;
	s3 =	sshll.u32 s3, $0x7  }
0x8: {  	s12 =	simm.s32 $0x0;
	[sflag:s4] =	ssyncpa.u1 $0x0;
	s7 =	ssub.s32 $0xF4200, s3  }
0x9: {  	s13 =	simm.s32 $0x0;
	[sflag:s6] =	ssyncpa.u1 $0x0;
	s6 =	sshrl.u32 s7, $0xC  }
0xa: {  	s5 =	sadd.s32 $0xE00, s5;
	s11 =	smov.u32 s3;
	s7 =	sadd.s32 $0x2, s6  }
.LBB1_5:
0xb: {  	p1 =	slt.u32 s13, $0x2  }
0xc: {  	s17 =	smov.u32 s15;
	p2 =	sgt.s32 @!p1 s15, $0xF41C0;
	s16 =	sshra.s32 @!p1 s15, $0x1F  }
0xd: {  	p3 =	sgt.s32 @!p1 s14, $0x40;
	s18 =	sshra.s32 @!p1 s14, $0x1F;
	p2 =	por !p2, p1  }
0xe: {  	s15 =	sand.u32 @!p1 s16, s15;
	p3 =	por !p3, p1;
	s16 =	smov.u32 s14  }
0xf: {  	s14 =	sand.u32 @!p1 s18, s14;
	s17 =	simm.s32 @p2 $0xF41C0;
	s16 =	simm.s32 @p3 $0x40  }
0x10: {  	s15 =	ssub.s32 @!p1 s17, s15;
	s14 =	ssub.s32 @!p1 s16, s14  }
0x11: {  	s18 =	smov.u32 s12;
	s16 =	sadd.s32 @!p1 $0xFFF0BE40, s15;
	s17 =	sadd.s32 @!p1 $0xFFFFFFC0, s14  }
0x12: {  	s15 =	ssub.s32 @!p1 $0xF4240, s15;
	p2 =	sgt.s32 @!p1 s16, $0x7F;
	p3 =	sgt.s32 @!p1 s17, $0x3F  }
0x13: {  	s14 =	ssub.s32 @!p1 $0x80, s14;
	p2 =	por !p2, p1;
	p3 =	por !p3, p1  }
0x14: {  	s16 =	sadd.s32 $0x1000, s11;
	s15 =	simm.s32 @!p2 $0x0;
	s14 =	simm.s32 @!p3 $0x0  }
0x15: {  	p2 =	sgt.s32 s16, $0xF423F;
	s14 =	smul.u32 @!p1 s14, s15;
	s15 =	sadd.s32 $0x40, s12  }
0x16: {  	s18 =	smov.u32 @p2 s15  }
0x17: {  	s16 =	smov.u32 @p2 s3;
	p2 =	sgt.s32 s18, $0x3F  }
0x18: {  	s18 =	simm.s32 @p2 $0x0;
	p2 =	sne.s32 s13, s7  }
.Ltmp1:
0x19: {  	p0 =	por !p0, !p0;
	s17 =	simm.s32 @!p1 $0x2;
	(pc) =	sbr.rel @!p2 .LBB1_6-.Ltmp1, $4  }
0x1a: {  	s15 =	smov.u32 s9;
	s9 =	smov.u32 s11;
	s14 =	sand.u32 @!p1 $0x3FFFFFFF, s14  }
0x1b: {  	s11 =	smov.u32 s16;
	_ =	swait.ge @!p1 [sflag:s17], s14;
	s19 =	ssub.s32 @!p1 $0x0, s14  }
0x1c: {  	s14 =	smov.u32 s10;
	s13 =	sadd.s32 $0x1, s13;
	[sflag:s17] =	ssyncset.done @!p1 $0x0  }
0x1d: {  	s10 =	smov.u32 s12;
	s12 =	smov.u32 s18;
	[sflag:s17] =	ssyncadd.s32 @!p1 s19  }
.LBB1_1:
0x1e: {  	p1 =	sgt.u32 s13, s6  }
0x1f: {  	s16 =	sshrl.u32 @!p1 s12, $0x3  }
0x20: {  	s17 =	sshll.u32 @!p1 s11, $0x3;
	s16 =	smul.u32 @!p1 $0x7A1400, s16  }
0x21: {  	s18 =	sshll.u32 @!p1 s12, $0x7;
	s17 =	sand.u32 @!p1 $0xFFFFFC00, s17  }
0x22: {  	s16 =	sadd.s32 @!p1 s16, s17;
	s17 =	sand.u32 @!p1 $0x380, s18  }
0x23: {  	s18 =	sand.u32 @!p1 $0x7F, s11;
	s16 =	sor.u32 @!p1 s17, s16  }
0x24: {  	s17 =	sor.u32 @!p1 s18, s16  }
0x25: {  	s18 =	smulhi.u32 @!p1 $0x218D6287, s17;
	_ =	sdelay $0x1  }
0x26: {  	s16 =	smulhi.u32 @!p1 $0x218D6287, s16;
	s18 =	sshrl.u32 @!p1 s18, $0x11  }
0x27: {  	s18 =	smul.u32 @!p1 $0xF4280, s18  }
0x28: {  	s19 =	sxor.u32 @!p1 $0xFFFFFFFF, s13;
	s16 =	sshrl.u32 @!p1 s16, $0x11  }
0x29: {  	s19 =	sshll.u32 @!p1 s19, $0xD;
	s16 =	sand.u32 @!p1 $0x3F, s16;
	s17 =	ssub.s32 @!p1 s17, s18  }
0x2a: {  	s16 =	smul.u32 @!p1 $0x1E850, s16;
	s18 =	sshrl.u32 @!p1 s17, $0x3;
	s17 =	sand.u32 @!p1 $0x7, s17  }
0x2b: {  	s19 =	sand.u32 @!p1 $0x2000, s19;
	s18 =	sadd.s32 @!p1 s5, s18;
	s17 =	sshll.u32 @!p1 s17, $0x12  }
0x2c: {  	s16 =	sadd.s32 @!p1 s16, s18;
	s17 =	sor.u32 @!p1 $0x400, s17;
	s18 =	simm.s32 @!p1 $0x7A1400  }
0x2d: {  	[tilespmem:s19], [sflag:$0x1] =	stream.strided.gather @!p1 [hbm4b:s16+s17], $0x2000, s18, s17, $0x38;
	[tilespmem:$0x8100] =	vst v63  }
0x2e: {  	p1 =	seq.s32 s13, $0x0  }
0x2f: {  	p2 =	sge.u32 @!p1 s13, s7  }
0x30: {  	p1 =	por p1, p2  }
.Ltmp2:
0x31: {  	_ = 	snop;
	(pc) =	sbr.rel @p1 .LBB1_5-.Ltmp2, $1  }
0x32: {  	_ =	sdelay $0x3  }
0x33: {  	s16 =	simm.s32 $0x1  }
0x34: {  	_ =	swait.ge [sflag:s4], $0x2000;
	s16 =	simm.s32 @!p0 $0x0  }
0x35: {  	[sflag:s4] =	ssyncset.done $0x0;
	s17 =	sshll.u32 s16, $0xD  }
0x36: {  	[sflag:s4] =	ssyncadd.s32 $0xFFFFE000;
	s17 =	sor.u32 $0x40, s17  }
0x37: {  	s16 =	smul.u32 $0x8200, s16;
	v0 =	vld [tilespmem:s17+$0x30]  }
0x38: {  	v1 =	vld [tilespmem:s17+$0xFFFFFFD0]  }
0x39: {  	s16 =	sshrl.u32 s16, $0x2;
	v5 =	vld [tilespmem:s17+$0xFFFFFFE0]  }
0x3a: {  	v6 =	vld [tilespmem:s17+$0xFFFFFFF0];
	s19 =	sor.u32 $0x4000, s16  }
0x3b: {  	s31 =	sand.u32 $0x1, s13;
	v4 =	vld [tilespmem:s17+$0x0];
	s18 =	sadd.s32 $0x0, s19  }
0x3c: {  	v3 =	vld [tilespmem:s17+$0x10];
	s16 =	smul.u32 $0x8200, s31;
	[tilespmem:s18+$0x1C70 ss:$0x41] =	vst.msk $0xffff, v0  }
0x3d: {  	v2 =	vld [tilespmem:s17+$0x20];
	[tilespmem:s18+$0x410 ss:$0x41] =	vst.msk $0xffff, v1  }
0x3e: {  	s16 =	sshrl.u32 s16, $0x2;
	v1 =	vld [tilespmem:s17+$0xFFFFFFC0];
	[tilespmem:s18+$0x820 ss:$0x41] =	vst.msk $0xffff, v5;
	s17 =	sadd.s32 $0x80, s17  }
0x3f: {  	s20 =	simm.s32 $0x4;
	s21 =	simm.s32 $0x8;
	s16 =	sor.u32 $0x4000, s16;
	[tilespmem:s18+$0xC30 ss:$0x41] =	vst.msk $0xffff, v6;
	v0 =	vld [tilespmem:s17+$0x30]  }
.LBB1_3:
0x40: {  	p1 =	sne.s32 s21, $0xFC;
	v5 =	vld [tilespmem:s17+$0xFFFFFFD0];
	[tilespmem:s18+$0x1040 ss:$0x41] =	vst.msk $0xffff, v4  }
0x41: {  	v6 =	vld [tilespmem:s17+$0xFFFFFFE0];
	[tilespmem:s18+$0x1450 ss:$0x41] =	vst.msk $0xffff, v3  }
0x42: {  	s22 =	sshra.s32 s20, $0x2;
	s20 =	smov.u32 s21;
	v7 =	vld [tilespmem:s17+$0xFFFFFFF0];
	[tilespmem:s18+$0x1860 ss:$0x41] =	vst.msk $0xffff, v2  }
.Ltmp3:
0x43: {  	v4 =	vld [tilespmem:s17+$0x0];
	[tilespmem:s18+$0x0 ss:$0x41] =	vst.msk $0xffff, v1;
	s18 =	sadd.s32 s22, s19;
	(pc) =	sbr.rel @p1 .LBB1_3-.Ltmp3, $4  }
0x44: {  	v3 =	vld [tilespmem:s17+$0x10];
	[tilespmem:s18+$0x1C70 ss:$0x41] =	vst.msk $0xffff, v0  }
0x45: {  	[tilespmem:s18+$0x410 ss:$0x41] =	vst.msk $0xffff, v5;
	v2 =	vld [tilespmem:s17+$0x20]  }
0x46: {  	v1 =	vld [tilespmem:s17+$0xFFFFFFC0];
	[tilespmem:s18+$0x820 ss:$0x41] =	vst.msk $0xffff, v6;
	s17 =	sadd.s32 $0x80, s17  }
0x47: {  	s21 =	sadd.s32 $0x4, s21;
	v0 =	vld [tilespmem:s17+$0x30];
	[tilespmem:s18+$0xC30 ss:$0x41] =	vst.msk $0xffff, v7  }
0x48: {  	s21 =	sshll.u32 s9, $0x7;
	s22 =	sshll.u32 s10, $0x3;
	s20 =	sshra.s32 s20, $0x2  }
0x49: {  	p1 =	sgt.s32 s9, $0xF41C0;
	s30 =	sshra.s32 s9, $0x1F;
	s25 =	sshra.s32 s10, $0x1F  }
0x4a: {  	v5 =	vld [tilespmem:s17+$0xFFFFFFD0];
	s28 =	sshrl.u32 s10, $0x3;
	s23 =	sand.u32 $0xFFFFFC00, s21;
	s22 =	sand.u32 $0xFFFFFC00, s22  }
0x4b: {  	[tilespmem:s18+$0x1040 ss:$0x41] =	vst.msk $0xffff, v4;
	v58 =	vld [tilespmem:s17+$0xFFFFFFE0];
	s21 =	sand.u32 $0x380, s21;
	s19 =	sadd.s32 s20, s19;
	s22 =	sadd.s32 s22, s23  }
0x4c: {  	v59 =	vld [tilespmem:s17+$0xFFFFFFF0];
	[tilespmem:s18+$0x1450 ss:$0x41] =	vst.msk $0xffff, v3;
	s29 =	sor.u32 s21, s22;
	s21 =	smov.u32 s9;
	s22 =	sand.u32 s30, s9  }
0x4d: {  	v60 =	vld [tilespmem:s17+$0x0];
	[tilespmem:s18+$0x1860 ss:$0x41] =	vst.msk $0xffff, v2;
	s30 =	sand.u32 $0x7, s10;
	s20 =	sshrl.u32 s29, $0x7;
	s21 =	simm.s32 @!p1 $0xF41C0  }
0x4e: {  	v61 =	vld [tilespmem:s17+$0x10];
	[tilespmem:s18+$0x0 ss:$0x41] =	vst.msk $0xffff, v1;
	p1 =	sgt.s32 s10, $0x40;
	s24 =	ssub.s32 s21, s22;
	s21 =	smov.u32 s10  }
0x4f: {  	v62 =	vld [tilespmem:s17+$0x20];
	[tilespmem:s19+$0x1C70 ss:$0x41] =	vst.msk $0xffff, v0;
	s31 =	smulhi.u32 $0x218DEF5, s20;
	s22 =	sand.u32 s25, s10;
	s21 =	simm.s32 @!p1 $0x40  }
0x50: {  	v63 =	vld [tilespmem:s17+$0xFFFFFFC0];
	[tilespmem:s19+$0x410 ss:$0x41] =	vst.msk $0xffff, v5;
	s26 =	sadd.s32 $0xFFF0BE40, s24;
	s17 =	ssub.s32 $0xF4240, s24;
	s21 =	ssub.s32 s21, s22  }
0x51: {  	[tilespmem:s19+$0x820 ss:$0x41] =	vst.msk $0xffff, v58;
	s23 =	sshrl.u32 s31, $0xD;
	p1 =	sgt.s32 s26, $0x7F;
	s27 =	sadd.s32 $0xFFFFFFC0, s21  }
0x52: {  	[tilespmem:s19+$0xC30 ss:$0x41] =	vst.msk $0xffff, v59;
	s23 =	smul.u32 $0xF4240, s23;
	s18 =	ssub.s32 $0x80, s21;
	p2 =	sgt.s32 s27, $0x3F  }
.Ltmp4:
0x53: {  	[tilespmem:s19+$0x1040 ss:$0x41] =	vst.msk $0xffff, v60;
	s17 =	simm.s32 @p1 $0x0;
	s18 =	simm.s32 @p2 $0x0;
	(pc) =	sbr.rel .LBB1_5-.Ltmp4, $4  }
0x54: {  	s29 =	sand.u32 $0xF, s28;
	[tilespmem:s19+$0x1450 ss:$0x41] =	vst.msk $0xffff, v61;
	s20 =	ssub.s32 s20, s23;
	s17 =	smul.u32 s18, s17  }
0x55: {  	[tilespmem:s19+$0x1860 ss:$0x41] =	vst.msk $0xffff, v62;
	s21 =	sshll.u32 s30, $0x12;
	s20 =	sshll.u32 s20, $0x4;
	s18 =	sadd.s32 s2, s29  }
0x56: {  	[tilespmem:s19+$0x0 ss:$0x41] =	vst.msk $0xffff, v63;
	s31 =	sor.u32 $0x40, s21;
	s18 =	sadd.s32 s20, s18;
	s17 =	sand.u32 $0x3FFFFFFF, s17  }
0x57: {  	[hbm4b:s18+s31] =	stream.strided.scatter [tilespmem:s16], [sflag:$0x2], s17, s8, s31, $0x18;
	[tilespmem:$0x8100] =	vst v63  }
.LBB1_6:
0x58: {  	_ =	sfence.sel $0x180000  }
0x59: {  	s2 =	simm.s32 $0x1;
	[bflag:$0x0] =	sbarrier.arrive $0xFFFF  }
0x5a: {  	s31 =	simm.s32 $0x2;
	[sflag:s2] =	ssyncpa.u1 $0x1  }
0x5b: {  	[sflag:s31] =	ssyncpa.u1 $0x1  }
0x5c: {  	p0 =	sne.s32 s1, $0x0;
	_ =	strace $0x90000047  }
0x5d: {  	s0 =	sadd.s32 @!p0 $0x100000, s0;
	[bflag:$0x2] =	sbarrier.arrive $0xFFFF  }
0x5e: {  	[sflag:s0] =	ssyncadd.tile.s32 @!p0 $0x1;
	_ =	shalt  }
.Lfunc_end1:
_tile_overlayer_lowered:
.L_overlay_start_2:
0x5f: {  	(tag) =	ssettag $0x2  }
0x60: {  	s0 =	rddreg [dreg:$0x0];
	s2 =	stileid.u32  }
0x61: {  	s1 =	rddreg [dreg:$0x1];
	p0 =	sne.s32 s2, $0x0  }
0x62: {  	s3 =	rddreg [dreg:$0x2];
	[bflag:$0x3] =	sbarrier.arrive $0xFFFF;
	s2 =	simm.s32 @!p0 $0x1C01  }
0x63: {  	[timem:s3], [sflag:s2] =	dma.local @!p0 [hbm:s0], s1  }
0x64: {  	s0 =	simm.s32 @!p0 $0x1  }
0x65: {  	_ =	swait.ge @!p0 [sflag:s0], s1  }
0x66: {  	s1 =	ssub.s32 @!p0 $0x0, s1;
	[sflag:s0] =	ssyncset.done @!p0 $0x0  }
0x67: {  	[sflag:s0] =	ssyncadd.s32 @!p0 s1  }
0x68: {  	[bflag:$0x3] =	sbarrier.arrive $0xFFFF  }
0x69: {  	_ =	shalt  }

// kernel: sparse-core-data-format-call.cloned.1.call-start
scs
called_computation_lowered:
.L_overlay_start_0:
0x0: {  	s2 =	sld [smem:$0x3FD9]  }
0x1: {  	s3 =	sld [smem:$0x3FFE];
	_ =	sdelay $0x1  }
0x2: {  	s1 =	srdreg.scid  }
0x3: {  	s0 =	sand.u32 $0x1, s1  }
0x4: {  	s18 =	sshll.u32 s0, $0xA;
	s2 =	sadd.s32 s3, s2  }
0x5: {  	s2 =	sadd.s32 s2, s18  }
0x6: {  	[smem:$0x3FC6] =	sst s2  }
0x7: {  	_ = 	snop  }
0x8: {  	s2 =	sld [smem:$0x3FD0];
	(tm) =	ssettm $0x1  }
0x9: {  	s19 =	sld [smem:$0x3FFB];
	_ =	sdelay $0x3  }
0xa: {  	_ =	strace s19  }
0xb: {  	s3 =	sld [smem:$0x3FFC];
	_ =	sdelay $0x3  }
0xc: {  	_ =	strace s3  }
0xd: {  	s3 =	sld [smem:$0x3FFD];
	_ =	sdelay $0x3  }
0xe: {  	_ =	strace s3  }
0xf: {  	_ =	strace $0x8FFFFFFF  }
0x10: {  	s20 =	sld [smem:$0x3FDB];
	_ =	sdelay $0x1  }
0x11: {  	s4 =	simm.s32 $_scs_section_size  }
0x12: {  	s5 =	simm.s32 $_size__tile_overlayer_lowered;
	s6 =	simm.s32 $_tile_overlayer_lowered  }
0x13: {  	s23 =	simm.s32 $0x1BFF;
	s22 =	sshll.u32 s6, $0x1;
	s3 =	sadd.s32 s4, s20  }
0x14: {  	s7 =	simm.s32 $0x0;
	s21 =	sshll.u32 s5, $0x1;
	s5 =	sadd.s32 s22, s3  }
0x15: {  	[timem:s7], [sflag:s23] =	dma.local [hbm:s5], s21  }
0x16: {  	_ =	swait.ge [sflag:s23], s21  }
0x17: {  	s4 =	ssub.s32 $0x0, s21;
	[sflag:s23] =	ssyncset.done $0x0  }
0x18: {  	[sflag:s23] =	ssyncadd.s32 s4;
	_ =	sdelay $0x1  }
0x19: {  	s24 =	simm.s32 $0x1B8B  }
0x1a: {  	_ =	swait.ge [sflag:s24], $0x1  }
0x1b: {  	[sflag:s24] =	ssyncset.done $0x0  }
0x1c: {  	s26 =	simm.s32 $0x1B8E;
	s25 =	sld [smem:$0x3FFE];
	[sflag:s24] =	ssyncadd.s32 $0xFFFFFFFF  }
0x1d: {  	s27 =	simm.s32 $execute0_lowered;
	[smem:$0x3FD2] =	sst s26  }
0x1e: {  	s5 =	sshll.u32 s27, $0x1;
	_ =	strace $0x8000004C;
	[dreg:$0x1] =	wrdreg $0xFFFFFFFF  }
0x1f: {  	s28 =	simm.s32 $_size_execute0_lowered;
	s3 =	sadd.s32 s3, s5;
	[dreg:$0x0] =	wrdreg $0x0  }
0x20: {  	s5 =	sshll.u32 s28, $0x1;
	[dreg:$0x2] =	wrdreg s3  }
0x21: {  	[dreg:$0x3] =	wrdreg s5  }
0x22: {  	[dreg:$0x4] =	wrdreg $0xC0  }
0x23: {  	_ =	task [dreg:s7], $0x5FFFF  }
0x24: {  	[dreg:$0x1] =	wrdreg $0xFFFFFFFF  }
0x25: {  	[dreg:$0x0] =	wrdreg $0x60  }
0x26: {  	[dreg:$0x2] =	wrdreg s25  }
0x27: {  	[dreg:$0x3] =	wrdreg s2  }
0x28: {  	[dreg:$0x4] =	wrdreg $0x9  }
0x29: {  	_ =	task.clear_ibuf [dreg:s7], $0x5FFFF;
	_ =	strace $0x9000004C  }
0x2a: {  	s29 =	simm.s32 $0x9;
	_ =	strace $0x8000004E  }
0x2b: {  	_ =	swait.ge [sflag:s29], $0x1  }
0x2c: {  	[sflag:s29] =	ssyncadd.s32 $0xFFFFFFFF  }
0x2d: {  	_ =	strace $0x9000004E  }
0x2e: {  	_ =	sfence  }
0x2f: {  	s30 =	sld [smem:$0x0];
	_ =	sdelay $0x2  }
0x30: {  	s31 =	sshll.u32 s1, $0xD;
	s1 =	sshrl.u32 s1, $0x2  }
0x31: {  	s3 =	sand.u32 $0x4000, s31;
	s1 =	sadd.s32 s1, s30  }
0x32: {  	s0 =	sor.u32 s3, s0;
	s1 =	sshll.u32 s1, $0x11  }
0x33: {  	s0 =	sor.u32 s1, s0  }
0x34: {  	s0 =	sadd.s32 $0x8F2B, s0  }
0x35: {  	[sflag:s0] =	ssyncadd.remote.s32 $0x1  }
0x36: {  	_ =	sfence.sel $0xFFFF  }
0x37: {  	[dreg:$0x0] =	wrdreg $0xFFFFFFFF;
	(pc) =	sbr.abs _section_cstart, $3  }
0x38: {  	[dreg:$0x1] =	wrdreg $0xFFFFFFFF  }
0x39: {  	_ =	task.clear_ibuf [dreg:s7], $0x2FFFF;
	_ =	strace $0x9FFFFFFF  }
0x3a: {  	(tm) =	ssettm $0x7FFFFFFF  }
0x3b: {  	_ =	shalt  }
tec
execute0_lowered:
.L_overlay_start_1:
0x0: {  	(tag) =	ssettag $0x1  }
0x1: {  	s0 =	srdreg.scid  }
0x2: {  	s1 =	sshll.u32 s0, $0x4  }
0x3: {  	s0 =	stileid.u32;
	s1 =	sand.u32 $0x10, s1  }
0x4: {  	s1 =	sor.u32 s0, s1  }
0x5: {  	s6 =	rddreg [dreg:$0x0];
	s4 =	simm.s32 $0x1;
	s2 =	sshll.u32 s1, $0x7  }
0x6: {  	s7 =	simm.s32 $0x2;
	s12 =	simm.s32 $0x0;
	s1 =	ssub.s32 $0x4000, s2  }
0x7: {  	s8 =	simm.s32 $0x20000;
	s13 =	simm.s32 $0x0;
	s3 =	sand.u32 $0xF80, s1  }
0x8: {  	s9 =	simm.s32 $0x0;
	s5 =	sshrl.u32 s1, $0xC;
	p0 =	sne.s32 s3, $0x0  }
.Ltmp0:
0x9: {  	s1 =	rddreg [dreg:$0x2];
	s4 =	simm.s32 @!p0 $0x0;
	(pc) =	sbr.rel .LBB1_1-.Ltmp0, $4  }
0xa: {  	s11 =	simm.s32 $0x0;
	s3 =	rddreg [dreg:$0x1];
	s5 =	sadd.s32 s4, s5  }
0xb: {  	_ =	strace $0x8000004D;
	s4 =	simm.s32 $0x1;
	s5 =	smul.u32 $0xC8, s5  }
0xc: {  	s6 =	sadd.s32 $0xE00, s6;
	s10 =	smov.u32 s2;
	[sflag:s4] =	ssyncpa.u1 $0x0  }
0xd: {  	p0 =	por $0x0, $0x0;
	[sflag:s7] =	ssyncpa.u1 $0x0;
	s7 =	sor.u32 $0x1, s5  }
.LBB1_4:
0xe: {  	s16 =	sshll.u32 s13, $0x3;
	s17 =	sand.u32 $0x78, s13  }
0xf: {  	s30 =	sand.u32 $0x1F800, s13;
	s12 =	sshll.u32 s12, $0x11;
	s16 =	sand.u32 $0x3C00, s16  }
0x10: {  	[tilespmem:s15+$0x810 ss:$0x81] =	vst.msk $0xffff, v2;
	s31 =	sand.u32 $0x7, s13;
	s16 =	sor.u32 s17, s16;
	s17 =	sadd.s32 s3, s30  }
0x11: {  	[tilespmem:s15+$0x1020 ss:$0x81] =	vst.msk $0xffff, v0;
	s13 =	sshll.u32 s31, $0x12;
	s12 =	sadd.s32 s12, s17;
	s16 =	sshrl.u32 s16, $0x3  }
0x12: {  	[tilespmem:s15+$0x0 ss:$0x81] =	vst.msk $0xffff, v1;
	s13 =	sor.u32 $0x400, s13;
	s12 =	sadd.s32 s16, s12  }
0x13: {  	[hbm4b:s12+s13] =	stream.strided.scatter [tilespmem:s14], [sflag:$0x2], $0x2000, s8, s13, $0x20;
	[tilespmem:$0x8080] =	vst v63  }
.LBB1_5:
0x14: {  	s14 =	sadd.s32 $0x1, s9  }
0x15: {  	s12 =	sadd.s32 $0x1000, s10;
	s16 =	smov.u32 s10;
	p2 =	sgt.s32 s14, $0xC7  }
0x16: {  	s16 =	smov.u32 @p2 s12  }
0x17: {  	s14 =	simm.s32 @p2 $0x0;
	p2 =	sgt.s32 s16, $0x3FFF  }
0x18: {  	s16 =	smov.u32 @p2 s2;
	p2 =	sne.s32 s11, s7  }
.Ltmp1:
0x19: {  	p1 =	slt.u32 s11, $0x2;
	(pc) =	sbr.rel @!p2 .LBB1_6-.Ltmp1, $4  }
0x1a: {  	s15 =	simm.s32 @!p1 $0x2  }
0x1b: {  	s13 =	smov.u32 s10;
	p0 =	por !p0, !p0;
	_ =	swait.ge @!p1 [sflag:s15], $0x2000  }
0x1c: {  	s12 =	smov.u32 s9;
	[sflag:s15] =	ssyncset.done @!p1 $0x0;
	s9 =	smov.u32 s14  }
0x1d: {  	s11 =	sadd.s32 $0x1, s11;
	[sflag:s15] =	ssyncadd.s32 @!p1 $0xFFFFE000;
	s10 =	smov.u32 s16  }
.LBB1_1:
0x1e: {  	p1 =	sge.u32 s11, s5  }
0x1f: {  	s14 =	sand.u32 @!p1 $0x1FFFFFF, s9  }
0x20: {  	s15 =	smulhi.u32 @!p1 $0x147AE15, s14;
	_ =	sdelay $0x1  }
0x21: {  	s15 =	smul.u32 @!p1 $0xC8, s15  }
0x22: {  	s16 =	sxor.u32 @!p1 $0xFFFFFFFF, s11;
	s17 =	smul.u32 @!p1 $0xC80, s10  }
0x23: {  	s31 =	sadd.s32 $0xFFFFFFFF, s11;
	s16 =	sshll.u32 @!p1 s16, $0xD;
	s14 =	ssub.s32 @!p1 s14, s15  }
0x24: {  	s15 =	sand.u32 @!p1 $0x2000, s16;
	s16 =	sadd.s32 @!p1 s6, s17;
	s14 =	sshll.u32 @!p1 s14, $0x4  }
0x25: {  	s17 =	simm.s32 @!p1 $0x6400;
	s14 =	sadd.s32 @!p1 s14, s16;
	s16 =	simm.s32 @!p1 $0x40  }
0x26: {  	[tilespmem:s15], [sflag:$0x1] =	stream.strided.gather @!p1 [hbm4b:s14+s16], $0x2000, s17, s16, $0x38;
	[tilespmem:$0x8080] =	vst v63  }
0x27: {  	p1 =	sge.u32 s31, s5  }
.Ltmp2:
0x28: {  	_ = 	snop;
	(pc) =	sbr.rel @p1 .LBB1_5-.Ltmp2, $1  }
0x29: {  	_ =	sdelay $0x3  }
0x2a: {  	s14 =	simm.s32 $0x1  }
0x2b: {  	_ =	swait.ge [sflag:s4], $0x2000;
	s14 =	simm.s32 @!p0 $0x0  }
0x2c: {  	[sflag:s4] =	ssyncset.done $0x0;
	s15 =	sshll.u32 s14, $0xD  }
0x2d: {  	[sflag:s4] =	ssyncadd.s32 $0xFFFFE000;
	s18 =	sor.u32 $0x20, s15  }
0x2e: {  	s14 =	smul.u32 $0x8100, s14;
	v3 =	vld [tilespmem:s18+$0x10]  }
0x2f: {  	s30 =	sand.u32 $0x1, s11;
	v2 =	vld [tilespmem:s18+$0xFFFFFFF0]  }
0x30: {  	s15 =	smul.u32 $0x8100, s30;
	s14 =	sshrl.u32 s14, $0x2;
	v0 =	vld [tilespmem:s18+$0x0]  }
0x31: {  	v1 =	vld [tilespmem:s18+$0xFFFFFFE0];
	s16 =	sor.u32 $0x4000, s14  }
0x32: {  	s31 =	sshrl.u32 s15, $0x2;
	s15 =	sadd.s32 $0x0, s16  }
0x33: {  	s17 =	simm.s32 $0x4;
	s18 =	sadd.s32 $0x40, s18;
	s14 =	sor.u32 $0x4000, s31;
	[tilespmem:s15+$0x1830 ss:$0x81] =	vst.msk $0xffff, v3  }
.LBB1_3:
0x34: {  	v3 =	vld [tilespmem:s18+$0x10];
	p1 =	sne.s32 s17, $0x1FC;
	[tilespmem:s15+$0x810 ss:$0x81] =	vst.msk $0xffff, v2;
	s19 =	smov.u32 s17;
	s17 =	sadd.s32 $0x4, s17  }
.Ltmp3:
0x35: {  	v2 =	vld [tilespmem:s18+$0xFFFFFFF0];
	[tilespmem:s15+$0x1020 ss:$0x81] =	vst.msk $0xffff, v0;
	(pc) =	sbr.rel @p1 .LBB1_3-.Ltmp3, $4  }
0x36: {  	v0 =	vld [tilespmem:s18+$0x0];
	[tilespmem:s15+$0x0 ss:$0x81] =	vst.msk $0xffff, v1  }
0x37: {  	s15 =	sshra.s32 s19, $0x2;
	v1 =	vld [tilespmem:s18+$0xFFFFFFE0]  }
0x38: {  	s15 =	sadd.s32 s15, s16  }
0x39: {  	s18 =	sadd.s32 $0x40, s18;
	[tilespmem:s15+$0x1830 ss:$0x81] =	vst.msk $0xffff, v3  }
.Ltmp4:
0x3a: {  	_ = 	snop;
	(pc) =	sbr.rel .LBB1_4-.Ltmp4, $1  }
0x3b: {  	_ =	sdelay $0x3  }
.LBB1_6:
0x3c: {  	_ =	sfence.sel $0x180000  }
0x3d: {  	s2 =	simm.s32 $0x1;
	[bflag:$0x0] =	sbarrier.arrive $0xFFFF  }
0x3e: {  	s31 =	simm.s32 $0x2;
	[sflag:s2] =	ssyncpa.u1 $0x1  }
0x3f: {  	[sflag:s31] =	ssyncpa.u1 $0x1  }
0x40: {  	p0 =	sne.s32 s0, $0x0;
	_ =	strace $0x9000004D  }
0x41: {  	s0 =	sadd.s32 @!p0 $0x100000, s1;
	[bflag:$0x2] =	sbarrier.arrive $0xFFFF  }
0x42: {  	[sflag:s0] =	ssyncadd.tile.s32 @!p0 $0x1;
	_ =	shalt  }
.Lfunc_end1:
_tile_overlayer_lowered:
.L_overlay_start_2:
0x43: {  	(tag) =	ssettag $0x2  }
0x44: {  	s0 =	rddreg [dreg:$0x0];
	s2 =	stileid.u32  }
0x45: {  	s1 =	rddreg [dreg:$0x1];
	p0 =	sne.s32 s2, $0x0  }
0x46: {  	s3 =	rddreg [dreg:$0x2];
	[bflag:$0x3] =	sbarrier.arrive $0xFFFF;
	s2 =	simm.s32 @!p0 $0x1C01  }
0x47: {  	[timem:s3], [sflag:s2] =	dma.local @!p0 [hbm:s0], s1  }
0x48: {  	s0 =	simm.s32 @!p0 $0x1  }
0x49: {  	_ =	swait.ge @!p0 [sflag:s0], s1  }
0x4a: {  	s1 =	ssub.s32 @!p0 $0x0, s1;
	[sflag:s0] =	ssyncset.done @!p0 $0x0  }
0x4b: {  	[sflag:s0] =	ssyncadd.s32 @!p0 s1  }
0x4c: {  	[bflag:$0x3] =	sbarrier.arrive $0xFFFF  }
0x4d: {  	_ =	shalt  }

</sc_bundles>
